<compile_context>
chip_gen: v7x
topology: tpu7x:2x2x1
jax: 0.10.2.dev20260603
libtpu: 0.0.44.dev20260713+nightly
codegen_flags: <defaults>
</compile_context>

<pallas_src>
import functools

import jax
import jax.numpy as jnp
from jax import lax
from jax.experimental import pallas as pl
from jax.experimental.pallas import tpu as pltpu
from jax.experimental.pallas import tpu_sc as plsc

B = 64
N = 1000
DIN = 128
DOUT = 128
EMB = 16
M = 64
K = 32

TN = 8


NW = 32
ROWS = B * M * K
RPW = ROWS // NW
CHUNK = 256


@functools.partial(
    pl.kernel,
    mesh=plsc.VectorSubcoreMesh(core_axis_name="c", subcore_axis_name="s"),
    out_type=[
        jax.ShapeDtypeStruct((ROWS, DIN), jnp.float32),
        jax.ShapeDtypeStruct((ROWS, DIN), jnp.float32),
    ],
    scratch_types=[
        pltpu.VMEM((CHUNK,), jnp.int32),
        pltpu.VMEM((CHUNK, DIN), jnp.float32),
        pltpu.VMEM((CHUNK, DIN), jnp.float32),
        pltpu.SemaphoreType.DMA,
        pltpu.SemaphoreType.DMA,
    ],
)
def _gather_sc(xflat, nvflat, gidx, selx, selnv, idx_v, rows_v, nv_v,
               sem1, sem2):
    sid = lax.axis_index("s")
    cid = lax.axis_index("c")
    base = (sid * 2 + cid) * RPW

    def body(ci, carry):
        off = base + ci * CHUNK
        pltpu.sync_copy(gidx.at[pl.ds(off, CHUNK)], idx_v)
        c1 = pltpu.async_copy(xflat.at[idx_v], rows_v, sem1)
        c2 = pltpu.async_copy(nvflat.at[idx_v], nv_v, sem2)
        c1.wait()
        c2.wait()
        pltpu.sync_copy(rows_v, selx.at[pl.ds(off, CHUNK)])
        pltpu.sync_copy(nv_v, selnv.at[pl.ds(off, CHUNK)])
        return carry

    lax.fori_loop(0, RPW // CHUNK, body, 0)



R_TOPK = B * M
RB = 256


def _topk_body(log_ref, idx_ref):
    lg = log_ref[...]
    s = lax.bitcast_convert_type(lg, jnp.int32)
    m = lax.shift_right_arithmetic(s, 31) & jnp.int32(0x7FFFFFFF)
    key = lax.bitcast_convert_type(s ^ m, jnp.uint32) ^ jnp.uint32(0x80000000)
    t = jnp.zeros((RB, 1), jnp.uint32)
    for bit in range(31, -1, -1):
        t2 = t | jnp.uint32(1 << bit)
        cnt = jnp.sum((key >= t2).astype(jnp.int32), axis=1, keepdims=True)
        t = jnp.where(cnt >= K, t2, t)
    strict = (key > t).astype(jnp.int32)
    ties = (key == t).astype(jnp.int32)
    iot = lax.broadcasted_iota(jnp.int32, (N, N), 0)
    jot = lax.broadcasted_iota(jnp.int32, (N, N), 1)
    tril = (jot <= iot).astype(jnp.float32)
    cum_t = lax.dot_general(ties.astype(jnp.float32), tril,
                            (((1,), (1,)), ((), ())),
                            preferred_element_type=jnp.float32)
    c1 = jnp.sum(strict, axis=1, keepdims=True)
    sel = strict + ties * (cum_t <= (K - c1).astype(jnp.float32)
                           ).astype(jnp.int32)
    cum = lax.dot_general(sel.astype(jnp.float32), tril,
                          (((1,), (1,)), ((), ())),
                          preferred_element_type=jnp.float32)
    for k in range(K):
        idx_ref[:, k] = jnp.sum((cum <= k).astype(jnp.int32), axis=1)


def _topk_tc(logits2d):
    return pl.pallas_call(
        _topk_body,
        grid=(R_TOPK // RB,),
        in_specs=[pl.BlockSpec((RB, N), lambda i: (i, 0))],
        out_specs=pl.BlockSpec((RB, K), lambda i: (i, 0)),
        out_shape=jax.ShapeDtypeStruct((R_TOPK, K), jnp.int32),
    )(logits2d)



def _front_body(x_ref, ne0_ref, f1w_ref, f1b_ref, f2w_ref, f2b_ref,
                f3w_ref, f3b_ref, sel_ref, nv_ref, log_ref):
    cdims = (((1,), (1,)), ((), ()))
    xb = x_ref[0]
    h1 = jax.nn.sigmoid(
        lax.dot_general(xb, f1w_ref[...], cdims,
                        preferred_element_type=jnp.float32) + f1b_ref[...])
    h2 = jax.nn.sigmoid(
        lax.dot_general(h1, f2w_ref[...], cdims,
                        preferred_element_type=jnp.float32) + f2b_ref[...])
    filt = lax.dot_general(h2, f3w_ref[...], cdims,
                           preferred_element_type=jnp.float32) + f3b_ref[...]
    nv = ne0_ref[...] * filt
    nv_ref[0] = jnp.concatenate(
        [nv, jnp.zeros((N, DIN - EMB), jnp.float32)], axis=1)
    log_ref[0] = lax.dot_general(sel_ref[...], nv, cdims,
                                 preferred_element_type=jnp.float32)


def _front(x, ne0, fc1_w, fc1_b, fc2_w, fc2_b, fc3_w, fc3_b, sel_emb):
    return pl.pallas_call(
        _front_body,
        grid=(B,),
        in_specs=[
            pl.BlockSpec((1, N, DIN), lambda b: (b, 0, 0)),
            pl.BlockSpec((N, EMB), lambda b: (0, 0)),
            pl.BlockSpec(fc1_w.shape, lambda b: (0, 0)),
            pl.BlockSpec((1, fc1_b.shape[0]), lambda b: (0, 0)),
            pl.BlockSpec(fc2_w.shape, lambda b: (0, 0)),
            pl.BlockSpec((1, fc2_b.shape[0]), lambda b: (0, 0)),
            pl.BlockSpec(fc3_w.shape, lambda b: (0, 0)),
            pl.BlockSpec((1, fc3_b.shape[0]), lambda b: (0, 0)),
            pl.BlockSpec((M, EMB), lambda b: (0, 0)),
        ],
        out_specs=[
            pl.BlockSpec((1, N, DIN), lambda b: (b, 0, 0)),
            pl.BlockSpec((1, M, N), lambda b: (b, 0, 0)),
        ],
        out_shape=[
            jax.ShapeDtypeStruct((B, N, DIN), jnp.float32),
            jax.ShapeDtypeStruct((B, M, N), jnp.float32),
        ],
    )(x, ne0, fc1_w, fc1_b[None, :], fc2_w, fc2_b[None, :],
      fc3_w, fc3_b[None, :], sel_emb)



def _outstage_body(ne1_ref, wpa_ref, wpb_ref, bp_ref, x_ref, xg2_ref, out_ref):
    ne1 = ne1_ref[...]
    wa = jnp.dot(ne1, wpa_ref[...], preferred_element_type=jnp.float32)
    wb = jnp.dot(ne1, wpb_ref[...], preferred_element_type=jnp.float32)
    bias = jnp.dot(ne1, bp_ref[...], preferred_element_type=jnp.float32)
    for n in range(TN):
        wan = wa[n].reshape(DIN, DOUT)
        wbn = wb[n].reshape(DIN, DOUT)
        r = (jnp.dot(x_ref[:, n, :], wan, preferred_element_type=jnp.float32)
             + jnp.dot(xg2_ref[:, n, :], wbn, preferred_element_type=jnp.float32)
             + bias[n][None, :])
        out_ref[:, n, :] = r


def _outstage(x, x_g2, ne1, weights_pool, bias_pool):
    wpa = weights_pool[:, 0].reshape(EMB, DIN * DOUT)
    wpb = weights_pool[:, 1].reshape(EMB, DIN * DOUT)
    return pl.pallas_call(
        _outstage_body,
        grid=(N // TN,),
        in_specs=[
            pl.BlockSpec((TN, EMB), lambda i: (i, 0)),
            pl.BlockSpec((EMB, DIN * DOUT), lambda i: (0, 0)),
            pl.BlockSpec((EMB, DIN * DOUT), lambda i: (0, 0)),
            pl.BlockSpec((EMB, DOUT), lambda i: (0, 0)),
            pl.BlockSpec((B, TN, DIN), lambda i: (0, i, 0)),
            pl.BlockSpec((B, TN, DIN), lambda i: (0, i, 0)),
        ],
        out_specs=pl.BlockSpec((B, TN, DOUT), lambda i: (0, i, 0)),
        out_shape=jax.ShapeDtypeStruct((B, N, DOUT), jnp.float32),
    )(ne1, wpa, wpb, bias_pool, x, x_g2)


def kernel(x, node_embeddings, fc1_w, fc1_b, fc2_w, fc2_b, fc3_w, fc3_b,
           weights_pool, bias_pool, sel_emb):
    B_, N_, DIN_ = x.shape
    nv_pad, logits = _front(x, node_embeddings[0], fc1_w, fc1_b,
                            fc2_w, fc2_b, fc3_w, fc3_b, sel_emb)
    logits2d = logits.reshape(R_TOPK, N_)
    indices = _topk_tc(logits2d).reshape(B_, M, K)

    gidx = (indices + (jnp.arange(B_, dtype=jnp.int32) * N_)[:, None, None]
            ).reshape(ROWS)
    selx_flat, selnv_flat = _gather_sc(
        x.reshape(B_ * N_, DIN_), nv_pad.reshape(B_ * N_, DIN_), gidx)
    sel_x = selx_flat.reshape(B_, M, K, DIN_)
    selected = selnv_flat.reshape(B_, M, K, DIN_)

    graph = jax.nn.relu(jnp.einsum('bmkd,bmjd->bmkj', selected, selected))
    d = jnp.sum(graph, axis=-1) ** (-0.5)
    L = graph * d[..., :, None] * d[..., None, :]

    node_new = jnp.einsum('bmkj,bmjd->bmkd', L, sel_x).reshape(B_, M * K, DIN_)
    idx_flat = indices.reshape(B_, M * K)
    b2 = jnp.broadcast_to(jnp.arange(B_)[:, None], idx_flat.shape)
    dict1 = jnp.zeros((B_, N_, DIN_), dtype=x.dtype).at[b2, idx_flat].add(node_new)
    counts = jnp.full((B_, N_), 1e-14, dtype=x.dtype).at[b2, idx_flat].add(1.0)
    x_g2 = dict1 / counts[..., None]

    return _outstage(x, x_g2, node_embeddings[1], weights_pool, bias_pool)

# --- scband reference (transcript-rebuilt; emitter-appended) ---
"""Pipeline reference for scband-dgcn-72988674228773 (READ-ONLY COPY).

The authoritative reference and input builder live on the scoring server;
editing this copy changes nothing except your own understanding.
"""

import jax, jax.numpy as jnp
import numpy as np

B = 64
N = 1000
DIN = 128
DOUT = 128
EMB = 16
M = 64   # memory_node
K = 32   # topk
HYP = 16
MID = 2
CHEB = 2


def setup_inputs(seed: int = 0) -> dict:
    key = jax.random.key(seed)
    ks = jax.random.split(key, 12)
    return {
        "x": jax.random.normal(ks[0], (B, N, DIN), dtype=jnp.float32),
        "node_embeddings": jax.random.normal(ks[1], (2, N, EMB), dtype=jnp.float32),
        "fc1_w": jax.random.normal(ks[2], (HYP, DIN), dtype=jnp.float32) * 0.05,
        "fc1_b": jnp.zeros((HYP,), dtype=jnp.float32),
        "fc2_w": jax.random.normal(ks[3], (MID, HYP), dtype=jnp.float32) * 0.1,
        "fc2_b": jnp.zeros((MID,), dtype=jnp.float32),
        "fc3_w": jax.random.normal(ks[4], (EMB, MID), dtype=jnp.float32) * 0.1,
        "fc3_b": jnp.zeros((EMB,), dtype=jnp.float32),
        "weights_pool": jax.random.normal(ks[5], (EMB, CHEB, DIN, DOUT), dtype=jnp.float32) * 0.02,
        "bias_pool": jax.random.normal(ks[6], (EMB, DOUT), dtype=jnp.float32) * 0.02,
        "sel_emb": jax.random.normal(ks[7], (M, EMB), dtype=jnp.float32),
    }


def reference(x, node_embeddings, fc1_w, fc1_b, fc2_w, fc2_b, fc3_w, fc3_b,
              weights_pool, bias_pool, sel_emb):
    B_, N_, DIN_ = x.shape
    # hyper filter MLP (fc): Linear -> sigmoid -> Linear -> sigmoid -> Linear
    h = jax.nn.sigmoid(jnp.einsum('bni,oi->bno', x, fc1_w) + fc1_b)
    h = jax.nn.sigmoid(jnp.einsum('bni,oi->bno', h, fc2_w) + fc2_b)
    filt = jnp.einsum('bni,oi->bno', h, fc3_w) + fc3_b            # [B,N,EMB]
    nodevec = node_embeddings[0] * filt                            # [B,N,EMB]

    # nodeselection: softmax similarity to memory nodes + topk
    supports2 = jax.nn.softmax(jnp.einsum('md,bnd->bmn', sel_emb, nodevec), axis=-1)  # [B,M,N]
    vals, indices = jax.lax.top_k(supports2, K)                    # [B,M,K] int32
    bidx = jnp.broadcast_to(jnp.arange(B_)[:, None, None], indices.shape)
    selected = nodevec[bidx, indices]                              # [B,M,K,EMB] gather

    # subgraph normalized laplacian
    graph = jax.nn.relu(jnp.einsum('bmkd,bmjd->bmkj', selected, selected))  # [B,M,K,K]
    d = jnp.sum(graph, axis=-1) ** (-0.5)                          # [B,M,K]
    L = graph * d[..., :, None] * d[..., None, :]                  # D @ G @ D

    # feature aggregation: gather, local matmul, scatter_add + count normalize
    sel_x = x[bidx, indices]                                       # [B,M,K,DIN] gather
    node_new = jnp.einsum('bmkj,bmjd->bmkd', L, sel_x).reshape(B_, M * K, DIN_)
    idx_flat = indices.reshape(B_, M * K)
    b2 = jnp.broadcast_to(jnp.arange(B_)[:, None], idx_flat.shape)
    dict1 = jnp.zeros((B_, N_, DIN_), dtype=x.dtype).at[b2, idx_flat].add(node_new)
    counts = jnp.full((B_, N_), 1e-14, dtype=x.dtype).at[b2, idx_flat].add(1.0)
    x_g2 = dict1 / counts[..., None]

    # chebyshev-style stack + adaptive weights
    x_g = jnp.stack([x, x_g2], axis=1)                             # [B,2,N,DIN]
    weights = jnp.einsum('nd,dkio->nkio', node_embeddings[1], weights_pool)
    bias = node_embeddings[1] @ bias_pool                          # [N,DOUT]
    x_g = jnp.transpose(x_g, (0, 2, 1, 3))                         # [B,N,2,DIN]
    out = jnp.einsum('bnki,nkio->bno', x_g, weights) + bias
    return out

if __name__ == "__main__":
    import jax
    _d = setup_inputs()
    print(jax.jit(kernel)(*tuple(_d.values())))

</pallas_src>

<mosaic_0001>
#map = affine_map<(d0, d1) -> (0, 0)>
#map1 = affine_map<(d0, d1) -> (0)>
module attributes {stable_mosaic.version = 14 : i64} {
  func.func @_gather_sc(%arg0: i32, %arg1: i32, %arg2: memref<64000x128xf32, #tpu.memory_space<hbm>>, %arg3: memref<64000x128xf32, #tpu.memory_space<hbm>>, %arg4: memref<131072xi32, #tpu.memory_space<hbm>>, %arg5: memref<131072x128xf32, #tpu.memory_space<hbm>>, %arg6: memref<131072x128xf32, #tpu.memory_space<hbm>>, %arg7: memref<256xi32, #tpu.memory_space<vmem>>, %arg8: memref<256x128xf32, #tpu.memory_space<vmem>>, %arg9: memref<256x128xf32, #tpu.memory_space<vmem>>, %arg10: memref<!tpu.dma_semaphore, #tpu.memory_space<semaphore_mem>>, %arg11: memref<!tpu.dma_semaphore, #tpu.memory_space<semaphore_mem>>) attributes {dimension_semantics = [#tpu.dimension_semantics<core_parallel>, #tpu.dimension_semantics<subcore_parallel>], iteration_bounds = array<i64: 2, 16>, scalar_prefetch = 0 : i64, scratch_operands = 5 : i64, tpu.core_type = #tpu.core_type<sc_vector_subcore>, window_params = [{transform_indices = #map}, {transform_indices = #map}, {transform_indices = #map1}, {transform_indices = #map}, {transform_indices = #map}]} {
    %mul3A = arith.constant 2 : i32
    %mul3A_0 = arith.muli %arg1, %mul3A : i32
    %add3A = arith.addi %mul3A_0, %arg0 : i32
    %mul3A_1 = arith.constant 4096 : i32
    %mul3A_2 = arith.muli %add3A, %mul3A_1 : i32
    %scan3A = arith.constant 0 : i32
    %scan3A_3 = arith.constant 0 : i32
    %scan3A_4 = arith.constant 16 : i32
    %scan3A_5 = arith.addi %scan3A_3, %scan3A_4 : i32
    %scan3A_6 = arith.constant 1 : i32
    scf.for %scan3A_8 = %scan3A_3 to %scan3A_5 step %scan3A_6  : i32 {
      %mul3A_9 = arith.constant 256 : i32
      %mul3A_10 = arith.muli %scan3A_8, %mul3A_9 : i32
      %add3A_11 = arith.addi %mul3A_2, %mul3A_10 : i32
      "tpu.region"() ({
        %run_scoped3A = tpu.sem_alloc : memref<!tpu.dma_semaphore, #tpu.memory_space<semaphore_mem>>
        %dma_start3A_22 = tpu.memref_slice %arg4[%add3A_11] : memref<131072xi32, #tpu.memory_space<hbm>> -> memref<256xi32, #tpu.memory_space<hbm>>
        %dma_start3A_23 = tpu.memref_slice %arg4[%add3A_11] : memref<131072xi32, #tpu.memory_space<hbm>> -> memref<256xi32, #tpu.memory_space<hbm>>
        tpu.enqueue_dma source(%dma_start3A_23 : memref<256xi32, #tpu.memory_space<hbm>>) target(%arg7 : memref<256xi32, #tpu.memory_space<vmem>>) target_semaphore(%run_scoped3A : memref<!tpu.dma_semaphore, #tpu.memory_space<semaphore_mem>>)
        %dma_wait3A_24 = tpu.memref_slice %arg4[%add3A_11] : memref<131072xi32, #tpu.memory_space<hbm>> -> memref<256xi32, #tpu.memory_space<hbm>>
        %dma_wait3A_25 = tpu.memref_slice %arg4[%add3A_11] : memref<131072xi32, #tpu.memory_space<hbm>> -> memref<256xi32, #tpu.memory_space<hbm>>
        tpu.wait_dma2 semaphore(%run_scoped3A : memref<!tpu.dma_semaphore, #tpu.memory_space<semaphore_mem>>) src(%dma_wait3A_25 : memref<256xi32, #tpu.memory_space<hbm>>) dst(%arg7 : memref<256xi32, #tpu.memory_space<vmem>>)
        tpu.yield
      }) : () -> ()
      %dma_start3A = arith.constant 0 : i32
      %dma_start3A_12 = arith.constant 0 : i32
      %dma_start3A_13 = tpu.memref_slice %arg2[%dma_start3A, %dma_start3A_12] : memref<64000x128xf32, #tpu.memory_space<hbm>> -> memref<64000x128xf32, #tpu.memory_space<hbm>>
      tpu.enqueue_indirect_dma source(%dma_start3A_13 : memref<64000x128xf32, #tpu.memory_space<hbm>>) target(%arg8 : memref<256x128xf32, #tpu.memory_space<vmem>>) offsets(%arg7 : memref<256xi32, #tpu.memory_space<vmem>>) semaphore(%arg10 : memref<!tpu.dma_semaphore, #tpu.memory_space<semaphore_mem>>)
      %dma_start3A_14 = arith.constant 0 : i32
      %dma_start3A_15 = arith.constant 0 : i32
      %dma_start3A_16 = tpu.memref_slice %arg3[%dma_start3A_14, %dma_start3A_15] : memref<64000x128xf32, #tpu.memory_space<hbm>> -> memref<64000x128xf32, #tpu.memory_space<hbm>>
      tpu.enqueue_indirect_dma source(%dma_start3A_16 : memref<64000x128xf32, #tpu.memory_space<hbm>>) target(%arg9 : memref<256x128xf32, #tpu.memory_space<vmem>>) offsets(%arg7 : memref<256xi32, #tpu.memory_space<vmem>>) semaphore(%arg11 : memref<!tpu.dma_semaphore, #tpu.memory_space<semaphore_mem>>)
      %dma_wait3A = arith.constant 0 : i32
      %dma_wait3A_17 = arith.constant 0 : i32
      %dma_wait3A_18 = tpu.memref_slice %arg2[%dma_wait3A, %dma_wait3A_17] : memref<64000x128xf32, #tpu.memory_space<hbm>> -> memref<64000x128xf32, #tpu.memory_space<hbm>>
      tpu.wait_indirect_dma semaphore(%arg10 : memref<!tpu.dma_semaphore, #tpu.memory_space<semaphore_mem>>) src(%dma_wait3A_18 : memref<64000x128xf32, #tpu.memory_space<hbm>>) dst(%arg8 : memref<256x128xf32, #tpu.memory_space<vmem>>)
      %dma_wait3A_19 = arith.constant 0 : i32
      %dma_wait3A_20 = arith.constant 0 : i32
      %dma_wait3A_21 = tpu.memref_slice %arg3[%dma_wait3A_19, %dma_wait3A_20] : memref<64000x128xf32, #tpu.memory_space<hbm>> -> memref<64000x128xf32, #tpu.memory_space<hbm>>
      tpu.wait_indirect_dma semaphore(%arg11 : memref<!tpu.dma_semaphore, #tpu.memory_space<semaphore_mem>>) src(%dma_wait3A_21 : memref<64000x128xf32, #tpu.memory_space<hbm>>) dst(%arg9 : memref<256x128xf32, #tpu.memory_space<vmem>>)
      "tpu.region"() ({
        %run_scoped3A = tpu.sem_alloc : memref<!tpu.dma_semaphore, #tpu.memory_space<semaphore_mem>>
        %dma_start3A_22 = arith.constant 0 : i32
        %dma_start3A_23 = tpu.memref_slice %arg5[%add3A_11, %dma_start3A_22] : memref<131072x128xf32, #tpu.memory_space<hbm>> -> memref<256x128xf32, #tpu.memory_space<hbm>>
        %dma_start3A_24 = arith.constant 0 : i32
        %dma_start3A_25 = tpu.memref_slice %arg5[%add3A_11, %dma_start3A_24] : memref<131072x128xf32, #tpu.memory_space<hbm>> -> memref<256x128xf32, #tpu.memory_space<hbm>>
        tpu.enqueue_dma source(%arg8 : memref<256x128xf32, #tpu.memory_space<vmem>>) target(%dma_start3A_25 : memref<256x128xf32, #tpu.memory_space<hbm>>) target_semaphore(%run_scoped3A : memref<!tpu.dma_semaphore, #tpu.memory_space<semaphore_mem>>)
        %dma_wait3A_26 = arith.constant 0 : i32
        %dma_wait3A_27 = tpu.memref_slice %arg5[%add3A_11, %dma_wait3A_26] : memref<131072x128xf32, #tpu.memory_space<hbm>> -> memref<256x128xf32, #tpu.memory_space<hbm>>
        %dma_wait3A_28 = arith.constant 0 : i32
        %dma_wait3A_29 = tpu.memref_slice %arg5[%add3A_11, %dma_wait3A_28] : memref<131072x128xf32, #tpu.memory_space<hbm>> -> memref<256x128xf32, #tpu.memory_space<hbm>>
        tpu.wait_dma2 semaphore(%run_scoped3A : memref<!tpu.dma_semaphore, #tpu.memory_space<semaphore_mem>>) src(%arg8 : memref<256x128xf32, #tpu.memory_space<vmem>>) dst(%dma_wait3A_29 : memref<256x128xf32, #tpu.memory_space<hbm>>)
        tpu.yield
      }) : () -> ()
      "tpu.region"() ({
        %run_scoped3A = tpu.sem_alloc : memref<!tpu.dma_semaphore, #tpu.memory_space<semaphore_mem>>
        %dma_start3A_22 = arith.constant 0 : i32
        %dma_start3A_23 = tpu.memref_slice %arg6[%add3A_11, %dma_start3A_22] : memref<131072x128xf32, #tpu.memory_space<hbm>> -> memref<256x128xf32, #tpu.memory_space<hbm>>
        %dma_start3A_24 = arith.constant 0 : i32
        %dma_start3A_25 = tpu.memref_slice %arg6[%add3A_11, %dma_start3A_24] : memref<131072x128xf32, #tpu.memory_space<hbm>> -> memref<256x128xf32, #tpu.memory_space<hbm>>
        tpu.enqueue_dma source(%arg9 : memref<256x128xf32, #tpu.memory_space<vmem>>) target(%dma_start3A_25 : memref<256x128xf32, #tpu.memory_space<hbm>>) target_semaphore(%run_scoped3A : memref<!tpu.dma_semaphore, #tpu.memory_space<semaphore_mem>>)
        %dma_wait3A_26 = arith.constant 0 : i32
        %dma_wait3A_27 = tpu.memref_slice %arg6[%add3A_11, %dma_wait3A_26] : memref<131072x128xf32, #tpu.memory_space<hbm>> -> memref<256x128xf32, #tpu.memory_space<hbm>>
        %dma_wait3A_28 = arith.constant 0 : i32
        %dma_wait3A_29 = tpu.memref_slice %arg6[%add3A_11, %dma_wait3A_28] : memref<131072x128xf32, #tpu.memory_space<hbm>> -> memref<256x128xf32, #tpu.memory_space<hbm>>
        tpu.wait_dma2 semaphore(%run_scoped3A : memref<!tpu.dma_semaphore, #tpu.memory_space<semaphore_mem>>) src(%arg9 : memref<256x128xf32, #tpu.memory_space<vmem>>) dst(%dma_wait3A_29 : memref<256x128xf32, #tpu.memory_space<hbm>>)
        tpu.yield
      }) : () -> ()
    }
    %scan3A_7 = arith.constant 16 : i32
    return
  }
}

module attributes {stable_mosaic.version = 14 : i64} {
  func.func @_front_body(%arg0: i32, %arg1: memref<1x1000x128xf32, #tpu.memory_space<vmem>>, %arg2: memref<1000x16xf32, #tpu.memory_space<vmem>>, %arg3: memref<16x128xf32, #tpu.memory_space<vmem>>, %arg4: memref<1x16xf32, #tpu.memory_space<vmem>>, %arg5: memref<2x16xf32, #tpu.memory_space<vmem>>, %arg6: memref<1x2xf32, #tpu.memory_space<vmem>>, %arg7: memref<16x2xf32, #tpu.memory_space<vmem>>, %arg8: memref<1x16xf32, #tpu.memory_space<vmem>>, %arg9: memref<64x16xf32, #tpu.memory_space<vmem>>, %arg10: memref<1x1000x128xf32, #tpu.memory_space<vmem>>, %arg11: memref<1x64x1000xf32, #tpu.memory_space<vmem>>) attributes {dimension_semantics = [#tpu.dimension_semantics<arbitrary>], iteration_bounds = array<i64: 64>, scalar_prefetch = 0 : i64, scratch_operands = 0 : i64, tpu.core_type = #tpu.core_type<tc>, window_params = [{transform_indices = @transform_0, window_bounds = array<i64: 1, 1000, 128>}, {pipeline_mode = #tpu.pipeline_mode<synchronous>, transform_indices = @transform_1, window_bounds = array<i64: 1000, 16>}, {pipeline_mode = #tpu.pipeline_mode<synchronous>, transform_indices = @transform_2, window_bounds = array<i64: 16, 128>}, {pipeline_mode = #tpu.pipeline_mode<synchronous>, transform_indices = @transform_3, window_bounds = array<i64: 1, 16>}, {pipeline_mode = #tpu.pipeline_mode<synchronous>, transform_indices = @transform_4, window_bounds = array<i64: 2, 16>}, {pipeline_mode = #tpu.pipeline_mode<synchronous>, transform_indices = @transform_5, window_bounds = array<i64: 1, 2>}, {pipeline_mode = #tpu.pipeline_mode<synchronous>, transform_indices = @transform_6, window_bounds = array<i64: 16, 2>}, {pipeline_mode = #tpu.pipeline_mode<synchronous>, transform_indices = @transform_7, window_bounds = array<i64: 1, 16>}, {pipeline_mode = #tpu.pipeline_mode<synchronous>, transform_indices = @transform_8, window_bounds = array<i64: 64, 16>}, {transform_indices = @transform_9, window_bounds = array<i64: 1, 1000, 128>}, {transform_indices = @transform_10, window_bounds = array<i64: 1, 64, 1000>}]} {
    %get3A = arith.constant 0 : index
    %get3A_0 = arith.constant 0 : index
    %get3A_1 = arith.constant 0 : index
    %get3A_2 = vector.load %arg1[%get3A, %get3A_0, %get3A_1] : memref<1x1000x128xf32, #tpu.memory_space<vmem>>, vector<1x1000x128xf32>
    %get3A_3 = vector.shape_cast %get3A_2 : vector<1x1000x128xf32> to vector<1000x128xf32>
    %get3A_4 = arith.constant 0 : index
    %get3A_5 = arith.constant 0 : index
    %get3A_6 = vector.load %arg3[%get3A_4, %get3A_5] : memref<16x128xf32, #tpu.memory_space<vmem>>, vector<16x128xf32>
    %dot_general3A = arith.constant dense<0.000000e+00> : vector<1000x16xf32>
    %dot_general3A_7 = tpu.matmul %get3A_3, %get3A_6, %dot_general3A {dimension_numbers = #tpu.dot_dimension_numbers<[1], [1], [0], [0], [0, 0, 1, 0], [], []>, transpose_lhs_hint = false} : vector<1000x128xf32>, vector<16x128xf32>, vector<1000x16xf32> -> vector<1000x16xf32>
    %get3A_8 = arith.constant 0 : index
    %get3A_9 = arith.constant 0 : index
    %get3A_10 = vector.load %arg4[%get3A_8, %get3A_9] : memref<1x16xf32, #tpu.memory_space<vmem>>, vector<1x16xf32>
    %add3A = vector.broadcast %get3A_10 : vector<1x16xf32> to vector<1000x16xf32>
    %add3A_11 = arith.addf %dot_general3A_7, %add3A : vector<1000x16xf32>
    %logistic3A = arith.negf %add3A_11 : vector<1000x16xf32>
    %logistic3A_12 = math.exp %logistic3A : vector<1000x16xf32>
    %logistic3A_13 = arith.constant 1.000000e+00 : f32
    %logistic3A_14 = vector.broadcast %logistic3A_13 : f32 to vector<1000x16xf32>
    %logistic3A_15 = arith.addf %logistic3A_14, %logistic3A_12 : vector<1000x16xf32>
    %logistic3A_16 = arith.divf %logistic3A_14, %logistic3A_15 : vector<1000x16xf32>
    %get3A_17 = arith.constant 0 : index
    %get3A_18 = arith.constant 0 : index
    %get3A_19 = vector.load %arg5[%get3A_17, %get3A_18] : memref<2x16xf32, #tpu.memory_space<vmem>>, vector<2x16xf32>
    %dot_general3A_20 = arith.constant dense<0.000000e+00> : vector<1000x2xf32>
    %dot_general3A_21 = tpu.matmul %logistic3A_16, %get3A_19, %dot_general3A_20 {dimension_numbers = #tpu.dot_dimension_numbers<[1], [1], [0], [0], [0, 0, 1, 0], [], []>, transpose_lhs_hint = false} : vector<1000x16xf32>, vector<2x16xf32>, vector<1000x2xf32> -> vector<1000x2xf32>
    %get3A_22 = arith.constant 0 : index
    %get3A_23 = arith.constant 0 : index
    %get3A_24 = vector.load %arg6[%get3A_22, %get3A_23] : memref<1x2xf32, #tpu.memory_space<vmem>>, vector<1x2xf32>
    %add3A_25 = vector.broadcast %get3A_24 : vector<1x2xf32> to vector<1000x2xf32>
    %add3A_26 = arith.addf %dot_general3A_21, %add3A_25 : vector<1000x2xf32>
    %logistic3A_27 = arith.negf %add3A_26 : vector<1000x2xf32>
    %logistic3A_28 = math.exp %logistic3A_27 : vector<1000x2xf32>
    %logistic3A_29 = arith.constant 1.000000e+00 : f32
    %logistic3A_30 = vector.broadcast %logistic3A_29 : f32 to vector<1000x2xf32>
    %logistic3A_31 = arith.addf %logistic3A_30, %logistic3A_28 : vector<1000x2xf32>
    %logistic3A_32 = arith.divf %logistic3A_30, %logistic3A_31 : vector<1000x2xf32>
    %get3A_33 = arith.constant 0 : index
    %get3A_34 = arith.constant 0 : index
    %get3A_35 = vector.load %arg7[%get3A_33, %get3A_34] : memref<16x2xf32, #tpu.memory_space<vmem>>, vector<16x2xf32>
    %dot_general3A_36 = arith.constant dense<0.000000e+00> : vector<1000x16xf32>
    %dot_general3A_37 = tpu.matmul %logistic3A_32, %get3A_35, %dot_general3A_36 {dimension_numbers = #tpu.dot_dimension_numbers<[1], [1], [0], [0], [0, 0, 1, 0], [], []>, transpose_lhs_hint = false} : vector<1000x2xf32>, vector<16x2xf32>, vector<1000x16xf32> -> vector<1000x16xf32>
    %get3A_38 = arith.constant 0 : index
    %get3A_39 = arith.constant 0 : index
    %get3A_40 = vector.load %arg8[%get3A_38, %get3A_39] : memref<1x16xf32, #tpu.memory_space<vmem>>, vector<1x16xf32>
    %add3A_41 = vector.broadcast %get3A_40 : vector<1x16xf32> to vector<1000x16xf32>
    %add3A_42 = arith.addf %dot_general3A_37, %add3A_41 : vector<1000x16xf32>
    %get3A_43 = arith.constant 0 : index
    %get3A_44 = arith.constant 0 : index
    %get3A_45 = vector.load %arg2[%get3A_43, %get3A_44] : memref<1000x16xf32, #tpu.memory_space<vmem>>, vector<1000x16xf32>
    %mul3A = arith.mulf %get3A_45, %add3A_42 : vector<1000x16xf32>
    %broadcast_in_dim3A = arith.constant 0.000000e+00 : f32
    %broadcast_in_dim3A_46 = vector.broadcast %broadcast_in_dim3A : f32 to vector<1000x112xf32>
    %concatenate3A = tpu.concatenate %mul3A, %broadcast_in_dim3A_46 in 1 : vector<1000x16xf32>, vector<1000x112xf32> -> vector<1000x128xf32>
    %swap3A = arith.constant 0 : index
    %swap3A_47 = arith.constant 0 : index
    %swap3A_48 = arith.constant 0 : index
    %swap3A_49 = vector.load %arg10[%swap3A, %swap3A_47, %swap3A_48] : memref<1x1000x128xf32, #tpu.memory_space<vmem>>, vector<1x1000x128xf32>
    %swap3A_50 = vector.shape_cast %swap3A_49 : vector<1x1000x128xf32> to vector<1000x128xf32>
    %swap3A_51 = vector.shape_cast %concatenate3A : vector<1000x128xf32> to vector<1x1000x128xf32>
    tpu.vector_store %arg10[%swap3A, %swap3A_47, %swap3A_48], %swap3A_51 {strides = array<i32>} : memref<1x1000x128xf32, #tpu.memory_space<vmem>>, vector<1x1000x128xf32>,
    %get3A_52 = arith.constant 0 : index
    %get3A_53 = arith.constant 0 : index
    %get3A_54 = vector.load %arg9[%get3A_52, %get3A_53] : memref<64x16xf32, #tpu.memory_space<vmem>>, vector<64x16xf32>
    %dot_general3A_55 = arith.constant dense<0.000000e+00> : vector<64x1000xf32>
    %dot_general3A_56 = tpu.matmul %get3A_54, %mul3A, %dot_general3A_55 {dimension_numbers = #tpu.dot_dimension_numbers<[1], [1], [0], [0], [0, 0, 1, 0], [], []>, transpose_lhs_hint = false} : vector<64x16xf32>, vector<1000x16xf32>, vector<64x1000xf32> -> vector<64x1000xf32>
    %swap3A_57 = arith.constant 0 : index
    %swap3A_58 = arith.constant 0 : index
    %swap3A_59 = arith.constant 0 : index
    %swap3A_60 = vector.load %arg11[%swap3A_57, %swap3A_58, %swap3A_59] : memref<1x64x1000xf32, #tpu.memory_space<vmem>>, vector<1x64x1000xf32>
    %swap3A_61 = vector.shape_cast %swap3A_60 : vector<1x64x1000xf32> to vector<64x1000xf32>
    %swap3A_62 = vector.shape_cast %dot_general3A_56 : vector<64x1000xf32> to vector<1x64x1000xf32>
    tpu.vector_store %arg11[%swap3A_57, %swap3A_58, %swap3A_59], %swap3A_62 {strides = array<i32>} : memref<1x64x1000xf32, #tpu.memory_space<vmem>>, vector<1x64x1000xf32>,
    return
  }
  func.func @transform_0(%arg0: i32) -> (i32, i32, i32) {
    %c0_i32 = arith.constant 0 : i32
    %c0_i32_0 = arith.constant 0 : i32
    %c0_i32_1 = arith.constant 0 : i32
    return %arg0, %c0_i32, %c0_i32_0 : i32, i32, i32
  }
  func.func @transform_1(%arg0: i32) -> (i32, i32) {
    %c0_i32 = arith.constant 0 : i32
    %c0_i32_0 = arith.constant 0 : i32
    %c0_i32_1 = arith.constant 0 : i32
    return %c0_i32, %c0_i32_0 : i32, i32
  }
  func.func @transform_2(%arg0: i32) -> (i32, i32) {
    %c0_i32 = arith.constant 0 : i32
    %c0_i32_0 = arith.constant 0 : i32
    %c0_i32_1 = arith.constant 0 : i32
    return %c0_i32, %c0_i32_0 : i32, i32
  }
  func.func @transform_3(%arg0: i32) -> (i32, i32) {
    %c0_i32 = arith.constant 0 : i32
    %c0_i32_0 = arith.constant 0 : i32
    %c0_i32_1 = arith.constant 0 : i32
    return %c0_i32, %c0_i32_0 : i32, i32
  }
  func.func @transform_4(%arg0: i32) -> (i32, i32) {
    %c0_i32 = arith.constant 0 : i32
    %c0_i32_0 = arith.constant 0 : i32
    %c0_i32_1 = arith.constant 0 : i32
    return %c0_i32, %c0_i32_0 : i32, i32
  }
  func.func @transform_5(%arg0: i32) -> (i32, i32) {
    %c0_i32 = arith.constant 0 : i32
    %c0_i32_0 = arith.constant 0 : i32
    %c0_i32_1 = arith.constant 0 : i32
    return %c0_i32, %c0_i32_0 : i32, i32
  }
  func.func @transform_6(%arg0: i32) -> (i32, i32) {
    %c0_i32 = arith.constant 0 : i32
    %c0_i32_0 = arith.constant 0 : i32
    %c0_i32_1 = arith.constant 0 : i32
    return %c0_i32, %c0_i32_0 : i32, i32
  }
  func.func @transform_7(%arg0: i32) -> (i32, i32) {
    %c0_i32 = arith.constant 0 : i32
    %c0_i32_0 = arith.constant 0 : i32
    %c0_i32_1 = arith.constant 0 : i32
    return %c0_i32, %c0_i32_0 : i32, i32
  }
  func.func @transform_8(%arg0: i32) -> (i32, i32) {
    %c0_i32 = arith.constant 0 : i32
    %c0_i32_0 = arith.constant 0 : i32
    %c0_i32_1 = arith.constant 0 : i32
    return %c0_i32, %c0_i32_0 : i32, i32
  }
  func.func @transform_9(%arg0: i32) -> (i32, i32, i32) {
    %c0_i32 = arith.constant 0 : i32
    %c0_i32_0 = arith.constant 0 : i32
    %c0_i32_1 = arith.constant 0 : i32
    return %arg0, %c0_i32, %c0_i32_0 : i32, i32, i32
  }
  func.func @transform_10(%arg0: i32) -> (i32, i32, i32) {
    %c0_i32 = arith.constant 0 : i32
    %c0_i32_0 = arith.constant 0 : i32
    %c0_i32_1 = arith.constant 0 : i32
    return %arg0, %c0_i32, %c0_i32_0 : i32, i32, i32
  }
}

module attributes {stable_mosaic.version = 14 : i64} {
  func.func @_topk_body(%arg0: i32, %arg1: memref<256x1000xf32, #tpu.memory_space<vmem>>, %arg2: memref<256x32xi32, #tpu.memory_space<vmem>>) attributes {dimension_semantics = [#tpu.dimension_semantics<arbitrary>], iteration_bounds = array<i64: 16>, scalar_prefetch = 0 : i64, scratch_operands = 0 : i64, tpu.core_type = #tpu.core_type<tc>, window_params = [{transform_indices = @transform_0, window_bounds = array<i64: 256, 1000>}, {transform_indices = @transform_1, window_bounds = array<i64: 256, 32>}]} {
    %get3A = arith.constant 0 : index
    %get3A_0 = arith.constant 0 : index
    %get3A_1 = vector.load %arg1[%get3A, %get3A_0] : memref<256x1000xf32, #tpu.memory_space<vmem>>, vector<256x1000xf32>
    %bitcast_convert_type3A = tpu.bitcast %get3A_1 : vector<256x1000xf32> -> vector<256x1000xi32>
    %shift_right_arithmetic3A = arith.constant 31 : i32
    %shift_right_arithmetic3A_2 = vector.broadcast %shift_right_arithmetic3A : i32 to vector<256x1000xi32>
    %shift_right_arithmetic3A_3 = arith.shrsi %bitcast_convert_type3A, %shift_right_arithmetic3A_2 : vector<256x1000xi32>
    %and3A = arith.constant 2147483647 : i32
    %and3A_4 = vector.broadcast %and3A : i32 to vector<256x1000xi32>
    %and3A_5 = arith.andi %shift_right_arithmetic3A_3, %and3A_4 : vector<256x1000xi32>
    %xor3A = arith.xori %bitcast_convert_type3A, %and3A_5 : vector<256x1000xi32>
    %bitcast_convert_type3A_6 = tpu.bitcast %xor3A : vector<256x1000xi32> -> vector<256x1000xi32>
    %xor3A_7 = arith.constant -2147483648 : i32
    %xor3A_8 = vector.broadcast %xor3A_7 : i32 to vector<256x1000xi32>
    %xor3A_9 = arith.xori %bitcast_convert_type3A_6, %xor3A_8 : vector<256x1000xi32>
    %broadcast_in_dim3A = arith.constant 0 : i32
    %broadcast_in_dim3A_10 = vector.broadcast %broadcast_in_dim3A : i32 to vector<256x1xi32>
    %or3A = arith.constant -2147483648 : i32
    %or3A_11 = vector.broadcast %or3A : i32 to vector<256x1xi32>
    %or3A_12 = arith.ori %broadcast_in_dim3A_10, %or3A_11 : vector<256x1xi32>
    %ge3A = vector.broadcast %or3A_12 : vector<256x1xi32> to vector<256x1000xi32>
    %ge3A_13 = arith.cmpi uge, %xor3A_9, %ge3A : vector<256x1000xi32>
    %convert_element_type3A = arith.extui %ge3A_13 : vector<256x1000xi1> to vector<256x1000xi32>
    %reduce_sum3A = arith.constant dense<0> : vector<256xi32>
    %reduce_sum3A_14 = vector.multi_reduction <add>, %convert_element_type3A, %reduce_sum3A [1] : vector<256x1000xi32> to vector<256xi32>
    %broadcast_in_dim3A_15 = vector.shape_cast %reduce_sum3A_14 : vector<256xi32> to vector<256x1xi32>
    %ge3A_16 = arith.constant 32 : i32
    %ge3A_17 = vector.broadcast %ge3A_16 : i32 to vector<256x1xi32>
    %ge3A_18 = arith.cmpi sge, %broadcast_in_dim3A_15, %ge3A_17 : vector<256x1xi32>
    %select_n3A = arith.select %ge3A_18, %or3A_12, %broadcast_in_dim3A_10 : vector<256x1xi1>, vector<256x1xi32>
    %or3A_19 = arith.constant 1073741824 : i32
    %or3A_20 = vector.broadcast %or3A_19 : i32 to vector<256x1xi32>
    %or3A_21 = arith.ori %select_n3A, %or3A_20 : vector<256x1xi32>
    %ge3A_22 = vector.broadcast %or3A_21 : vector<256x1xi32> to vector<256x1000xi32>
    %ge3A_23 = arith.cmpi uge, %xor3A_9, %ge3A_22 : vector<256x1000xi32>
    %convert_element_type3A_24 = arith.extui %ge3A_23 : vector<256x1000xi1> to vector<256x1000xi32>
    %reduce_sum3A_25 = arith.constant dense<0> : vector<256xi32>
    %reduce_sum3A_26 = vector.multi_reduction <add>, %convert_element_type3A_24, %reduce_sum3A_25 [1] : vector<256x1000xi32> to vector<256xi32>
    %broadcast_in_dim3A_27 = vector.shape_cast %reduce_sum3A_26 : vector<256xi32> to vector<256x1xi32>
    %ge3A_28 = arith.constant 32 : i32
    %ge3A_29 = vector.broadcast %ge3A_28 : i32 to vector<256x1xi32>
    %ge3A_30 = arith.cmpi sge, %broadcast_in_dim3A_27, %ge3A_29 : vector<256x1xi32>
    %select_n3A_31 = arith.select %ge3A_30, %or3A_21, %select_n3A : vector<256x1xi1>, vector<256x1xi32>
    %or3A_32 = arith.constant 536870912 : i32
    %or3A_33 = vector.broadcast %or3A_32 : i32 to vector<256x1xi32>
    %or3A_34 = arith.ori %select_n3A_31, %or3A_33 : vector<256x1xi32>
    %ge3A_35 = vector.broadcast %or3A_34 : vector<256x1xi32> to vector<256x1000xi32>
    %ge3A_36 = arith.cmpi uge, %xor3A_9, %ge3A_35 : vector<256x1000xi32>
    %convert_element_type3A_37 = arith.extui %ge3A_36 : vector<256x1000xi1> to vector<256x1000xi32>
    %reduce_sum3A_38 = arith.constant dense<0> : vector<256xi32>
    %reduce_sum3A_39 = vector.multi_reduction <add>, %convert_element_type3A_37, %reduce_sum3A_38 [1] : vector<256x1000xi32> to vector<256xi32>
    %broadcast_in_dim3A_40 = vector.shape_cast %reduce_sum3A_39 : vector<256xi32> to vector<256x1xi32>
    %ge3A_41 = arith.constant 32 : i32
    %ge3A_42 = vector.broadcast %ge3A_41 : i32 to vector<256x1xi32>
    %ge3A_43 = arith.cmpi sge, %broadcast_in_dim3A_40, %ge3A_42 : vector<256x1xi32>
    %select_n3A_44 = arith.select %ge3A_43, %or3A_34, %select_n3A_31 : vector<256x1xi1>, vector<256x1xi32>
    %or3A_45 = arith.constant 268435456 : i32
    %or3A_46 = vector.broadcast %or3A_45 : i32 to vector<256x1xi32>
    %or3A_47 = arith.ori %select_n3A_44, %or3A_46 : vector<256x1xi32>
    %ge3A_48 = vector.broadcast %or3A_47 : vector<256x1xi32> to vector<256x1000xi32>
    %ge3A_49 = arith.cmpi uge, %xor3A_9, %ge3A_48 : vector<256x1000xi32>
    %convert_element_type3A_50 = arith.extui %ge3A_49 : vector<256x1000xi1> to vector<256x1000xi32>
    %reduce_sum3A_51 = arith.constant dense<0> : vector<256xi32>
    %reduce_sum3A_52 = vector.multi_reduction <add>, %convert_element_type3A_50, %reduce_sum3A_51 [1] : vector<256x1000xi32> to vector<256xi32>
    %broadcast_in_dim3A_53 = vector.shape_cast %reduce_sum3A_52 : vector<256xi32> to vector<256x1xi32>
    %ge3A_54 = arith.constant 32 : i32
    %ge3A_55 = vector.broadcast %ge3A_54 : i32 to vector<256x1xi32>
    %ge3A_56 = arith.cmpi sge, %broadcast_in_dim3A_53, %ge3A_55 : vector<256x1xi32>
    %select_n3A_57 = arith.select %ge3A_56, %or3A_47, %select_n3A_44 : vector<256x1xi1>, vector<256x1xi32>
    %or3A_58 = arith.constant 134217728 : i32
    %or3A_59 = vector.broadcast %or3A_58 : i32 to vector<256x1xi32>
    %or3A_60 = arith.ori %select_n3A_57, %or3A_59 : vector<256x1xi32>
    %ge3A_61 = vector.broadcast %or3A_60 : vector<256x1xi32> to vector<256x1000xi32>
    %ge3A_62 = arith.cmpi uge, %xor3A_9, %ge3A_61 : vector<256x1000xi32>
    %convert_element_type3A_63 = arith.extui %ge3A_62 : vector<256x1000xi1> to vector<256x1000xi32>
    %reduce_sum3A_64 = arith.constant dense<0> : vector<256xi32>
    %reduce_sum3A_65 = vector.multi_reduction <add>, %convert_element_type3A_63, %reduce_sum3A_64 [1] : vector<256x1000xi32> to vector<256xi32>
    %broadcast_in_dim3A_66 = vector.shape_cast %reduce_sum3A_65 : vector<256xi32> to vector<256x1xi32>
    %ge3A_67 = arith.constant 32 : i32
    %ge3A_68 = vector.broadcast %ge3A_67 : i32 to vector<256x1xi32>
    %ge3A_69 = arith.cmpi sge, %broadcast_in_dim3A_66, %ge3A_68 : vector<256x1xi32>
    %select_n3A_70 = arith.select %ge3A_69, %or3A_60, %select_n3A_57 : vector<256x1xi1>, vector<256x1xi32>
    %or3A_71 = arith.constant 67108864 : i32
    %or3A_72 = vector.broadcast %or3A_71 : i32 to vector<256x1xi32>
    %or3A_73 = arith.ori %select_n3A_70, %or3A_72 : vector<256x1xi32>
    %ge3A_74 = vector.broadcast %or3A_73 : vector<256x1xi32> to vector<256x1000xi32>
    %ge3A_75 = arith.cmpi uge, %xor3A_9, %ge3A_74 : vector<256x1000xi32>
    %convert_element_type3A_76 = arith.extui %ge3A_75 : vector<256x1000xi1> to vector<256x1000xi32>
    %reduce_sum3A_77 = arith.constant dense<0> : vector<256xi32>
    %reduce_sum3A_78 = vector.multi_reduction <add>, %convert_element_type3A_76, %reduce_sum3A_77 [1] : vector<256x1000xi32> to vector<256xi32>
    %broadcast_in_dim3A_79 = vector.shape_cast %reduce_sum3A_78 : vector<256xi32> to vector<256x1xi32>
    %ge3A_80 = arith.constant 32 : i32
    %ge3A_81 = vector.broadcast %ge3A_80 : i32 to vector<256x1xi32>
    %ge3A_82 = arith.cmpi sge, %broadcast_in_dim3A_79, %ge3A_81 : vector<256x1xi32>
    %select_n3A_83 = arith.select %ge3A_82, %or3A_73, %select_n3A_70 : vector<256x1xi1>, vector<256x1xi32>
    %or3A_84 = arith.constant 33554432 : i32
    %or3A_85 = vector.broadcast %or3A_84 : i32 to vector<256x1xi32>
    %or3A_86 = arith.ori %select_n3A_83, %or3A_85 : vector<256x1xi32>
    %ge3A_87 = vector.broadcast %or3A_86 : vector<256x1xi32> to vector<256x1000xi32>
    %ge3A_88 = arith.cmpi uge, %xor3A_9, %ge3A_87 : vector<256x1000xi32>
    %convert_element_type3A_89 = arith.extui %ge3A_88 : vector<256x1000xi1> to vector<256x1000xi32>
    %reduce_sum3A_90 = arith.constant dense<0> : vector<256xi32>
    %reduce_sum3A_91 = vector.multi_reduction <add>, %convert_element_type3A_89, %reduce_sum3A_90 [1] : vector<256x1000xi32> to vector<256xi32>
    %broadcast_in_dim3A_92 = vector.shape_cast %reduce_sum3A_91 : vector<256xi32> to vector<256x1xi32>
    %ge3A_93 = arith.constant 32 : i32
    %ge3A_94 = vector.broadcast %ge3A_93 : i32 to vector<256x1xi32>
    %ge3A_95 = arith.cmpi sge, %broadcast_in_dim3A_92, %ge3A_94 : vector<256x1xi32>
    %select_n3A_96 = arith.select %ge3A_95, %or3A_86, %select_n3A_83 : vector<256x1xi1>, vector<256x1xi32>
    %or3A_97 = arith.constant 16777216 : i32
    %or3A_98 = vector.broadcast %or3A_97 : i32 to vector<256x1xi32>
    %or3A_99 = arith.ori %select_n3A_96, %or3A_98 : vector<256x1xi32>
    %ge3A_100 = vector.broadcast %or3A_99 : vector<256x1xi32> to vector<256x1000xi32>
    %ge3A_101 = arith.cmpi uge, %xor3A_9, %ge3A_100 : vector<256x1000xi32>
    %convert_element_type3A_102 = arith.extui %ge3A_101 : vector<256x1000xi1> to vector<256x1000xi32>
    %reduce_sum3A_103 = arith.constant dense<0> : vector<256xi32>
    %reduce_sum3A_104 = vector.multi_reduction <add>, %convert_element_type3A_102, %reduce_sum3A_103 [1] : vector<256x1000xi32> to vector<256xi32>
    %broadcast_in_dim3A_105 = vector.shape_cast %reduce_sum3A_104 : vector<256xi32> to vector<256x1xi32>
    %ge3A_106 = arith.constant 32 : i32
    %ge3A_107 = vector.broadcast %ge3A_106 : i32 to vector<256x1xi32>
    %ge3A_108 = arith.cmpi sge, %broadcast_in_dim3A_105, %ge3A_107 : vector<256x1xi32>
    %select_n3A_109 = arith.select %ge3A_108, %or3A_99, %select_n3A_96 : vector<256x1xi1>, vector<256x1xi32>
    %or3A_110 = arith.constant 8388608 : i32
    %or3A_111 = vector.broadcast %or3A_110 : i32 to vector<256x1xi32>
    %or3A_112 = arith.ori %select_n3A_109, %or3A_111 : vector<256x1xi32>
    %ge3A_113 = vector.broadcast %or3A_112 : vector<256x1xi32> to vector<256x1000xi32>
    %ge3A_114 = arith.cmpi uge, %xor3A_9, %ge3A_113 : vector<256x1000xi32>
    %convert_element_type3A_115 = arith.extui %ge3A_114 : vector<256x1000xi1> to vector<256x1000xi32>
    %reduce_sum3A_116 = arith.constant dense<0> : vector<256xi32>
    %reduce_sum3A_117 = vector.multi_reduction <add>, %convert_element_type3A_115, %reduce_sum3A_116 [1] : vector<256x1000xi32> to vector<256xi32>
    %broadcast_in_dim3A_118 = vector.shape_cast %reduce_sum3A_117 : vector<256xi32> to vector<256x1xi32>
    %ge3A_119 = arith.constant 32 : i32
    %ge3A_120 = vector.broadcast %ge3A_119 : i32 to vector<256x1xi32>
    %ge3A_121 = arith.cmpi sge, %broadcast_in_dim3A_118, %ge3A_120 : vector<256x1xi32>
    %select_n3A_122 = arith.select %ge3A_121, %or3A_112, %select_n3A_109 : vector<256x1xi1>, vector<256x1xi32>
    %or3A_123 = arith.constant 4194304 : i32
    %or3A_124 = vector.broadcast %or3A_123 : i32 to vector<256x1xi32>
    %or3A_125 = arith.ori %select_n3A_122, %or3A_124 : vector<256x1xi32>
    %ge3A_126 = vector.broadcast %or3A_125 : vector<256x1xi32> to vector<256x1000xi32>
    %ge3A_127 = arith.cmpi uge, %xor3A_9, %ge3A_126 : vector<256x1000xi32>
    %convert_element_type3A_128 = arith.extui %ge3A_127 : vector<256x1000xi1> to vector<256x1000xi32>
    %reduce_sum3A_129 = arith.constant dense<0> : vector<256xi32>
    %reduce_sum3A_130 = vector.multi_reduction <add>, %convert_element_type3A_128, %reduce_sum3A_129 [1] : vector<256x1000xi32> to vector<256xi32>
    %broadcast_in_dim3A_131 = vector.shape_cast %reduce_sum3A_130 : vector<256xi32> to vector<256x1xi32>
    %ge3A_132 = arith.constant 32 : i32
    %ge3A_133 = vector.broadcast %ge3A_132 : i32 to vector<256x1xi32>
    %ge3A_134 = arith.cmpi sge, %broadcast_in_dim3A_131, %ge3A_133 : vector<256x1xi32>
    %select_n3A_135 = arith.select %ge3A_134, %or3A_125, %select_n3A_122 : vector<256x1xi1>, vector<256x1xi32>
    %or3A_136 = arith.constant 2097152 : i32
    %or3A_137 = vector.broadcast %or3A_136 : i32 to vector<256x1xi32>
    %or3A_138 = arith.ori %select_n3A_135, %or3A_137 : vector<256x1xi32>
    %ge3A_139 = vector.broadcast %or3A_138 : vector<256x1xi32> to vector<256x1000xi32>
    %ge3A_140 = arith.cmpi uge, %xor3A_9, %ge3A_139 : vector<256x1000xi32>
    %convert_element_type3A_141 = arith.extui %ge3A_140 : vector<256x1000xi1> to vector<256x1000xi32>
    %reduce_sum3A_142 = arith.constant dense<0> : vector<256xi32>
    %reduce_sum3A_143 = vector.multi_reduction <add>, %convert_element_type3A_141, %reduce_sum3A_142 [1] : vector<256x1000xi32> to vector<256xi32>
    %broadcast_in_dim3A_144 = vector.shape_cast %reduce_sum3A_143 : vector<256xi32> to vector<256x1xi32>
    %ge3A_145 = arith.constant 32 : i32
    %ge3A_146 = vector.broadcast %ge3A_145 : i32 to vector<256x1xi32>
    %ge3A_147 = arith.cmpi sge, %broadcast_in_dim3A_144, %ge3A_146 : vector<256x1xi32>
    %select_n3A_148 = arith.select %ge3A_147, %or3A_138, %select_n3A_135 : vector<256x1xi1>, vector<256x1xi32>
    %or3A_149 = arith.constant 1048576 : i32
    %or3A_150 = vector.broadcast %or3A_149 : i32 to vector<256x1xi32>
    %or3A_151 = arith.ori %select_n3A_148, %or3A_150 : vector<256x1xi32>
    %ge3A_152 = vector.broadcast %or3A_151 : vector<256x1xi32> to vector<256x1000xi32>
    %ge3A_153 = arith.cmpi uge, %xor3A_9, %ge3A_152 : vector<256x1000xi32>
    %convert_element_type3A_154 = arith.extui %ge3A_153 : vector<256x1000xi1> to vector<256x1000xi32>
    %reduce_sum3A_155 = arith.constant dense<0> : vector<256xi32>
    %reduce_sum3A_156 = vector.multi_reduction <add>, %convert_element_type3A_154, %reduce_sum3A_155 [1] : vector<256x1000xi32> to vector<256xi32>
    %broadcast_in_dim3A_157 = vector.shape_cast %reduce_sum3A_156 : vector<256xi32> to vector<256x1xi32>
    %ge3A_158 = arith.constant 32 : i32
    %ge3A_159 = vector.broadcast %ge3A_158 : i32 to vector<256x1xi32>
    %ge3A_160 = arith.cmpi sge, %broadcast_in_dim3A_157, %ge3A_159 : vector<256x1xi32>
    %select_n3A_161 = arith.select %ge3A_160, %or3A_151, %select_n3A_148 : vector<256x1xi1>, vector<256x1xi32>
    %or3A_162 = arith.constant 524288 : i32
    %or3A_163 = vector.broadcast %or3A_162 : i32 to vector<256x1xi32>
    %or3A_164 = arith.ori %select_n3A_161, %or3A_163 : vector<256x1xi32>
    %ge3A_165 = vector.broadcast %or3A_164 : vector<256x1xi32> to vector<256x1000xi32>
    %ge3A_166 = arith.cmpi uge, %xor3A_9, %ge3A_165 : vector<256x1000xi32>
    %convert_element_type3A_167 = arith.extui %ge3A_166 : vector<256x1000xi1> to vector<256x1000xi32>
    %reduce_sum3A_168 = arith.constant dense<0> : vector<256xi32>
    %reduce_sum3A_169 = vector.multi_reduction <add>, %convert_element_type3A_167, %reduce_sum3A_168 [1] : vector<256x1000xi32> to vector<256xi32>
    %broadcast_in_dim3A_170 = vector.shape_cast %reduce_sum3A_169 : vector<256xi32> to vector<256x1xi32>
    %ge3A_171 = arith.constant 32 : i32
    %ge3A_172 = vector.broadcast %ge3A_171 : i32 to vector<256x1xi32>
    %ge3A_173 = arith.cmpi sge, %broadcast_in_dim3A_170, %ge3A_172 : vector<256x1xi32>
    %select_n3A_174 = arith.select %ge3A_173, %or3A_164, %select_n3A_161 : vector<256x1xi1>, vector<256x1xi32>
    %or3A_175 = arith.constant 262144 : i32
    %or3A_176 = vector.broadcast %or3A_175 : i32 to vector<256x1xi32>
    %or3A_177 = arith.ori %select_n3A_174, %or3A_176 : vector<256x1xi32>
    %ge3A_178 = vector.broadcast %or3A_177 : vector<256x1xi32> to vector<256x1000xi32>
    %ge3A_179 = arith.cmpi uge, %xor3A_9, %ge3A_178 : vector<256x1000xi32>
    %convert_element_type3A_180 = arith.extui %ge3A_179 : vector<256x1000xi1> to vector<256x1000xi32>
    %reduce_sum3A_181 = arith.constant dense<0> : vector<256xi32>
    %reduce_sum3A_182 = vector.multi_reduction <add>, %convert_element_type3A_180, %reduce_sum3A_181 [1] : vector<256x1000xi32> to vector<256xi32>
    %broadcast_in_dim3A_183 = vector.shape_cast %reduce_sum3A_182 : vector<256xi32> to vector<256x1xi32>
    %ge3A_184 = arith.constant 32 : i32
    %ge3A_185 = vector.broadcast %ge3A_184 : i32 to vector<256x1xi32>
    %ge3A_186 = arith.cmpi sge, %broadcast_in_dim3A_183, %ge3A_185 : vector<256x1xi32>
    %select_n3A_187 = arith.select %ge3A_186, %or3A_177, %select_n3A_174 : vector<256x1xi1>, vector<256x1xi32>
    %or3A_188 = arith.constant 131072 : i32
    %or3A_189 = vector.broadcast %or3A_188 : i32 to vector<256x1xi32>
    %or3A_190 = arith.ori %select_n3A_187, %or3A_189 : vector<256x1xi32>
    %ge3A_191 = vector.broadcast %or3A_190 : vector<256x1xi32> to vector<256x1000xi32>
    %ge3A_192 = arith.cmpi uge, %xor3A_9, %ge3A_191 : vector<256x1000xi32>
    %convert_element_type3A_193 = arith.extui %ge3A_192 : vector<256x1000xi1> to vector<256x1000xi32>
    %reduce_sum3A_194 = arith.constant dense<0> : vector<256xi32>
    %reduce_sum3A_195 = vector.multi_reduction <add>, %convert_element_type3A_193, %reduce_sum3A_194 [1] : vector<256x1000xi32> to vector<256xi32>
    %broadcast_in_dim3A_196 = vector.shape_cast %reduce_sum3A_195 : vector<256xi32> to vector<256x1xi32>
    %ge3A_197 = arith.constant 32 : i32
    %ge3A_198 = vector.broadcast %ge3A_197 : i32 to vector<256x1xi32>
    %ge3A_199 = arith.cmpi sge, %broadcast_in_dim3A_196, %ge3A_198 : vector<256x1xi32>
    %select_n3A_200 = arith.select %ge3A_199, %or3A_190, %select_n3A_187 : vector<256x1xi1>, vector<256x1xi32>
    %or3A_201 = arith.constant 65536 : i32
    %or3A_202 = vector.broadcast %or3A_201 : i32 to vector<256x1xi32>
    %or3A_203 = arith.ori %select_n3A_200, %or3A_202 : vector<256x1xi32>
    %ge3A_204 = vector.broadcast %or3A_203 : vector<256x1xi32> to vector<256x1000xi32>
    %ge3A_205 = arith.cmpi uge, %xor3A_9, %ge3A_204 : vector<256x1000xi32>
    %convert_element_type3A_206 = arith.extui %ge3A_205 : vector<256x1000xi1> to vector<256x1000xi32>
    %reduce_sum3A_207 = arith.constant dense<0> : vector<256xi32>
    %reduce_sum3A_208 = vector.multi_reduction <add>, %convert_element_type3A_206, %reduce_sum3A_207 [1] : vector<256x1000xi32> to vector<256xi32>
    %broadcast_in_dim3A_209 = vector.shape_cast %reduce_sum3A_208 : vector<256xi32> to vector<256x1xi32>
    %ge3A_210 = arith.constant 32 : i32
    %ge3A_211 = vector.broadcast %ge3A_210 : i32 to vector<256x1xi32>
    %ge3A_212 = arith.cmpi sge, %broadcast_in_dim3A_209, %ge3A_211 : vector<256x1xi32>
    %select_n3A_213 = arith.select %ge3A_212, %or3A_203, %select_n3A_200 : vector<256x1xi1>, vector<256x1xi32>
    %or3A_214 = arith.constant 32768 : i32
    %or3A_215 = vector.broadcast %or3A_214 : i32 to vector<256x1xi32>
    %or3A_216 = arith.ori %select_n3A_213, %or3A_215 : vector<256x1xi32>
    %ge3A_217 = vector.broadcast %or3A_216 : vector<256x1xi32> to vector<256x1000xi32>
    %ge3A_218 = arith.cmpi uge, %xor3A_9, %ge3A_217 : vector<256x1000xi32>
    %convert_element_type3A_219 = arith.extui %ge3A_218 : vector<256x1000xi1> to vector<256x1000xi32>
    %reduce_sum3A_220 = arith.constant dense<0> : vector<256xi32>
    %reduce_sum3A_221 = vector.multi_reduction <add>, %convert_element_type3A_219, %reduce_sum3A_220 [1] : vector<256x1000xi32> to vector<256xi32>
    %broadcast_in_dim3A_222 = vector.shape_cast %reduce_sum3A_221 : vector<256xi32> to vector<256x1xi32>
    %ge3A_223 = arith.constant 32 : i32
    %ge3A_224 = vector.broadcast %ge3A_223 : i32 to vector<256x1xi32>
    %ge3A_225 = arith.cmpi sge, %broadcast_in_dim3A_222, %ge3A_224 : vector<256x1xi32>
    %select_n3A_226 = arith.select %ge3A_225, %or3A_216, %select_n3A_213 : vector<256x1xi1>, vector<256x1xi32>
    %or3A_227 = arith.constant 16384 : i32
    %or3A_228 = vector.broadcast %or3A_227 : i32 to vector<256x1xi32>
    %or3A_229 = arith.ori %select_n3A_226, %or3A_228 : vector<256x1xi32>
    %ge3A_230 = vector.broadcast %or3A_229 : vector<256x1xi32> to vector<256x1000xi32>
    %ge3A_231 = arith.cmpi uge, %xor3A_9, %ge3A_230 : vector<256x1000xi32>
    %convert_element_type3A_232 = arith.extui %ge3A_231 : vector<256x1000xi1> to vector<256x1000xi32>
    %reduce_sum3A_233 = arith.constant dense<0> : vector<256xi32>
    %reduce_sum3A_234 = vector.multi_reduction <add>, %convert_element_type3A_232, %reduce_sum3A_233 [1] : vector<256x1000xi32> to vector<256xi32>
    %broadcast_in_dim3A_235 = vector.shape_cast %reduce_sum3A_234 : vector<256xi32> to vector<256x1xi32>
    %ge3A_236 = arith.constant 32 : i32
    %ge3A_237 = vector.broadcast %ge3A_236 : i32 to vector<256x1xi32>
    %ge3A_238 = arith.cmpi sge, %broadcast_in_dim3A_235, %ge3A_237 : vector<256x1xi32>
    %select_n3A_239 = arith.select %ge3A_238, %or3A_229, %select_n3A_226 : vector<256x1xi1>, vector<256x1xi32>
    %or3A_240 = arith.constant 8192 : i32
    %or3A_241 = vector.broadcast %or3A_240 : i32 to vector<256x1xi32>
    %or3A_242 = arith.ori %select_n3A_239, %or3A_241 : vector<256x1xi32>
    %ge3A_243 = vector.broadcast %or3A_242 : vector<256x1xi32> to vector<256x1000xi32>
    %ge3A_244 = arith.cmpi uge, %xor3A_9, %ge3A_243 : vector<256x1000xi32>
    %convert_element_type3A_245 = arith.extui %ge3A_244 : vector<256x1000xi1> to vector<256x1000xi32>
    %reduce_sum3A_246 = arith.constant dense<0> : vector<256xi32>
    %reduce_sum3A_247 = vector.multi_reduction <add>, %convert_element_type3A_245, %reduce_sum3A_246 [1] : vector<256x1000xi32> to vector<256xi32>
    %broadcast_in_dim3A_248 = vector.shape_cast %reduce_sum3A_247 : vector<256xi32> to vector<256x1xi32>
    %ge3A_249 = arith.constant 32 : i32
    %ge3A_250 = vector.broadcast %ge3A_249 : i32 to vector<256x1xi32>
    %ge3A_251 = arith.cmpi sge, %broadcast_in_dim3A_248, %ge3A_250 : vector<256x1xi32>
    %select_n3A_252 = arith.select %ge3A_251, %or3A_242, %select_n3A_239 : vector<256x1xi1>, vector<256x1xi32>
    %or3A_253 = arith.constant 4096 : i32
    %or3A_254 = vector.broadcast %or3A_253 : i32 to vector<256x1xi32>
    %or3A_255 = arith.ori %select_n3A_252, %or3A_254 : vector<256x1xi32>
    %ge3A_256 = vector.broadcast %or3A_255 : vector<256x1xi32> to vector<256x1000xi32>
    %ge3A_257 = arith.cmpi uge, %xor3A_9, %ge3A_256 : vector<256x1000xi32>
    %convert_element_type3A_258 = arith.extui %ge3A_257 : vector<256x1000xi1> to vector<256x1000xi32>
    %reduce_sum3A_259 = arith.constant dense<0> : vector<256xi32>
    %reduce_sum3A_260 = vector.multi_reduction <add>, %convert_element_type3A_258, %reduce_sum3A_259 [1] : vector<256x1000xi32> to vector<256xi32>
    %broadcast_in_dim3A_261 = vector.shape_cast %reduce_sum3A_260 : vector<256xi32> to vector<256x1xi32>
    %ge3A_262 = arith.constant 32 : i32
    %ge3A_263 = vector.broadcast %ge3A_262 : i32 to vector<256x1xi32>
    %ge3A_264 = arith.cmpi sge, %broadcast_in_dim3A_261, %ge3A_263 : vector<256x1xi32>
    %select_n3A_265 = arith.select %ge3A_264, %or3A_255, %select_n3A_252 : vector<256x1xi1>, vector<256x1xi32>
    %or3A_266 = arith.constant 2048 : i32
    %or3A_267 = vector.broadcast %or3A_266 : i32 to vector<256x1xi32>
    %or3A_268 = arith.ori %select_n3A_265, %or3A_267 : vector<256x1xi32>
    %ge3A_269 = vector.broadcast %or3A_268 : vector<256x1xi32> to vector<256x1000xi32>
    %ge3A_270 = arith.cmpi uge, %xor3A_9, %ge3A_269 : vector<256x1000xi32>
    %convert_element_type3A_271 = arith.extui %ge3A_270 : vector<256x1000xi1> to vector<256x1000xi32>
    %reduce_sum3A_272 = arith.constant dense<0> : vector<256xi32>
    %reduce_sum3A_273 = vector.multi_reduction <add>, %convert_element_type3A_271, %reduce_sum3A_272 [1] : vector<256x1000xi32> to vector<256xi32>
    %broadcast_in_dim3A_274 = vector.shape_cast %reduce_sum3A_273 : vector<256xi32> to vector<256x1xi32>
    %ge3A_275 = arith.constant 32 : i32
    %ge3A_276 = vector.broadcast %ge3A_275 : i32 to vector<256x1xi32>
    %ge3A_277 = arith.cmpi sge, %broadcast_in_dim3A_274, %ge3A_276 : vector<256x1xi32>
    %select_n3A_278 = arith.select %ge3A_277, %or3A_268, %select_n3A_265 : vector<256x1xi1>, vector<256x1xi32>
    %or3A_279 = arith.constant 1024 : i32
    %or3A_280 = vector.broadcast %or3A_279 : i32 to vector<256x1xi32>
    %or3A_281 = arith.ori %select_n3A_278, %or3A_280 : vector<256x1xi32>
    %ge3A_282 = vector.broadcast %or3A_281 : vector<256x1xi32> to vector<256x1000xi32>
    %ge3A_283 = arith.cmpi uge, %xor3A_9, %ge3A_282 : vector<256x1000xi32>
    %convert_element_type3A_284 = arith.extui %ge3A_283 : vector<256x1000xi1> to vector<256x1000xi32>
    %reduce_sum3A_285 = arith.constant dense<0> : vector<256xi32>
    %reduce_sum3A_286 = vector.multi_reduction <add>, %convert_element_type3A_284, %reduce_sum3A_285 [1] : vector<256x1000xi32> to vector<256xi32>
    %broadcast_in_dim3A_287 = vector.shape_cast %reduce_sum3A_286 : vector<256xi32> to vector<256x1xi32>
    %ge3A_288 = arith.constant 32 : i32
    %ge3A_289 = vector.broadcast %ge3A_288 : i32 to vector<256x1xi32>
    %ge3A_290 = arith.cmpi sge, %broadcast_in_dim3A_287, %ge3A_289 : vector<256x1xi32>
    %select_n3A_291 = arith.select %ge3A_290, %or3A_281, %select_n3A_278 : vector<256x1xi1>, vector<256x1xi32>
    %or3A_292 = arith.constant 512 : i32
    %or3A_293 = vector.broadcast %or3A_292 : i32 to vector<256x1xi32>
    %or3A_294 = arith.ori %select_n3A_291, %or3A_293 : vector<256x1xi32>
    %ge3A_295 = vector.broadcast %or3A_294 : vector<256x1xi32> to vector<256x1000xi32>
    %ge3A_296 = arith.cmpi uge, %xor3A_9, %ge3A_295 : vector<256x1000xi32>
    %convert_element_type3A_297 = arith.extui %ge3A_296 : vector<256x1000xi1> to vector<256x1000xi32>
    %reduce_sum3A_298 = arith.constant dense<0> : vector<256xi32>
    %reduce_sum3A_299 = vector.multi_reduction <add>, %convert_element_type3A_297, %reduce_sum3A_298 [1] : vector<256x1000xi32> to vector<256xi32>
    %broadcast_in_dim3A_300 = vector.shape_cast %reduce_sum3A_299 : vector<256xi32> to vector<256x1xi32>
    %ge3A_301 = arith.constant 32 : i32
    %ge3A_302 = vector.broadcast %ge3A_301 : i32 to vector<256x1xi32>
    %ge3A_303 = arith.cmpi sge, %broadcast_in_dim3A_300, %ge3A_302 : vector<256x1xi32>
    %select_n3A_304 = arith.select %ge3A_303, %or3A_294, %select_n3A_291 : vector<256x1xi1>, vector<256x1xi32>
    %or3A_305 = arith.constant 256 : i32
    %or3A_306 = vector.broadcast %or3A_305 : i32 to vector<256x1xi32>
    %or3A_307 = arith.ori %select_n3A_304, %or3A_306 : vector<256x1xi32>
    %ge3A_308 = vector.broadcast %or3A_307 : vector<256x1xi32> to vector<256x1000xi32>
    %ge3A_309 = arith.cmpi uge, %xor3A_9, %ge3A_308 : vector<256x1000xi32>
    %convert_element_type3A_310 = arith.extui %ge3A_309 : vector<256x1000xi1> to vector<256x1000xi32>
    %reduce_sum3A_311 = arith.constant dense<0> : vector<256xi32>
    %reduce_sum3A_312 = vector.multi_reduction <add>, %convert_element_type3A_310, %reduce_sum3A_311 [1] : vector<256x1000xi32> to vector<256xi32>
    %broadcast_in_dim3A_313 = vector.shape_cast %reduce_sum3A_312 : vector<256xi32> to vector<256x1xi32>
    %ge3A_314 = arith.constant 32 : i32
    %ge3A_315 = vector.broadcast %ge3A_314 : i32 to vector<256x1xi32>
    %ge3A_316 = arith.cmpi sge, %broadcast_in_dim3A_313, %ge3A_315 : vector<256x1xi32>
    %select_n3A_317 = arith.select %ge3A_316, %or3A_307, %select_n3A_304 : vector<256x1xi1>, vector<256x1xi32>
    %or3A_318 = arith.constant 128 : i32
    %or3A_319 = vector.broadcast %or3A_318 : i32 to vector<256x1xi32>
    %or3A_320 = arith.ori %select_n3A_317, %or3A_319 : vector<256x1xi32>
    %ge3A_321 = vector.broadcast %or3A_320 : vector<256x1xi32> to vector<256x1000xi32>
    %ge3A_322 = arith.cmpi uge, %xor3A_9, %ge3A_321 : vector<256x1000xi32>
    %convert_element_type3A_323 = arith.extui %ge3A_322 : vector<256x1000xi1> to vector<256x1000xi32>
    %reduce_sum3A_324 = arith.constant dense<0> : vector<256xi32>
    %reduce_sum3A_325 = vector.multi_reduction <add>, %convert_element_type3A_323, %reduce_sum3A_324 [1] : vector<256x1000xi32> to vector<256xi32>
    %broadcast_in_dim3A_326 = vector.shape_cast %reduce_sum3A_325 : vector<256xi32> to vector<256x1xi32>
    %ge3A_327 = arith.constant 32 : i32
    %ge3A_328 = vector.broadcast %ge3A_327 : i32 to vector<256x1xi32>
    %ge3A_329 = arith.cmpi sge, %broadcast_in_dim3A_326, %ge3A_328 : vector<256x1xi32>
    %select_n3A_330 = arith.select %ge3A_329, %or3A_320, %select_n3A_317 : vector<256x1xi1>, vector<256x1xi32>
    %or3A_331 = arith.constant 64 : i32
    %or3A_332 = vector.broadcast %or3A_331 : i32 to vector<256x1xi32>
    %or3A_333 = arith.ori %select_n3A_330, %or3A_332 : vector<256x1xi32>
    %ge3A_334 = vector.broadcast %or3A_333 : vector<256x1xi32> to vector<256x1000xi32>
    %ge3A_335 = arith.cmpi uge, %xor3A_9, %ge3A_334 : vector<256x1000xi32>
    %convert_element_type3A_336 = arith.extui %ge3A_335 : vector<256x1000xi1> to vector<256x1000xi32>
    %reduce_sum3A_337 = arith.constant dense<0> : vector<256xi32>
    %reduce_sum3A_338 = vector.multi_reduction <add>, %convert_element_type3A_336, %reduce_sum3A_337 [1] : vector<256x1000xi32> to vector<256xi32>
    %broadcast_in_dim3A_339 = vector.shape_cast %reduce_sum3A_338 : vector<256xi32> to vector<256x1xi32>
    %ge3A_340 = arith.constant 32 : i32
    %ge3A_341 = vector.broadcast %ge3A_340 : i32 to vector<256x1xi32>
    %ge3A_342 = arith.cmpi sge, %broadcast_in_dim3A_339, %ge3A_341 : vector<256x1xi32>
    %select_n3A_343 = arith.select %ge3A_342, %or3A_333, %select_n3A_330 : vector<256x1xi1>, vector<256x1xi32>
    %or3A_344 = arith.constant 32 : i32
    %or3A_345 = vector.broadcast %or3A_344 : i32 to vector<256x1xi32>
    %or3A_346 = arith.ori %select_n3A_343, %or3A_345 : vector<256x1xi32>
    %ge3A_347 = vector.broadcast %or3A_346 : vector<256x1xi32> to vector<256x1000xi32>
    %ge3A_348 = arith.cmpi uge, %xor3A_9, %ge3A_347 : vector<256x1000xi32>
    %convert_element_type3A_349 = arith.extui %ge3A_348 : vector<256x1000xi1> to vector<256x1000xi32>
    %reduce_sum3A_350 = arith.constant dense<0> : vector<256xi32>
    %reduce_sum3A_351 = vector.multi_reduction <add>, %convert_element_type3A_349, %reduce_sum3A_350 [1] : vector<256x1000xi32> to vector<256xi32>
    %broadcast_in_dim3A_352 = vector.shape_cast %reduce_sum3A_351 : vector<256xi32> to vector<256x1xi32>
    %ge3A_353 = arith.constant 32 : i32
    %ge3A_354 = vector.broadcast %ge3A_353 : i32 to vector<256x1xi32>
    %ge3A_355 = arith.cmpi sge, %broadcast_in_dim3A_352, %ge3A_354 : vector<256x1xi32>
    %select_n3A_356 = arith.select %ge3A_355, %or3A_346, %select_n3A_343 : vector<256x1xi1>, vector<256x1xi32>
    %or3A_357 = arith.constant 16 : i32
    %or3A_358 = vector.broadcast %or3A_357 : i32 to vector<256x1xi32>
    %or3A_359 = arith.ori %select_n3A_356, %or3A_358 : vector<256x1xi32>
    %ge3A_360 = vector.broadcast %or3A_359 : vector<256x1xi32> to vector<256x1000xi32>
    %ge3A_361 = arith.cmpi uge, %xor3A_9, %ge3A_360 : vector<256x1000xi32>
    %convert_element_type3A_362 = arith.extui %ge3A_361 : vector<256x1000xi1> to vector<256x1000xi32>
    %reduce_sum3A_363 = arith.constant dense<0> : vector<256xi32>
    %reduce_sum3A_364 = vector.multi_reduction <add>, %convert_element_type3A_362, %reduce_sum3A_363 [1] : vector<256x1000xi32> to vector<256xi32>
    %broadcast_in_dim3A_365 = vector.shape_cast %reduce_sum3A_364 : vector<256xi32> to vector<256x1xi32>
    %ge3A_366 = arith.constant 32 : i32
    %ge3A_367 = vector.broadcast %ge3A_366 : i32 to vector<256x1xi32>
    %ge3A_368 = arith.cmpi sge, %broadcast_in_dim3A_365, %ge3A_367 : vector<256x1xi32>
    %select_n3A_369 = arith.select %ge3A_368, %or3A_359, %select_n3A_356 : vector<256x1xi1>, vector<256x1xi32>
    %or3A_370 = arith.constant 8 : i32
    %or3A_371 = vector.broadcast %or3A_370 : i32 to vector<256x1xi32>
    %or3A_372 = arith.ori %select_n3A_369, %or3A_371 : vector<256x1xi32>
    %ge3A_373 = vector.broadcast %or3A_372 : vector<256x1xi32> to vector<256x1000xi32>
    %ge3A_374 = arith.cmpi uge, %xor3A_9, %ge3A_373 : vector<256x1000xi32>
    %convert_element_type3A_375 = arith.extui %ge3A_374 : vector<256x1000xi1> to vector<256x1000xi32>
    %reduce_sum3A_376 = arith.constant dense<0> : vector<256xi32>
    %reduce_sum3A_377 = vector.multi_reduction <add>, %convert_element_type3A_375, %reduce_sum3A_376 [1] : vector<256x1000xi32> to vector<256xi32>
    %broadcast_in_dim3A_378 = vector.shape_cast %reduce_sum3A_377 : vector<256xi32> to vector<256x1xi32>
    %ge3A_379 = arith.constant 32 : i32
    %ge3A_380 = vector.broadcast %ge3A_379 : i32 to vector<256x1xi32>
    %ge3A_381 = arith.cmpi sge, %broadcast_in_dim3A_378, %ge3A_380 : vector<256x1xi32>
    %select_n3A_382 = arith.select %ge3A_381, %or3A_372, %select_n3A_369 : vector<256x1xi1>, vector<256x1xi32>
    %or3A_383 = arith.constant 4 : i32
    %or3A_384 = vector.broadcast %or3A_383 : i32 to vector<256x1xi32>
    %or3A_385 = arith.ori %select_n3A_382, %or3A_384 : vector<256x1xi32>
    %ge3A_386 = vector.broadcast %or3A_385 : vector<256x1xi32> to vector<256x1000xi32>
    %ge3A_387 = arith.cmpi uge, %xor3A_9, %ge3A_386 : vector<256x1000xi32>
    %convert_element_type3A_388 = arith.extui %ge3A_387 : vector<256x1000xi1> to vector<256x1000xi32>
    %reduce_sum3A_389 = arith.constant dense<0> : vector<256xi32>
    %reduce_sum3A_390 = vector.multi_reduction <add>, %convert_element_type3A_388, %reduce_sum3A_389 [1] : vector<256x1000xi32> to vector<256xi32>
    %broadcast_in_dim3A_391 = vector.shape_cast %reduce_sum3A_390 : vector<256xi32> to vector<256x1xi32>
    %ge3A_392 = arith.constant 32 : i32
    %ge3A_393 = vector.broadcast %ge3A_392 : i32 to vector<256x1xi32>
    %ge3A_394 = arith.cmpi sge, %broadcast_in_dim3A_391, %ge3A_393 : vector<256x1xi32>
    %select_n3A_395 = arith.select %ge3A_394, %or3A_385, %select_n3A_382 : vector<256x1xi1>, vector<256x1xi32>
    %or3A_396 = arith.constant 2 : i32
    %or3A_397 = vector.broadcast %or3A_396 : i32 to vector<256x1xi32>
    %or3A_398 = arith.ori %select_n3A_395, %or3A_397 : vector<256x1xi32>
    %ge3A_399 = vector.broadcast %or3A_398 : vector<256x1xi32> to vector<256x1000xi32>
    %ge3A_400 = arith.cmpi uge, %xor3A_9, %ge3A_399 : vector<256x1000xi32>
    %convert_element_type3A_401 = arith.extui %ge3A_400 : vector<256x1000xi1> to vector<256x1000xi32>
    %reduce_sum3A_402 = arith.constant dense<0> : vector<256xi32>
    %reduce_sum3A_403 = vector.multi_reduction <add>, %convert_element_type3A_401, %reduce_sum3A_402 [1] : vector<256x1000xi32> to vector<256xi32>
    %broadcast_in_dim3A_404 = vector.shape_cast %reduce_sum3A_403 : vector<256xi32> to vector<256x1xi32>
    %ge3A_405 = arith.constant 32 : i32
    %ge3A_406 = vector.broadcast %ge3A_405 : i32 to vector<256x1xi32>
    %ge3A_407 = arith.cmpi sge, %broadcast_in_dim3A_404, %ge3A_406 : vector<256x1xi32>
    %select_n3A_408 = arith.select %ge3A_407, %or3A_398, %select_n3A_395 : vector<256x1xi1>, vector<256x1xi32>
    %or3A_409 = arith.constant 1 : i32
    %or3A_410 = vector.broadcast %or3A_409 : i32 to vector<256x1xi32>
    %or3A_411 = arith.ori %select_n3A_408, %or3A_410 : vector<256x1xi32>
    %ge3A_412 = vector.broadcast %or3A_411 : vector<256x1xi32> to vector<256x1000xi32>
    %ge3A_413 = arith.cmpi uge, %xor3A_9, %ge3A_412 : vector<256x1000xi32>
    %convert_element_type3A_414 = arith.extui %ge3A_413 : vector<256x1000xi1> to vector<256x1000xi32>
    %reduce_sum3A_415 = arith.constant dense<0> : vector<256xi32>
    %reduce_sum3A_416 = vector.multi_reduction <add>, %convert_element_type3A_414, %reduce_sum3A_415 [1] : vector<256x1000xi32> to vector<256xi32>
    %broadcast_in_dim3A_417 = vector.shape_cast %reduce_sum3A_416 : vector<256xi32> to vector<256x1xi32>
    %ge3A_418 = arith.constant 32 : i32
    %ge3A_419 = vector.broadcast %ge3A_418 : i32 to vector<256x1xi32>
    %ge3A_420 = arith.cmpi sge, %broadcast_in_dim3A_417, %ge3A_419 : vector<256x1xi32>
    %select_n3A_421 = arith.select %ge3A_420, %or3A_411, %select_n3A_408 : vector<256x1xi1>, vector<256x1xi32>
    %gt3A = vector.broadcast %select_n3A_421 : vector<256x1xi32> to vector<256x1000xi32>
    %gt3A_422 = arith.cmpi ugt, %xor3A_9, %gt3A : vector<256x1000xi32>
    %convert_element_type3A_423 = arith.extui %gt3A_422 : vector<256x1000xi1> to vector<256x1000xi32>
    %eq3A = vector.broadcast %select_n3A_421 : vector<256x1xi32> to vector<256x1000xi32>
    %eq3A_424 = arith.cmpi eq, %xor3A_9, %eq3A : vector<256x1000xi32>
    %convert_element_type3A_425 = arith.extui %eq3A_424 : vector<256x1000xi1> to vector<256x1000xi32>
    %iota3A = tpu.iota {dimensions = array<i32: 0>} : vector<1000x1000xi32>
    %iota3A_426 = tpu.iota {dimensions = array<i32: 1>} : vector<1000x1000xi32>
    %le3A = arith.cmpi sle, %iota3A_426, %iota3A : vector<1000x1000xi32>
    %convert_element_type3A_427 = arith.extui %le3A : vector<1000x1000xi1> to vector<1000x1000xi32>
    %convert_element_type3A_428 = arith.sitofp %convert_element_type3A_427 : vector<1000x1000xi32> to vector<1000x1000xf32>
    %convert_element_type3A_429 = arith.sitofp %convert_element_type3A_425 : vector<256x1000xi32> to vector<256x1000xf32>
    %dot_general3A = arith.constant dense<0.000000e+00> : vector<256x1000xf32>
    %dot_general3A_430 = tpu.matmul %convert_element_type3A_429, %convert_element_type3A_428, %dot_general3A {dimension_numbers = #tpu.dot_dimension_numbers<[1], [1], [0], [0], [0, 0, 1, 0], [], []>, transpose_lhs_hint = false} : vector<256x1000xf32>, vector<1000x1000xf32>, vector<256x1000xf32> -> vector<256x1000xf32>
    %reduce_sum3A_431 = arith.constant dense<0> : vector<256xi32>
    %reduce_sum3A_432 = vector.multi_reduction <add>, %convert_element_type3A_423, %reduce_sum3A_431 [1] : vector<256x1000xi32> to vector<256xi32>
    %broadcast_in_dim3A_433 = vector.shape_cast %reduce_sum3A_432 : vector<256xi32> to vector<256x1xi32>
    %sub3A = arith.constant 32 : i32
    %sub3A_434 = vector.broadcast %sub3A : i32 to vector<256x1xi32>
    %sub3A_435 = arith.subi %sub3A_434, %broadcast_in_dim3A_433 : vector<256x1xi32>
    %convert_element_type3A_436 = arith.sitofp %sub3A_435 : vector<256x1xi32> to vector<256x1xf32>
    %le3A_437 = vector.broadcast %convert_element_type3A_436 : vector<256x1xf32> to vector<256x1000xf32>
    %le3A_438 = arith.cmpf ole, %dot_general3A_430, %le3A_437 : vector<256x1000xf32>
    %convert_element_type3A_439 = arith.extui %le3A_438 : vector<256x1000xi1> to vector<256x1000xi32>
    %mul3A = arith.muli %convert_element_type3A_425, %convert_element_type3A_439 : vector<256x1000xi32>
    %add3A = arith.addi %convert_element_type3A_423, %mul3A : vector<256x1000xi32>
    %convert_element_type3A_440 = arith.sitofp %add3A : vector<256x1000xi32> to vector<256x1000xf32>
    %dot_general3A_441 = arith.constant dense<0.000000e+00> : vector<256x1000xf32>
    %dot_general3A_442 = tpu.matmul %convert_element_type3A_440, %convert_element_type3A_428, %dot_general3A_441 {dimension_numbers = #tpu.dot_dimension_numbers<[1], [1], [0], [0], [0, 0, 1, 0], [], []>, transpose_lhs_hint = false} : vector<256x1000xf32>, vector<1000x1000xf32>, vector<256x1000xf32> -> vector<256x1000xf32>
    %le3A_443 = arith.constant 0.000000e+00 : f32
    %le3A_444 = vector.broadcast %le3A_443 : f32 to vector<256x1000xf32>
    %le3A_445 = arith.cmpf ole, %dot_general3A_442, %le3A_444 : vector<256x1000xf32>
    %convert_element_type3A_446 = arith.extui %le3A_445 : vector<256x1000xi1> to vector<256x1000xi32>
    %reduce_sum3A_447 = arith.constant dense<0> : vector<256xi32>
    %reduce_sum3A_448 = vector.multi_reduction <add>, %convert_element_type3A_446, %reduce_sum3A_447 [1] : vector<256x1000xi32> to vector<256xi32>
    %swap3A = arith.constant 0 : index
    %swap3A_449 = arith.constant 0 : index
    %swap3A_450 = vector.load %arg2[%swap3A, %swap3A_449] : memref<256x32xi32, #tpu.memory_space<vmem>>, vector<256x1xi32>
    %swap3A_451 = vector.shape_cast %swap3A_450 : vector<256x1xi32> to vector<256xi32>
    %swap3A_452 = vector.shape_cast %reduce_sum3A_448 : vector<256xi32> to vector<256x1xi32>
    tpu.vector_store %arg2[%swap3A, %swap3A_449], %swap3A_452 {strides = array<i32>} : memref<256x32xi32, #tpu.memory_space<vmem>>, vector<256x1xi32>,
    %le3A_453 = arith.constant 1.000000e+00 : f32
    %le3A_454 = vector.broadcast %le3A_453 : f32 to vector<256x1000xf32>
    %le3A_455 = arith.cmpf ole, %dot_general3A_442, %le3A_454 : vector<256x1000xf32>
    %convert_element_type3A_456 = arith.extui %le3A_455 : vector<256x1000xi1> to vector<256x1000xi32>
    %reduce_sum3A_457 = arith.constant dense<0> : vector<256xi32>
    %reduce_sum3A_458 = vector.multi_reduction <add>, %convert_element_type3A_456, %reduce_sum3A_457 [1] : vector<256x1000xi32> to vector<256xi32>
    %swap3A_459 = arith.constant 0 : index
    %swap3A_460 = arith.constant 1 : index
    %swap3A_461 = vector.load %arg2[%swap3A_459, %swap3A_460] : memref<256x32xi32, #tpu.memory_space<vmem>>, vector<256x1xi32>
    %swap3A_462 = vector.shape_cast %swap3A_461 : vector<256x1xi32> to vector<256xi32>
    %swap3A_463 = vector.shape_cast %reduce_sum3A_458 : vector<256xi32> to vector<256x1xi32>
    tpu.vector_store %arg2[%swap3A_459, %swap3A_460], %swap3A_463 {strides = array<i32>} : memref<256x32xi32, #tpu.memory_space<vmem>>, vector<256x1xi32>,
    %le3A_464 = arith.constant 2.000000e+00 : f32
    %le3A_465 = vector.broadcast %le3A_464 : f32 to vector<256x1000xf32>
    %le3A_466 = arith.cmpf ole, %dot_general3A_442, %le3A_465 : vector<256x1000xf32>
    %convert_element_type3A_467 = arith.extui %le3A_466 : vector<256x1000xi1> to vector<256x1000xi32>
    %reduce_sum3A_468 = arith.constant dense<0> : vector<256xi32>
    %reduce_sum3A_469 = vector.multi_reduction <add>, %convert_element_type3A_467, %reduce_sum3A_468 [1] : vector<256x1000xi32> to vector<256xi32>
    %swap3A_470 = arith.constant 0 : index
    %swap3A_471 = arith.constant 2 : index
    %swap3A_472 = vector.load %arg2[%swap3A_470, %swap3A_471] : memref<256x32xi32, #tpu.memory_space<vmem>>, vector<256x1xi32>
    %swap3A_473 = vector.shape_cast %swap3A_472 : vector<256x1xi32> to vector<256xi32>
    %swap3A_474 = vector.shape_cast %reduce_sum3A_469 : vector<256xi32> to vector<256x1xi32>
    tpu.vector_store %arg2[%swap3A_470, %swap3A_471], %swap3A_474 {strides = array<i32>} : memref<256x32xi32, #tpu.memory_space<vmem>>, vector<256x1xi32>,
    %le3A_475 = arith.constant 3.000000e+00 : f32
    %le3A_476 = vector.broadcast %le3A_475 : f32 to vector<256x1000xf32>
    %le3A_477 = arith.cmpf ole, %dot_general3A_442, %le3A_476 : vector<256x1000xf32>
    %convert_element_type3A_478 = arith.extui %le3A_477 : vector<256x1000xi1> to vector<256x1000xi32>
    %reduce_sum3A_479 = arith.constant dense<0> : vector<256xi32>
    %reduce_sum3A_480 = vector.multi_reduction <add>, %convert_element_type3A_478, %reduce_sum3A_479 [1] : vector<256x1000xi32> to vector<256xi32>
    %swap3A_481 = arith.constant 0 : index
    %swap3A_482 = arith.constant 3 : index
    %swap3A_483 = vector.load %arg2[%swap3A_481, %swap3A_482] : memref<256x32xi32, #tpu.memory_space<vmem>>, vector<256x1xi32>
    %swap3A_484 = vector.shape_cast %swap3A_483 : vector<256x1xi32> to vector<256xi32>
    %swap3A_485 = vector.shape_cast %reduce_sum3A_480 : vector<256xi32> to vector<256x1xi32>
    tpu.vector_store %arg2[%swap3A_481, %swap3A_482], %swap3A_485 {strides = array<i32>} : memref<256x32xi32, #tpu.memory_space<vmem>>, vector<256x1xi32>,
    %le3A_486 = arith.constant 4.000000e+00 : f32
    %le3A_487 = vector.broadcast %le3A_486 : f32 to vector<256x1000xf32>
    %le3A_488 = arith.cmpf ole, %dot_general3A_442, %le3A_487 : vector<256x1000xf32>
    %convert_element_type3A_489 = arith.extui %le3A_488 : vector<256x1000xi1> to vector<256x1000xi32>
    %reduce_sum3A_490 = arith.constant dense<0> : vector<256xi32>
    %reduce_sum3A_491 = vector.multi_reduction <add>, %convert_element_type3A_489, %reduce_sum3A_490 [1] : vector<256x1000xi32> to vector<256xi32>
    %swap3A_492 = arith.constant 0 : index
    %swap3A_493 = arith.constant 4 : index
    %swap3A_494 = vector.load %arg2[%swap3A_492, %swap3A_493] : memref<256x32xi32, #tpu.memory_space<vmem>>, vector<256x1xi32>
    %swap3A_495 = vector.shape_cast %swap3A_494 : vector<256x1xi32> to vector<256xi32>
    %swap3A_496 = vector.shape_cast %reduce_sum3A_491 : vector<256xi32> to vector<256x1xi32>
    tpu.vector_store %arg2[%swap3A_492, %swap3A_493], %swap3A_496 {strides = array<i32>} : memref<256x32xi32, #tpu.memory_space<vmem>>, vector<256x1xi32>,
    %le3A_497 = arith.constant 5.000000e+00 : f32
    %le3A_498 = vector.broadcast %le3A_497 : f32 to vector<256x1000xf32>
    %le3A_499 = arith.cmpf ole, %dot_general3A_442, %le3A_498 : vector<256x1000xf32>
    %convert_element_type3A_500 = arith.extui %le3A_499 : vector<256x1000xi1> to vector<256x1000xi32>
    %reduce_sum3A_501 = arith.constant dense<0> : vector<256xi32>
    %reduce_sum3A_502 = vector.multi_reduction <add>, %convert_element_type3A_500, %reduce_sum3A_501 [1] : vector<256x1000xi32> to vector<256xi32>
    %swap3A_503 = arith.constant 0 : index
    %swap3A_504 = arith.constant 5 : index
    %swap3A_505 = vector.load %arg2[%swap3A_503, %swap3A_504] : memref<256x32xi32, #tpu.memory_space<vmem>>, vector<256x1xi32>
    %swap3A_506 = vector.shape_cast %swap3A_505 : vector<256x1xi32> to vector<256xi32>
    %swap3A_507 = vector.shape_cast %reduce_sum3A_502 : vector<256xi32> to vector<256x1xi32>
    tpu.vector_store %arg2[%swap3A_503, %swap3A_504], %swap3A_507 {strides = array<i32>} : memref<256x32xi32, #tpu.memory_space<vmem>>, vector<256x1xi32>,
    %le3A_508 = arith.constant 6.000000e+00 : f32
    %le3A_509 = vector.broadcast %le3A_508 : f32 to vector<256x1000xf32>
    %le3A_510 = arith.cmpf ole, %dot_general3A_442, %le3A_509 : vector<256x1000xf32>
    %convert_element_type3A_511 = arith.extui %le3A_510 : vector<256x1000xi1> to vector<256x1000xi32>
    %reduce_sum3A_512 = arith.constant dense<0> : vector<256xi32>
    %reduce_sum3A_513 = vector.multi_reduction <add>, %convert_element_type3A_511, %reduce_sum3A_512 [1] : vector<256x1000xi32> to vector<256xi32>
    %swap3A_514 = arith.constant 0 : index
    %swap3A_515 = arith.constant 6 : index
    %swap3A_516 = vector.load %arg2[%swap3A_514, %swap3A_515] : memref<256x32xi32, #tpu.memory_space<vmem>>, vector<256x1xi32>
    %swap3A_517 = vector.shape_cast %swap3A_516 : vector<256x1xi32> to vector<256xi32>
    %swap3A_518 = vector.shape_cast %reduce_sum3A_513 : vector<256xi32> to vector<256x1xi32>
    tpu.vector_store %arg2[%swap3A_514, %swap3A_515], %swap3A_518 {strides = array<i32>} : memref<256x32xi32, #tpu.memory_space<vmem>>, vector<256x1xi32>,
    %le3A_519 = arith.constant 7.000000e+00 : f32
    %le3A_520 = vector.broadcast %le3A_519 : f32 to vector<256x1000xf32>
    %le3A_521 = arith.cmpf ole, %dot_general3A_442, %le3A_520 : vector<256x1000xf32>
    %convert_element_type3A_522 = arith.extui %le3A_521 : vector<256x1000xi1> to vector<256x1000xi32>
    %reduce_sum3A_523 = arith.constant dense<0> : vector<256xi32>
    %reduce_sum3A_524 = vector.multi_reduction <add>, %convert_element_type3A_522, %reduce_sum3A_523 [1] : vector<256x1000xi32> to vector<256xi32>
    %swap3A_525 = arith.constant 0 : index
    %swap3A_526 = arith.constant 7 : index
    %swap3A_527 = vector.load %arg2[%swap3A_525, %swap3A_526] : memref<256x32xi32, #tpu.memory_space<vmem>>, vector<256x1xi32>
    %swap3A_528 = vector.shape_cast %swap3A_527 : vector<256x1xi32> to vector<256xi32>
    %swap3A_529 = vector.shape_cast %reduce_sum3A_524 : vector<256xi32> to vector<256x1xi32>
    tpu.vector_store %arg2[%swap3A_525, %swap3A_526], %swap3A_529 {strides = array<i32>} : memref<256x32xi32, #tpu.memory_space<vmem>>, vector<256x1xi32>,
    %le3A_530 = arith.constant 8.000000e+00 : f32
    %le3A_531 = vector.broadcast %le3A_530 : f32 to vector<256x1000xf32>
    %le3A_532 = arith.cmpf ole, %dot_general3A_442, %le3A_531 : vector<256x1000xf32>
    %convert_element_type3A_533 = arith.extui %le3A_532 : vector<256x1000xi1> to vector<256x1000xi32>
    %reduce_sum3A_534 = arith.constant dense<0> : vector<256xi32>
    %reduce_sum3A_535 = vector.multi_reduction <add>, %convert_element_type3A_533, %reduce_sum3A_534 [1] : vector<256x1000xi32> to vector<256xi32>
    %swap3A_536 = arith.constant 0 : index
    %swap3A_537 = arith.constant 8 : index
    %swap3A_538 = vector.load %arg2[%swap3A_536, %swap3A_537] : memref<256x32xi32, #tpu.memory_space<vmem>>, vector<256x1xi32>
    %swap3A_539 = vector.shape_cast %swap3A_538 : vector<256x1xi32> to vector<256xi32>
    %swap3A_540 = vector.shape_cast %reduce_sum3A_535 : vector<256xi32> to vector<256x1xi32>
    tpu.vector_store %arg2[%swap3A_536, %swap3A_537], %swap3A_540 {strides = array<i32>} : memref<256x32xi32, #tpu.memory_space<vmem>>, vector<256x1xi32>,
    %le3A_541 = arith.constant 9.000000e+00 : f32
    %le3A_542 = vector.broadcast %le3A_541 : f32 to vector<256x1000xf32>
    %le3A_543 = arith.cmpf ole, %dot_general3A_442, %le3A_542 : vector<256x1000xf32>
    %convert_element_type3A_544 = arith.extui %le3A_543 : vector<256x1000xi1> to vector<256x1000xi32>
    %reduce_sum3A_545 = arith.constant dense<0> : vector<256xi32>
    %reduce_sum3A_546 = vector.multi_reduction <add>, %convert_element_type3A_544, %reduce_sum3A_545 [1] : vector<256x1000xi32> to vector<256xi32>
    %swap3A_547 = arith.constant 0 : index
    %swap3A_548 = arith.constant 9 : index
    %swap3A_549 = vector.load %arg2[%swap3A_547, %swap3A_548] : memref<256x32xi32, #tpu.memory_space<vmem>>, vector<256x1xi32>
    %swap3A_550 = vector.shape_cast %swap3A_549 : vector<256x1xi32> to vector<256xi32>
    %swap3A_551 = vector.shape_cast %reduce_sum3A_546 : vector<256xi32> to vector<256x1xi32>
    tpu.vector_store %arg2[%swap3A_547, %swap3A_548], %swap3A_551 {strides = array<i32>} : memref<256x32xi32, #tpu.memory_space<vmem>>, vector<256x1xi32>,
    %le3A_552 = arith.constant 1.000000e+01 : f32
    %le3A_553 = vector.broadcast %le3A_552 : f32 to vector<256x1000xf32>
    %le3A_554 = arith.cmpf ole, %dot_general3A_442, %le3A_553 : vector<256x1000xf32>
    %convert_element_type3A_555 = arith.extui %le3A_554 : vector<256x1000xi1> to vector<256x1000xi32>
    %reduce_sum3A_556 = arith.constant dense<0> : vector<256xi32>
    %reduce_sum3A_557 = vector.multi_reduction <add>, %convert_element_type3A_555, %reduce_sum3A_556 [1] : vector<256x1000xi32> to vector<256xi32>
    %swap3A_558 = arith.constant 0 : index
    %swap3A_559 = arith.constant 10 : index
    %swap3A_560 = vector.load %arg2[%swap3A_558, %swap3A_559] : memref<256x32xi32, #tpu.memory_space<vmem>>, vector<256x1xi32>
    %swap3A_561 = vector.shape_cast %swap3A_560 : vector<256x1xi32> to vector<256xi32>
    %swap3A_562 = vector.shape_cast %reduce_sum3A_557 : vector<256xi32> to vector<256x1xi32>
    tpu.vector_store %arg2[%swap3A_558, %swap3A_559], %swap3A_562 {strides = array<i32>} : memref<256x32xi32, #tpu.memory_space<vmem>>, vector<256x1xi32>,
    %le3A_563 = arith.constant 1.100000e+01 : f32
    %le3A_564 = vector.broadcast %le3A_563 : f32 to vector<256x1000xf32>
    %le3A_565 = arith.cmpf ole, %dot_general3A_442, %le3A_564 : vector<256x1000xf32>
    %convert_element_type3A_566 = arith.extui %le3A_565 : vector<256x1000xi1> to vector<256x1000xi32>
    %reduce_sum3A_567 = arith.constant dense<0> : vector<256xi32>
    %reduce_sum3A_568 = vector.multi_reduction <add>, %convert_element_type3A_566, %reduce_sum3A_567 [1] : vector<256x1000xi32> to vector<256xi32>
    %swap3A_569 = arith.constant 0 : index
    %swap3A_570 = arith.constant 11 : index
    %swap3A_571 = vector.load %arg2[%swap3A_569, %swap3A_570] : memref<256x32xi32, #tpu.memory_space<vmem>>, vector<256x1xi32>
    %swap3A_572 = vector.shape_cast %swap3A_571 : vector<256x1xi32> to vector<256xi32>
    %swap3A_573 = vector.shape_cast %reduce_sum3A_568 : vector<256xi32> to vector<256x1xi32>
    tpu.vector_store %arg2[%swap3A_569, %swap3A_570], %swap3A_573 {strides = array<i32>} : memref<256x32xi32, #tpu.memory_space<vmem>>, vector<256x1xi32>,
    %le3A_574 = arith.constant 1.200000e+01 : f32
    %le3A_575 = vector.broadcast %le3A_574 : f32 to vector<256x1000xf32>
    %le3A_576 = arith.cmpf ole, %dot_general3A_442, %le3A_575 : vector<256x1000xf32>
    %convert_element_type3A_577 = arith.extui %le3A_576 : vector<256x1000xi1> to vector<256x1000xi32>
    %reduce_sum3A_578 = arith.constant dense<0> : vector<256xi32>
    %reduce_sum3A_579 = vector.multi_reduction <add>, %convert_element_type3A_577, %reduce_sum3A_578 [1] : vector<256x1000xi32> to vector<256xi32>
    %swap3A_580 = arith.constant 0 : index
    %swap3A_581 = arith.constant 12 : index
    %swap3A_582 = vector.load %arg2[%swap3A_580, %swap3A_581] : memref<256x32xi32, #tpu.memory_space<vmem>>, vector<256x1xi32>
    %swap3A_583 = vector.shape_cast %swap3A_582 : vector<256x1xi32> to vector<256xi32>
    %swap3A_584 = vector.shape_cast %reduce_sum3A_579 : vector<256xi32> to vector<256x1xi32>
    tpu.vector_store %arg2[%swap3A_580, %swap3A_581], %swap3A_584 {strides = array<i32>} : memref<256x32xi32, #tpu.memory_space<vmem>>, vector<256x1xi32>,
    %le3A_585 = arith.constant 1.300000e+01 : f32
    %le3A_586 = vector.broadcast %le3A_585 : f32 to vector<256x1000xf32>
    %le3A_587 = arith.cmpf ole, %dot_general3A_442, %le3A_586 : vector<256x1000xf32>
    %convert_element_type3A_588 = arith.extui %le3A_587 : vector<256x1000xi1> to vector<256x1000xi32>
    %reduce_sum3A_589 = arith.constant dense<0> : vector<256xi32>
    %reduce_sum3A_590 = vector.multi_reduction <add>, %convert_element_type3A_588, %reduce_sum3A_589 [1] : vector<256x1000xi32> to vector<256xi32>
    %swap3A_591 = arith.constant 0 : index
    %swap3A_592 = arith.constant 13 : index
    %swap3A_593 = vector.load %arg2[%swap3A_591, %swap3A_592] : memref<256x32xi32, #tpu.memory_space<vmem>>, vector<256x1xi32>
    %swap3A_594 = vector.shape_cast %swap3A_593 : vector<256x1xi32> to vector<256xi32>
    %swap3A_595 = vector.shape_cast %reduce_sum3A_590 : vector<256xi32> to vector<256x1xi32>
    tpu.vector_store %arg2[%swap3A_591, %swap3A_592], %swap3A_595 {strides = array<i32>} : memref<256x32xi32, #tpu.memory_space<vmem>>, vector<256x1xi32>,
    %le3A_596 = arith.constant 1.400000e+01 : f32
    %le3A_597 = vector.broadcast %le3A_596 : f32 to vector<256x1000xf32>
    %le3A_598 = arith.cmpf ole, %dot_general3A_442, %le3A_597 : vector<256x1000xf32>
    %convert_element_type3A_599 = arith.extui %le3A_598 : vector<256x1000xi1> to vector<256x1000xi32>
    %reduce_sum3A_600 = arith.constant dense<0> : vector<256xi32>
    %reduce_sum3A_601 = vector.multi_reduction <add>, %convert_element_type3A_599, %reduce_sum3A_600 [1] : vector<256x1000xi32> to vector<256xi32>
    %swap3A_602 = arith.constant 0 : index
    %swap3A_603 = arith.constant 14 : index
    %swap3A_604 = vector.load %arg2[%swap3A_602, %swap3A_603] : memref<256x32xi32, #tpu.memory_space<vmem>>, vector<256x1xi32>
    %swap3A_605 = vector.shape_cast %swap3A_604 : vector<256x1xi32> to vector<256xi32>
    %swap3A_606 = vector.shape_cast %reduce_sum3A_601 : vector<256xi32> to vector<256x1xi32>
    tpu.vector_store %arg2[%swap3A_602, %swap3A_603], %swap3A_606 {strides = array<i32>} : memref<256x32xi32, #tpu.memory_space<vmem>>, vector<256x1xi32>,
    %le3A_607 = arith.constant 1.500000e+01 : f32
    %le3A_608 = vector.broadcast %le3A_607 : f32 to vector<256x1000xf32>
    %le3A_609 = arith.cmpf ole, %dot_general3A_442, %le3A_608 : vector<256x1000xf32>
    %convert_element_type3A_610 = arith.extui %le3A_609 : vector<256x1000xi1> to vector<256x1000xi32>
    %reduce_sum3A_611 = arith.constant dense<0> : vector<256xi32>
    %reduce_sum3A_612 = vector.multi_reduction <add>, %convert_element_type3A_610, %reduce_sum3A_611 [1] : vector<256x1000xi32> to vector<256xi32>
    %swap3A_613 = arith.constant 0 : index
    %swap3A_614 = arith.constant 15 : index
    %swap3A_615 = vector.load %arg2[%swap3A_613, %swap3A_614] : memref<256x32xi32, #tpu.memory_space<vmem>>, vector<256x1xi32>
    %swap3A_616 = vector.shape_cast %swap3A_615 : vector<256x1xi32> to vector<256xi32>
    %swap3A_617 = vector.shape_cast %reduce_sum3A_612 : vector<256xi32> to vector<256x1xi32>
    tpu.vector_store %arg2[%swap3A_613, %swap3A_614], %swap3A_617 {strides = array<i32>} : memref<256x32xi32, #tpu.memory_space<vmem>>, vector<256x1xi32>,
    %le3A_618 = arith.constant 1.600000e+01 : f32
    %le3A_619 = vector.broadcast %le3A_618 : f32 to vector<256x1000xf32>
    %le3A_620 = arith.cmpf ole, %dot_general3A_442, %le3A_619 : vector<256x1000xf32>
    %convert_element_type3A_621 = arith.extui %le3A_620 : vector<256x1000xi1> to vector<256x1000xi32>
    %reduce_sum3A_622 = arith.constant dense<0> : vector<256xi32>
    %reduce_sum3A_623 = vector.multi_reduction <add>, %convert_element_type3A_621, %reduce_sum3A_622 [1] : vector<256x1000xi32> to vector<256xi32>
    %swap3A_624 = arith.constant 0 : index
    %swap3A_625 = arith.constant 16 : index
    %swap3A_626 = vector.load %arg2[%swap3A_624, %swap3A_625] : memref<256x32xi32, #tpu.memory_space<vmem>>, vector<256x1xi32>
    %swap3A_627 = vector.shape_cast %swap3A_626 : vector<256x1xi32> to vector<256xi32>
    %swap3A_628 = vector.shape_cast %reduce_sum3A_623 : vector<256xi32> to vector<256x1xi32>
    tpu.vector_store %arg2[%swap3A_624, %swap3A_625], %swap3A_628 {strides = array<i32>} : memref<256x32xi32, #tpu.memory_space<vmem>>, vector<256x1xi32>,
    %le3A_629 = arith.constant 1.700000e+01 : f32
    %le3A_630 = vector.broadcast %le3A_629 : f32 to vector<256x1000xf32>
    %le3A_631 = arith.cmpf ole, %dot_general3A_442, %le3A_630 : vector<256x1000xf32>
    %convert_element_type3A_632 = arith.extui %le3A_631 : vector<256x1000xi1> to vector<256x1000xi32>
    %reduce_sum3A_633 = arith.constant dense<0> : vector<256xi32>
    %reduce_sum3A_634 = vector.multi_reduction <add>, %convert_element_type3A_632, %reduce_sum3A_633 [1] : vector<256x1000xi32> to vector<256xi32>
    %swap3A_635 = arith.constant 0 : index
    %swap3A_636 = arith.constant 17 : index
    %swap3A_637 = vector.load %arg2[%swap3A_635, %swap3A_636] : memref<256x32xi32, #tpu.memory_space<vmem>>, vector<256x1xi32>
    %swap3A_638 = vector.shape_cast %swap3A_637 : vector<256x1xi32> to vector<256xi32>
    %swap3A_639 = vector.shape_cast %reduce_sum3A_634 : vector<256xi32> to vector<256x1xi32>
    tpu.vector_store %arg2[%swap3A_635, %swap3A_636], %swap3A_639 {strides = array<i32>} : memref<256x32xi32, #tpu.memory_space<vmem>>, vector<256x1xi32>,
    %le3A_640 = arith.constant 1.800000e+01 : f32
    %le3A_641 = vector.broadcast %le3A_640 : f32 to vector<256x1000xf32>
    %le3A_642 = arith.cmpf ole, %dot_general3A_442, %le3A_641 : vector<256x1000xf32>
    %convert_element_type3A_643 = arith.extui %le3A_642 : vector<256x1000xi1> to vector<256x1000xi32>
    %reduce_sum3A_644 = arith.constant dense<0> : vector<256xi32>
    %reduce_sum3A_645 = vector.multi_reduction <add>, %convert_element_type3A_643, %reduce_sum3A_644 [1] : vector<256x1000xi32> to vector<256xi32>
    %swap3A_646 = arith.constant 0 : index
    %swap3A_647 = arith.constant 18 : index
    %swap3A_648 = vector.load %arg2[%swap3A_646, %swap3A_647] : memref<256x32xi32, #tpu.memory_space<vmem>>, vector<256x1xi32>
    %swap3A_649 = vector.shape_cast %swap3A_648 : vector<256x1xi32> to vector<256xi32>
    %swap3A_650 = vector.shape_cast %reduce_sum3A_645 : vector<256xi32> to vector<256x1xi32>
    tpu.vector_store %arg2[%swap3A_646, %swap3A_647], %swap3A_650 {strides = array<i32>} : memref<256x32xi32, #tpu.memory_space<vmem>>, vector<256x1xi32>,
    %le3A_651 = arith.constant 1.900000e+01 : f32
    %le3A_652 = vector.broadcast %le3A_651 : f32 to vector<256x1000xf32>
    %le3A_653 = arith.cmpf ole, %dot_general3A_442, %le3A_652 : vector<256x1000xf32>
    %convert_element_type3A_654 = arith.extui %le3A_653 : vector<256x1000xi1> to vector<256x1000xi32>
    %reduce_sum3A_655 = arith.constant dense<0> : vector<256xi32>
    %reduce_sum3A_656 = vector.multi_reduction <add>, %convert_element_type3A_654, %reduce_sum3A_655 [1] : vector<256x1000xi32> to vector<256xi32>
    %swap3A_657 = arith.constant 0 : index
    %swap3A_658 = arith.constant 19 : index
    %swap3A_659 = vector.load %arg2[%swap3A_657, %swap3A_658] : memref<256x32xi32, #tpu.memory_space<vmem>>, vector<256x1xi32>
    %swap3A_660 = vector.shape_cast %swap3A_659 : vector<256x1xi32> to vector<256xi32>
    %swap3A_661 = vector.shape_cast %reduce_sum3A_656 : vector<256xi32> to vector<256x1xi32>
    tpu.vector_store %arg2[%swap3A_657, %swap3A_658], %swap3A_661 {strides = array<i32>} : memref<256x32xi32, #tpu.memory_space<vmem>>, vector<256x1xi32>,
    %le3A_662 = arith.constant 2.000000e+01 : f32
    %le3A_663 = vector.broadcast %le3A_662 : f32 to vector<256x1000xf32>
    %le3A_664 = arith.cmpf ole, %dot_general3A_442, %le3A_663 : vector<256x1000xf32>
    %convert_element_type3A_665 = arith.extui %le3A_664 : vector<256x1000xi1> to vector<256x1000xi32>
    %reduce_sum3A_666 = arith.constant dense<0> : vector<256xi32>
    %reduce_sum3A_667 = vector.multi_reduction <add>, %convert_element_type3A_665, %reduce_sum3A_666 [1] : vector<256x1000xi32> to vector<256xi32>
    %swap3A_668 = arith.constant 0 : index
    %swap3A_669 = arith.constant 20 : index
    %swap3A_670 = vector.load %arg2[%swap3A_668, %swap3A_669] : memref<256x32xi32, #tpu.memory_space<vmem>>, vector<256x1xi32>
    %swap3A_671 = vector.shape_cast %swap3A_670 : vector<256x1xi32> to vector<256xi32>
    %swap3A_672 = vector.shape_cast %reduce_sum3A_667 : vector<256xi32> to vector<256x1xi32>
    tpu.vector_store %arg2[%swap3A_668, %swap3A_669], %swap3A_672 {strides = array<i32>} : memref<256x32xi32, #tpu.memory_space<vmem>>, vector<256x1xi32>,
    %le3A_673 = arith.constant 2.100000e+01 : f32
    %le3A_674 = vector.broadcast %le3A_673 : f32 to vector<256x1000xf32>
    %le3A_675 = arith.cmpf ole, %dot_general3A_442, %le3A_674 : vector<256x1000xf32>
    %convert_element_type3A_676 = arith.extui %le3A_675 : vector<256x1000xi1> to vector<256x1000xi32>
    %reduce_sum3A_677 = arith.constant dense<0> : vector<256xi32>
    %reduce_sum3A_678 = vector.multi_reduction <add>, %convert_element_type3A_676, %reduce_sum3A_677 [1] : vector<256x1000xi32> to vector<256xi32>
    %swap3A_679 = arith.constant 0 : index
    %swap3A_680 = arith.constant 21 : index
    %swap3A_681 = vector.load %arg2[%swap3A_679, %swap3A_680] : memref<256x32xi32, #tpu.memory_space<vmem>>, vector<256x1xi32>
    %swap3A_682 = vector.shape_cast %swap3A_681 : vector<256x1xi32> to vector<256xi32>
    %swap3A_683 = vector.shape_cast %reduce_sum3A_678 : vector<256xi32> to vector<256x1xi32>
    tpu.vector_store %arg2[%swap3A_679, %swap3A_680], %swap3A_683 {strides = array<i32>} : memref<256x32xi32, #tpu.memory_space<vmem>>, vector<256x1xi32>,
    %le3A_684 = arith.constant 2.200000e+01 : f32
    %le3A_685 = vector.broadcast %le3A_684 : f32 to vector<256x1000xf32>
    %le3A_686 = arith.cmpf ole, %dot_general3A_442, %le3A_685 : vector<256x1000xf32>
    %convert_element_type3A_687 = arith.extui %le3A_686 : vector<256x1000xi1> to vector<256x1000xi32>
    %reduce_sum3A_688 = arith.constant dense<0> : vector<256xi32>
    %reduce_sum3A_689 = vector.multi_reduction <add>, %convert_element_type3A_687, %reduce_sum3A_688 [1] : vector<256x1000xi32> to vector<256xi32>
    %swap3A_690 = arith.constant 0 : index
    %swap3A_691 = arith.constant 22 : index
    %swap3A_692 = vector.load %arg2[%swap3A_690, %swap3A_691] : memref<256x32xi32, #tpu.memory_space<vmem>>, vector<256x1xi32>
    %swap3A_693 = vector.shape_cast %swap3A_692 : vector<256x1xi32> to vector<256xi32>
    %swap3A_694 = vector.shape_cast %reduce_sum3A_689 : vector<256xi32> to vector<256x1xi32>
    tpu.vector_store %arg2[%swap3A_690, %swap3A_691], %swap3A_694 {strides = array<i32>} : memref<256x32xi32, #tpu.memory_space<vmem>>, vector<256x1xi32>,
    %le3A_695 = arith.constant 2.300000e+01 : f32
    %le3A_696 = vector.broadcast %le3A_695 : f32 to vector<256x1000xf32>
    %le3A_697 = arith.cmpf ole, %dot_general3A_442, %le3A_696 : vector<256x1000xf32>
    %convert_element_type3A_698 = arith.extui %le3A_697 : vector<256x1000xi1> to vector<256x1000xi32>
    %reduce_sum3A_699 = arith.constant dense<0> : vector<256xi32>
    %reduce_sum3A_700 = vector.multi_reduction <add>, %convert_element_type3A_698, %reduce_sum3A_699 [1] : vector<256x1000xi32> to vector<256xi32>
    %swap3A_701 = arith.constant 0 : index
    %swap3A_702 = arith.constant 23 : index
    %swap3A_703 = vector.load %arg2[%swap3A_701, %swap3A_702] : memref<256x32xi32, #tpu.memory_space<vmem>>, vector<256x1xi32>
    %swap3A_704 = vector.shape_cast %swap3A_703 : vector<256x1xi32> to vector<256xi32>
    %swap3A_705 = vector.shape_cast %reduce_sum3A_700 : vector<256xi32> to vector<256x1xi32>
    tpu.vector_store %arg2[%swap3A_701, %swap3A_702], %swap3A_705 {strides = array<i32>} : memref<256x32xi32, #tpu.memory_space<vmem>>, vector<256x1xi32>,
    %le3A_706 = arith.constant 2.400000e+01 : f32
    %le3A_707 = vector.broadcast %le3A_706 : f32 to vector<256x1000xf32>
    %le3A_708 = arith.cmpf ole, %dot_general3A_442, %le3A_707 : vector<256x1000xf32>
    %convert_element_type3A_709 = arith.extui %le3A_708 : vector<256x1000xi1> to vector<256x1000xi32>
    %reduce_sum3A_710 = arith.constant dense<0> : vector<256xi32>
    %reduce_sum3A_711 = vector.multi_reduction <add>, %convert_element_type3A_709, %reduce_sum3A_710 [1] : vector<256x1000xi32> to vector<256xi32>
    %swap3A_712 = arith.constant 0 : index
    %swap3A_713 = arith.constant 24 : index
    %swap3A_714 = vector.load %arg2[%swap3A_712, %swap3A_713] : memref<256x32xi32, #tpu.memory_space<vmem>>, vector<256x1xi32>
    %swap3A_715 = vector.shape_cast %swap3A_714 : vector<256x1xi32> to vector<256xi32>
    %swap3A_716 = vector.shape_cast %reduce_sum3A_711 : vector<256xi32> to vector<256x1xi32>
    tpu.vector_store %arg2[%swap3A_712, %swap3A_713], %swap3A_716 {strides = array<i32>} : memref<256x32xi32, #tpu.memory_space<vmem>>, vector<256x1xi32>,
    %le3A_717 = arith.constant 2.500000e+01 : f32
    %le3A_718 = vector.broadcast %le3A_717 : f32 to vector<256x1000xf32>
    %le3A_719 = arith.cmpf ole, %dot_general3A_442, %le3A_718 : vector<256x1000xf32>
    %convert_element_type3A_720 = arith.extui %le3A_719 : vector<256x1000xi1> to vector<256x1000xi32>
    %reduce_sum3A_721 = arith.constant dense<0> : vector<256xi32>
    %reduce_sum3A_722 = vector.multi_reduction <add>, %convert_element_type3A_720, %reduce_sum3A_721 [1] : vector<256x1000xi32> to vector<256xi32>
    %swap3A_723 = arith.constant 0 : index
    %swap3A_724 = arith.constant 25 : index
    %swap3A_725 = vector.load %arg2[%swap3A_723, %swap3A_724] : memref<256x32xi32, #tpu.memory_space<vmem>>, vector<256x1xi32>
    %swap3A_726 = vector.shape_cast %swap3A_725 : vector<256x1xi32> to vector<256xi32>
    %swap3A_727 = vector.shape_cast %reduce_sum3A_722 : vector<256xi32> to vector<256x1xi32>
    tpu.vector_store %arg2[%swap3A_723, %swap3A_724], %swap3A_727 {strides = array<i32>} : memref<256x32xi32, #tpu.memory_space<vmem>>, vector<256x1xi32>,
    %le3A_728 = arith.constant 2.600000e+01 : f32
    %le3A_729 = vector.broadcast %le3A_728 : f32 to vector<256x1000xf32>
    %le3A_730 = arith.cmpf ole, %dot_general3A_442, %le3A_729 : vector<256x1000xf32>
    %convert_element_type3A_731 = arith.extui %le3A_730 : vector<256x1000xi1> to vector<256x1000xi32>
    %reduce_sum3A_732 = arith.constant dense<0> : vector<256xi32>
    %reduce_sum3A_733 = vector.multi_reduction <add>, %convert_element_type3A_731, %reduce_sum3A_732 [1] : vector<256x1000xi32> to vector<256xi32>
    %swap3A_734 = arith.constant 0 : index
    %swap3A_735 = arith.constant 26 : index
    %swap3A_736 = vector.load %arg2[%swap3A_734, %swap3A_735] : memref<256x32xi32, #tpu.memory_space<vmem>>, vector<256x1xi32>
    %swap3A_737 = vector.shape_cast %swap3A_736 : vector<256x1xi32> to vector<256xi32>
    %swap3A_738 = vector.shape_cast %reduce_sum3A_733 : vector<256xi32> to vector<256x1xi32>
    tpu.vector_store %arg2[%swap3A_734, %swap3A_735], %swap3A_738 {strides = array<i32>} : memref<256x32xi32, #tpu.memory_space<vmem>>, vector<256x1xi32>,
    %le3A_739 = arith.constant 2.700000e+01 : f32
    %le3A_740 = vector.broadcast %le3A_739 : f32 to vector<256x1000xf32>
    %le3A_741 = arith.cmpf ole, %dot_general3A_442, %le3A_740 : vector<256x1000xf32>
    %convert_element_type3A_742 = arith.extui %le3A_741 : vector<256x1000xi1> to vector<256x1000xi32>
    %reduce_sum3A_743 = arith.constant dense<0> : vector<256xi32>
    %reduce_sum3A_744 = vector.multi_reduction <add>, %convert_element_type3A_742, %reduce_sum3A_743 [1] : vector<256x1000xi32> to vector<256xi32>
    %swap3A_745 = arith.constant 0 : index
    %swap3A_746 = arith.constant 27 : index
    %swap3A_747 = vector.load %arg2[%swap3A_745, %swap3A_746] : memref<256x32xi32, #tpu.memory_space<vmem>>, vector<256x1xi32>
    %swap3A_748 = vector.shape_cast %swap3A_747 : vector<256x1xi32> to vector<256xi32>
    %swap3A_749 = vector.shape_cast %reduce_sum3A_744 : vector<256xi32> to vector<256x1xi32>
    tpu.vector_store %arg2[%swap3A_745, %swap3A_746], %swap3A_749 {strides = array<i32>} : memref<256x32xi32, #tpu.memory_space<vmem>>, vector<256x1xi32>,
    %le3A_750 = arith.constant 2.800000e+01 : f32
    %le3A_751 = vector.broadcast %le3A_750 : f32 to vector<256x1000xf32>
    %le3A_752 = arith.cmpf ole, %dot_general3A_442, %le3A_751 : vector<256x1000xf32>
    %convert_element_type3A_753 = arith.extui %le3A_752 : vector<256x1000xi1> to vector<256x1000xi32>
    %reduce_sum3A_754 = arith.constant dense<0> : vector<256xi32>
    %reduce_sum3A_755 = vector.multi_reduction <add>, %convert_element_type3A_753, %reduce_sum3A_754 [1] : vector<256x1000xi32> to vector<256xi32>
    %swap3A_756 = arith.constant 0 : index
    %swap3A_757 = arith.constant 28 : index
    %swap3A_758 = vector.load %arg2[%swap3A_756, %swap3A_757] : memref<256x32xi32, #tpu.memory_space<vmem>>, vector<256x1xi32>
    %swap3A_759 = vector.shape_cast %swap3A_758 : vector<256x1xi32> to vector<256xi32>
    %swap3A_760 = vector.shape_cast %reduce_sum3A_755 : vector<256xi32> to vector<256x1xi32>
    tpu.vector_store %arg2[%swap3A_756, %swap3A_757], %swap3A_760 {strides = array<i32>} : memref<256x32xi32, #tpu.memory_space<vmem>>, vector<256x1xi32>,
    %le3A_761 = arith.constant 2.900000e+01 : f32
    %le3A_762 = vector.broadcast %le3A_761 : f32 to vector<256x1000xf32>
    %le3A_763 = arith.cmpf ole, %dot_general3A_442, %le3A_762 : vector<256x1000xf32>
    %convert_element_type3A_764 = arith.extui %le3A_763 : vector<256x1000xi1> to vector<256x1000xi32>
    %reduce_sum3A_765 = arith.constant dense<0> : vector<256xi32>
    %reduce_sum3A_766 = vector.multi_reduction <add>, %convert_element_type3A_764, %reduce_sum3A_765 [1] : vector<256x1000xi32> to vector<256xi32>
    %swap3A_767 = arith.constant 0 : index
    %swap3A_768 = arith.constant 29 : index
    %swap3A_769 = vector.load %arg2[%swap3A_767, %swap3A_768] : memref<256x32xi32, #tpu.memory_space<vmem>>, vector<256x1xi32>
    %swap3A_770 = vector.shape_cast %swap3A_769 : vector<256x1xi32> to vector<256xi32>
    %swap3A_771 = vector.shape_cast %reduce_sum3A_766 : vector<256xi32> to vector<256x1xi32>
    tpu.vector_store %arg2[%swap3A_767, %swap3A_768], %swap3A_771 {strides = array<i32>} : memref<256x32xi32, #tpu.memory_space<vmem>>, vector<256x1xi32>,
    %le3A_772 = arith.constant 3.000000e+01 : f32
    %le3A_773 = vector.broadcast %le3A_772 : f32 to vector<256x1000xf32>
    %le3A_774 = arith.cmpf ole, %dot_general3A_442, %le3A_773 : vector<256x1000xf32>
    %convert_element_type3A_775 = arith.extui %le3A_774 : vector<256x1000xi1> to vector<256x1000xi32>
    %reduce_sum3A_776 = arith.constant dense<0> : vector<256xi32>
    %reduce_sum3A_777 = vector.multi_reduction <add>, %convert_element_type3A_775, %reduce_sum3A_776 [1] : vector<256x1000xi32> to vector<256xi32>
    %swap3A_778 = arith.constant 0 : index
    %swap3A_779 = arith.constant 30 : index
    %swap3A_780 = vector.load %arg2[%swap3A_778, %swap3A_779] : memref<256x32xi32, #tpu.memory_space<vmem>>, vector<256x1xi32>
    %swap3A_781 = vector.shape_cast %swap3A_780 : vector<256x1xi32> to vector<256xi32>
    %swap3A_782 = vector.shape_cast %reduce_sum3A_777 : vector<256xi32> to vector<256x1xi32>
    tpu.vector_store %arg2[%swap3A_778, %swap3A_779], %swap3A_782 {strides = array<i32>} : memref<256x32xi32, #tpu.memory_space<vmem>>, vector<256x1xi32>,
    %le3A_783 = arith.constant 3.100000e+01 : f32
    %le3A_784 = vector.broadcast %le3A_783 : f32 to vector<256x1000xf32>
    %le3A_785 = arith.cmpf ole, %dot_general3A_442, %le3A_784 : vector<256x1000xf32>
    %convert_element_type3A_786 = arith.extui %le3A_785 : vector<256x1000xi1> to vector<256x1000xi32>
    %reduce_sum3A_787 = arith.constant dense<0> : vector<256xi32>
    %reduce_sum3A_788 = vector.multi_reduction <add>, %convert_element_type3A_786, %reduce_sum3A_787 [1] : vector<256x1000xi32> to vector<256xi32>
    %swap3A_789 = arith.constant 0 : index
    %swap3A_790 = arith.constant 31 : index
    %swap3A_791 = vector.load %arg2[%swap3A_789, %swap3A_790] : memref<256x32xi32, #tpu.memory_space<vmem>>, vector<256x1xi32>
    %swap3A_792 = vector.shape_cast %swap3A_791 : vector<256x1xi32> to vector<256xi32>
    %swap3A_793 = vector.shape_cast %reduce_sum3A_788 : vector<256xi32> to vector<256x1xi32>
    tpu.vector_store %arg2[%swap3A_789, %swap3A_790], %swap3A_793 {strides = array<i32>} : memref<256x32xi32, #tpu.memory_space<vmem>>, vector<256x1xi32>,
    return
  }
  func.func @transform_0(%arg0: i32) -> (i32, i32) {
    %c0_i32 = arith.constant 0 : i32
    %c0_i32_0 = arith.constant 0 : i32
    return %arg0, %c0_i32 : i32, i32
  }
  func.func @transform_1(%arg0: i32) -> (i32, i32) {
    %c0_i32 = arith.constant 0 : i32
    %c0_i32_0 = arith.constant 0 : i32
    return %arg0, %c0_i32 : i32, i32
  }
}

module attributes {stable_mosaic.version = 14 : i64} {
  func.func @_outstage_body(%arg0: i32, %arg1: memref<8x16xf32, #tpu.memory_space<vmem>>, %arg2: memref<16x16384xf32, #tpu.memory_space<vmem>>, %arg3: memref<16x16384xf32, #tpu.memory_space<vmem>>, %arg4: memref<16x128xf32, #tpu.memory_space<vmem>>, %arg5: memref<64x8x128xf32, #tpu.memory_space<vmem>>, %arg6: memref<64x8x128xf32, #tpu.memory_space<vmem>>, %arg7: memref<64x8x128xf32, #tpu.memory_space<vmem>>) attributes {dimension_semantics = [#tpu.dimension_semantics<arbitrary>], iteration_bounds = array<i64: 125>, scalar_prefetch = 0 : i64, scratch_operands = 0 : i64, tpu.core_type = #tpu.core_type<tc>, window_params = [{transform_indices = @transform_0, window_bounds = array<i64: 8, 16>}, {pipeline_mode = #tpu.pipeline_mode<synchronous>, transform_indices = @transform_1, window_bounds = array<i64: 16, 16384>}, {pipeline_mode = #tpu.pipeline_mode<synchronous>, transform_indices = @transform_2, window_bounds = array<i64: 16, 16384>}, {pipeline_mode = #tpu.pipeline_mode<synchronous>, transform_indices = @transform_3, window_bounds = array<i64: 16, 128>}, {transform_indices = @transform_4, window_bounds = array<i64: 64, 8, 128>}, {transform_indices = @transform_5, window_bounds = array<i64: 64, 8, 128>}, {transform_indices = @transform_6, window_bounds = array<i64: 64, 8, 128>}]} {
    %get3A = arith.constant 0 : index
    %get3A_0 = arith.constant 0 : index
    %get3A_1 = vector.load %arg1[%get3A, %get3A_0] : memref<8x16xf32, #tpu.memory_space<vmem>>, vector<8x16xf32>
    %get3A_2 = arith.constant 0 : index
    %get3A_3 = arith.constant 0 : index
    %get3A_4 = vector.load %arg2[%get3A_2, %get3A_3] : memref<16x16384xf32, #tpu.memory_space<vmem>>, vector<16x16384xf32>
    %dot_general3A = arith.constant dense<0.000000e+00> : vector<8x16384xf32>
    %dot_general3A_5 = tpu.matmul %get3A_1, %get3A_4, %dot_general3A {dimension_numbers = #tpu.dot_dimension_numbers<[1], [0], [0], [1], [0, 0, 1, 1], [], []>, transpose_lhs_hint = false} : vector<8x16xf32>, vector<16x16384xf32>, vector<8x16384xf32> -> vector<8x16384xf32>
    %get3A_6 = arith.constant 0 : index
    %get3A_7 = arith.constant 0 : index
    %get3A_8 = vector.load %arg3[%get3A_6, %get3A_7] : memref<16x16384xf32, #tpu.memory_space<vmem>>, vector<16x16384xf32>
    %dot_general3A_9 = arith.constant dense<0.000000e+00> : vector<8x16384xf32>
    %dot_general3A_10 = tpu.matmul %get3A_1, %get3A_8, %dot_general3A_9 {dimension_numbers = #tpu.dot_dimension_numbers<[1], [0], [0], [1], [0, 0, 1, 1], [], []>, transpose_lhs_hint = false} : vector<8x16xf32>, vector<16x16384xf32>, vector<8x16384xf32> -> vector<8x16384xf32>
    %get3A_11 = arith.constant 0 : index
    %get3A_12 = arith.constant 0 : index
    %get3A_13 = vector.load %arg4[%get3A_11, %get3A_12] : memref<16x128xf32, #tpu.memory_space<vmem>>, vector<16x128xf32>
    %dot_general3A_14 = arith.constant dense<0.000000e+00> : vector<8x128xf32>
    %dot_general3A_15 = tpu.matmul %get3A_1, %get3A_13, %dot_general3A_14 {dimension_numbers = #tpu.dot_dimension_numbers<[1], [0], [0], [1], [0, 0, 1, 1], [], []>, transpose_lhs_hint = false} : vector<8x16xf32>, vector<16x128xf32>, vector<8x128xf32> -> vector<8x128xf32>
    %slice3A = vector.extract_strided_slice %dot_general3A_5 {offsets = [0, 0], sizes = [1, 16384], strides = [1, 1]} : vector<8x16384xf32> to vector<1x16384xf32>
    %squeeze3A = vector.shape_cast %slice3A : vector<1x16384xf32> to vector<16384xf32>
    %reshape3A = vector.shape_cast %squeeze3A : vector<16384xf32> to vector<128x128xf32>
    %slice3A_16 = vector.extract_strided_slice %dot_general3A_10 {offsets = [0, 0], sizes = [1, 16384], strides = [1, 1]} : vector<8x16384xf32> to vector<1x16384xf32>
    %squeeze3A_17 = vector.shape_cast %slice3A_16 : vector<1x16384xf32> to vector<16384xf32>
    %reshape3A_18 = vector.shape_cast %squeeze3A_17 : vector<16384xf32> to vector<128x128xf32>
    %get3A_19 = arith.constant 0 : index
    %get3A_20 = arith.constant 0 : index
    %get3A_21 = arith.constant 0 : index
    %get3A_22 = vector.load %arg5[%get3A_19, %get3A_20, %get3A_21] : memref<64x8x128xf32, #tpu.memory_space<vmem>>, vector<64x1x128xf32>
    %get3A_23 = vector.shape_cast %get3A_22 : vector<64x1x128xf32> to vector<64x128xf32>
    %dot_general3A_24 = arith.constant dense<0.000000e+00> : vector<64x128xf32>
    %dot_general3A_25 = tpu.matmul %get3A_23, %reshape3A, %dot_general3A_24 {dimension_numbers = #tpu.dot_dimension_numbers<[1], [0], [0], [1], [0, 0, 1, 1], [], []>, transpose_lhs_hint = false} : vector<64x128xf32>, vector<128x128xf32>, vector<64x128xf32> -> vector<64x128xf32>
    %get3A_26 = arith.constant 0 : index
    %get3A_27 = arith.constant 0 : index
    %get3A_28 = arith.constant 0 : index
    %get3A_29 = vector.load %arg6[%get3A_26, %get3A_27, %get3A_28] : memref<64x8x128xf32, #tpu.memory_space<vmem>>, vector<64x1x128xf32>
    %get3A_30 = vector.shape_cast %get3A_29 : vector<64x1x128xf32> to vector<64x128xf32>
    %dot_general3A_31 = arith.constant dense<0.000000e+00> : vector<64x128xf32>
    %dot_general3A_32 = tpu.matmul %get3A_30, %reshape3A_18, %dot_general3A_31 {dimension_numbers = #tpu.dot_dimension_numbers<[1], [0], [0], [1], [0, 0, 1, 1], [], []>, transpose_lhs_hint = false} : vector<64x128xf32>, vector<128x128xf32>, vector<64x128xf32> -> vector<64x128xf32>
    %add3A = arith.addf %dot_general3A_25, %dot_general3A_32 : vector<64x128xf32>
    %slice3A_33 = vector.extract_strided_slice %dot_general3A_15 {offsets = [0, 0], sizes = [1, 128], strides = [1, 1]} : vector<8x128xf32> to vector<1x128xf32>
    %squeeze3A_34 = vector.shape_cast %slice3A_33 : vector<1x128xf32> to vector<128xf32>
    %broadcast_in_dim3A = vector.shape_cast %squeeze3A_34 : vector<128xf32> to vector<1x128xf32>
    %add3A_35 = vector.broadcast %broadcast_in_dim3A : vector<1x128xf32> to vector<64x128xf32>
    %add3A_36 = arith.addf %add3A, %add3A_35 : vector<64x128xf32>
    %swap3A = arith.constant 0 : index
    %swap3A_37 = arith.constant 0 : index
    %swap3A_38 = arith.constant 0 : index
    %swap3A_39 = vector.load %arg7[%swap3A, %swap3A_37, %swap3A_38] : memref<64x8x128xf32, #tpu.memory_space<vmem>>, vector<64x1x128xf32>
    %swap3A_40 = vector.shape_cast %swap3A_39 : vector<64x1x128xf32> to vector<64x128xf32>
    %swap3A_41 = vector.shape_cast %add3A_36 : vector<64x128xf32> to vector<64x1x128xf32>
    tpu.vector_store %arg7[%swap3A, %swap3A_37, %swap3A_38], %swap3A_41 {strides = array<i32>} : memref<64x8x128xf32, #tpu.memory_space<vmem>>, vector<64x1x128xf32>,
    %slice3A_42 = vector.extract_strided_slice %dot_general3A_5 {offsets = [1, 0], sizes = [1, 16384], strides = [1, 1]} : vector<8x16384xf32> to vector<1x16384xf32>
    %squeeze3A_43 = vector.shape_cast %slice3A_42 : vector<1x16384xf32> to vector<16384xf32>
    %reshape3A_44 = vector.shape_cast %squeeze3A_43 : vector<16384xf32> to vector<128x128xf32>
    %slice3A_45 = vector.extract_strided_slice %dot_general3A_10 {offsets = [1, 0], sizes = [1, 16384], strides = [1, 1]} : vector<8x16384xf32> to vector<1x16384xf32>
    %squeeze3A_46 = vector.shape_cast %slice3A_45 : vector<1x16384xf32> to vector<16384xf32>
    %reshape3A_47 = vector.shape_cast %squeeze3A_46 : vector<16384xf32> to vector<128x128xf32>
    %get3A_48 = arith.constant 0 : index
    %get3A_49 = arith.constant 1 : index
    %get3A_50 = arith.constant 0 : index
    %get3A_51 = vector.load %arg5[%get3A_48, %get3A_49, %get3A_50] : memref<64x8x128xf32, #tpu.memory_space<vmem>>, vector<64x1x128xf32>
    %get3A_52 = vector.shape_cast %get3A_51 : vector<64x1x128xf32> to vector<64x128xf32>
    %dot_general3A_53 = arith.constant dense<0.000000e+00> : vector<64x128xf32>
    %dot_general3A_54 = tpu.matmul %get3A_52, %reshape3A_44, %dot_general3A_53 {dimension_numbers = #tpu.dot_dimension_numbers<[1], [0], [0], [1], [0, 0, 1, 1], [], []>, transpose_lhs_hint = false} : vector<64x128xf32>, vector<128x128xf32>, vector<64x128xf32> -> vector<64x128xf32>
    %get3A_55 = arith.constant 0 : index
    %get3A_56 = arith.constant 1 : index
    %get3A_57 = arith.constant 0 : index
    %get3A_58 = vector.load %arg6[%get3A_55, %get3A_56, %get3A_57] : memref<64x8x128xf32, #tpu.memory_space<vmem>>, vector<64x1x128xf32>
    %get3A_59 = vector.shape_cast %get3A_58 : vector<64x1x128xf32> to vector<64x128xf32>
    %dot_general3A_60 = arith.constant dense<0.000000e+00> : vector<64x128xf32>
    %dot_general3A_61 = tpu.matmul %get3A_59, %reshape3A_47, %dot_general3A_60 {dimension_numbers = #tpu.dot_dimension_numbers<[1], [0], [0], [1], [0, 0, 1, 1], [], []>, transpose_lhs_hint = false} : vector<64x128xf32>, vector<128x128xf32>, vector<64x128xf32> -> vector<64x128xf32>
    %add3A_62 = arith.addf %dot_general3A_54, %dot_general3A_61 : vector<64x128xf32>
    %slice3A_63 = vector.extract_strided_slice %dot_general3A_15 {offsets = [1, 0], sizes = [1, 128], strides = [1, 1]} : vector<8x128xf32> to vector<1x128xf32>
    %squeeze3A_64 = vector.shape_cast %slice3A_63 : vector<1x128xf32> to vector<128xf32>
    %broadcast_in_dim3A_65 = vector.shape_cast %squeeze3A_64 : vector<128xf32> to vector<1x128xf32>
    %add3A_66 = vector.broadcast %broadcast_in_dim3A_65 : vector<1x128xf32> to vector<64x128xf32>
    %add3A_67 = arith.addf %add3A_62, %add3A_66 : vector<64x128xf32>
    %swap3A_68 = arith.constant 0 : index
    %swap3A_69 = arith.constant 1 : index
    %swap3A_70 = arith.constant 0 : index
    %swap3A_71 = vector.load %arg7[%swap3A_68, %swap3A_69, %swap3A_70] : memref<64x8x128xf32, #tpu.memory_space<vmem>>, vector<64x1x128xf32>
    %swap3A_72 = vector.shape_cast %swap3A_71 : vector<64x1x128xf32> to vector<64x128xf32>
    %swap3A_73 = vector.shape_cast %add3A_67 : vector<64x128xf32> to vector<64x1x128xf32>
    tpu.vector_store %arg7[%swap3A_68, %swap3A_69, %swap3A_70], %swap3A_73 {strides = array<i32>} : memref<64x8x128xf32, #tpu.memory_space<vmem>>, vector<64x1x128xf32>,
    %slice3A_74 = vector.extract_strided_slice %dot_general3A_5 {offsets = [2, 0], sizes = [1, 16384], strides = [1, 1]} : vector<8x16384xf32> to vector<1x16384xf32>
    %squeeze3A_75 = vector.shape_cast %slice3A_74 : vector<1x16384xf32> to vector<16384xf32>
    %reshape3A_76 = vector.shape_cast %squeeze3A_75 : vector<16384xf32> to vector<128x128xf32>
    %slice3A_77 = vector.extract_strided_slice %dot_general3A_10 {offsets = [2, 0], sizes = [1, 16384], strides = [1, 1]} : vector<8x16384xf32> to vector<1x16384xf32>
    %squeeze3A_78 = vector.shape_cast %slice3A_77 : vector<1x16384xf32> to vector<16384xf32>
    %reshape3A_79 = vector.shape_cast %squeeze3A_78 : vector<16384xf32> to vector<128x128xf32>
    %get3A_80 = arith.constant 0 : index
    %get3A_81 = arith.constant 2 : index
    %get3A_82 = arith.constant 0 : index
    %get3A_83 = vector.load %arg5[%get3A_80, %get3A_81, %get3A_82] : memref<64x8x128xf32, #tpu.memory_space<vmem>>, vector<64x1x128xf32>
    %get3A_84 = vector.shape_cast %get3A_83 : vector<64x1x128xf32> to vector<64x128xf32>
    %dot_general3A_85 = arith.constant dense<0.000000e+00> : vector<64x128xf32>
    %dot_general3A_86 = tpu.matmul %get3A_84, %reshape3A_76, %dot_general3A_85 {dimension_numbers = #tpu.dot_dimension_numbers<[1], [0], [0], [1], [0, 0, 1, 1], [], []>, transpose_lhs_hint = false} : vector<64x128xf32>, vector<128x128xf32>, vector<64x128xf32> -> vector<64x128xf32>
    %get3A_87 = arith.constant 0 : index
    %get3A_88 = arith.constant 2 : index
    %get3A_89 = arith.constant 0 : index
    %get3A_90 = vector.load %arg6[%get3A_87, %get3A_88, %get3A_89] : memref<64x8x128xf32, #tpu.memory_space<vmem>>, vector<64x1x128xf32>
    %get3A_91 = vector.shape_cast %get3A_90 : vector<64x1x128xf32> to vector<64x128xf32>
    %dot_general3A_92 = arith.constant dense<0.000000e+00> : vector<64x128xf32>
    %dot_general3A_93 = tpu.matmul %get3A_91, %reshape3A_79, %dot_general3A_92 {dimension_numbers = #tpu.dot_dimension_numbers<[1], [0], [0], [1], [0, 0, 1, 1], [], []>, transpose_lhs_hint = false} : vector<64x128xf32>, vector<128x128xf32>, vector<64x128xf32> -> vector<64x128xf32>
    %add3A_94 = arith.addf %dot_general3A_86, %dot_general3A_93 : vector<64x128xf32>
    %slice3A_95 = vector.extract_strided_slice %dot_general3A_15 {offsets = [2, 0], sizes = [1, 128], strides = [1, 1]} : vector<8x128xf32> to vector<1x128xf32>
    %squeeze3A_96 = vector.shape_cast %slice3A_95 : vector<1x128xf32> to vector<128xf32>
    %broadcast_in_dim3A_97 = vector.shape_cast %squeeze3A_96 : vector<128xf32> to vector<1x128xf32>
    %add3A_98 = vector.broadcast %broadcast_in_dim3A_97 : vector<1x128xf32> to vector<64x128xf32>
    %add3A_99 = arith.addf %add3A_94, %add3A_98 : vector<64x128xf32>
    %swap3A_100 = arith.constant 0 : index
    %swap3A_101 = arith.constant 2 : index
    %swap3A_102 = arith.constant 0 : index
    %swap3A_103 = vector.load %arg7[%swap3A_100, %swap3A_101, %swap3A_102] : memref<64x8x128xf32, #tpu.memory_space<vmem>>, vector<64x1x128xf32>
    %swap3A_104 = vector.shape_cast %swap3A_103 : vector<64x1x128xf32> to vector<64x128xf32>
    %swap3A_105 = vector.shape_cast %add3A_99 : vector<64x128xf32> to vector<64x1x128xf32>
    tpu.vector_store %arg7[%swap3A_100, %swap3A_101, %swap3A_102], %swap3A_105 {strides = array<i32>} : memref<64x8x128xf32, #tpu.memory_space<vmem>>, vector<64x1x128xf32>,
    %slice3A_106 = vector.extract_strided_slice %dot_general3A_5 {offsets = [3, 0], sizes = [1, 16384], strides = [1, 1]} : vector<8x16384xf32> to vector<1x16384xf32>
    %squeeze3A_107 = vector.shape_cast %slice3A_106 : vector<1x16384xf32> to vector<16384xf32>
    %reshape3A_108 = vector.shape_cast %squeeze3A_107 : vector<16384xf32> to vector<128x128xf32>
    %slice3A_109 = vector.extract_strided_slice %dot_general3A_10 {offsets = [3, 0], sizes = [1, 16384], strides = [1, 1]} : vector<8x16384xf32> to vector<1x16384xf32>
    %squeeze3A_110 = vector.shape_cast %slice3A_109 : vector<1x16384xf32> to vector<16384xf32>
    %reshape3A_111 = vector.shape_cast %squeeze3A_110 : vector<16384xf32> to vector<128x128xf32>
    %get3A_112 = arith.constant 0 : index
    %get3A_113 = arith.constant 3 : index
    %get3A_114 = arith.constant 0 : index
    %get3A_115 = vector.load %arg5[%get3A_112, %get3A_113, %get3A_114] : memref<64x8x128xf32, #tpu.memory_space<vmem>>, vector<64x1x128xf32>
    %get3A_116 = vector.shape_cast %get3A_115 : vector<64x1x128xf32> to vector<64x128xf32>
    %dot_general3A_117 = arith.constant dense<0.000000e+00> : vector<64x128xf32>
    %dot_general3A_118 = tpu.matmul %get3A_116, %reshape3A_108, %dot_general3A_117 {dimension_numbers = #tpu.dot_dimension_numbers<[1], [0], [0], [1], [0, 0, 1, 1], [], []>, transpose_lhs_hint = false} : vector<64x128xf32>, vector<128x128xf32>, vector<64x128xf32> -> vector<64x128xf32>
    %get3A_119 = arith.constant 0 : index
    %get3A_120 = arith.constant 3 : index
    %get3A_121 = arith.constant 0 : index
    %get3A_122 = vector.load %arg6[%get3A_119, %get3A_120, %get3A_121] : memref<64x8x128xf32, #tpu.memory_space<vmem>>, vector<64x1x128xf32>
    %get3A_123 = vector.shape_cast %get3A_122 : vector<64x1x128xf32> to vector<64x128xf32>
    %dot_general3A_124 = arith.constant dense<0.000000e+00> : vector<64x128xf32>
    %dot_general3A_125 = tpu.matmul %get3A_123, %reshape3A_111, %dot_general3A_124 {dimension_numbers = #tpu.dot_dimension_numbers<[1], [0], [0], [1], [0, 0, 1, 1], [], []>, transpose_lhs_hint = false} : vector<64x128xf32>, vector<128x128xf32>, vector<64x128xf32> -> vector<64x128xf32>
    %add3A_126 = arith.addf %dot_general3A_118, %dot_general3A_125 : vector<64x128xf32>
    %slice3A_127 = vector.extract_strided_slice %dot_general3A_15 {offsets = [3, 0], sizes = [1, 128], strides = [1, 1]} : vector<8x128xf32> to vector<1x128xf32>
    %squeeze3A_128 = vector.shape_cast %slice3A_127 : vector<1x128xf32> to vector<128xf32>
    %broadcast_in_dim3A_129 = vector.shape_cast %squeeze3A_128 : vector<128xf32> to vector<1x128xf32>
    %add3A_130 = vector.broadcast %broadcast_in_dim3A_129 : vector<1x128xf32> to vector<64x128xf32>
    %add3A_131 = arith.addf %add3A_126, %add3A_130 : vector<64x128xf32>
    %swap3A_132 = arith.constant 0 : index
    %swap3A_133 = arith.constant 3 : index
    %swap3A_134 = arith.constant 0 : index
    %swap3A_135 = vector.load %arg7[%swap3A_132, %swap3A_133, %swap3A_134] : memref<64x8x128xf32, #tpu.memory_space<vmem>>, vector<64x1x128xf32>
    %swap3A_136 = vector.shape_cast %swap3A_135 : vector<64x1x128xf32> to vector<64x128xf32>
    %swap3A_137 = vector.shape_cast %add3A_131 : vector<64x128xf32> to vector<64x1x128xf32>
    tpu.vector_store %arg7[%swap3A_132, %swap3A_133, %swap3A_134], %swap3A_137 {strides = array<i32>} : memref<64x8x128xf32, #tpu.memory_space<vmem>>, vector<64x1x128xf32>,
    %slice3A_138 = vector.extract_strided_slice %dot_general3A_5 {offsets = [4, 0], sizes = [1, 16384], strides = [1, 1]} : vector<8x16384xf32> to vector<1x16384xf32>
    %squeeze3A_139 = vector.shape_cast %slice3A_138 : vector<1x16384xf32> to vector<16384xf32>
    %reshape3A_140 = vector.shape_cast %squeeze3A_139 : vector<16384xf32> to vector<128x128xf32>
    %slice3A_141 = vector.extract_strided_slice %dot_general3A_10 {offsets = [4, 0], sizes = [1, 16384], strides = [1, 1]} : vector<8x16384xf32> to vector<1x16384xf32>
    %squeeze3A_142 = vector.shape_cast %slice3A_141 : vector<1x16384xf32> to vector<16384xf32>
    %reshape3A_143 = vector.shape_cast %squeeze3A_142 : vector<16384xf32> to vector<128x128xf32>
    %get3A_144 = arith.constant 0 : index
    %get3A_145 = arith.constant 4 : index
    %get3A_146 = arith.constant 0 : index
    %get3A_147 = vector.load %arg5[%get3A_144, %get3A_145, %get3A_146] : memref<64x8x128xf32, #tpu.memory_space<vmem>>, vector<64x1x128xf32>
    %get3A_148 = vector.shape_cast %get3A_147 : vector<64x1x128xf32> to vector<64x128xf32>
    %dot_general3A_149 = arith.constant dense<0.000000e+00> : vector<64x128xf32>
    %dot_general3A_150 = tpu.matmul %get3A_148, %reshape3A_140, %dot_general3A_149 {dimension_numbers = #tpu.dot_dimension_numbers<[1], [0], [0], [1], [0, 0, 1, 1], [], []>, transpose_lhs_hint = false} : vector<64x128xf32>, vector<128x128xf32>, vector<64x128xf32> -> vector<64x128xf32>
    %get3A_151 = arith.constant 0 : index
    %get3A_152 = arith.constant 4 : index
    %get3A_153 = arith.constant 0 : index
    %get3A_154 = vector.load %arg6[%get3A_151, %get3A_152, %get3A_153] : memref<64x8x128xf32, #tpu.memory_space<vmem>>, vector<64x1x128xf32>
    %get3A_155 = vector.shape_cast %get3A_154 : vector<64x1x128xf32> to vector<64x128xf32>
    %dot_general3A_156 = arith.constant dense<0.000000e+00> : vector<64x128xf32>
    %dot_general3A_157 = tpu.matmul %get3A_155, %reshape3A_143, %dot_general3A_156 {dimension_numbers = #tpu.dot_dimension_numbers<[1], [0], [0], [1], [0, 0, 1, 1], [], []>, transpose_lhs_hint = false} : vector<64x128xf32>, vector<128x128xf32>, vector<64x128xf32> -> vector<64x128xf32>
    %add3A_158 = arith.addf %dot_general3A_150, %dot_general3A_157 : vector<64x128xf32>
    %slice3A_159 = vector.extract_strided_slice %dot_general3A_15 {offsets = [4, 0], sizes = [1, 128], strides = [1, 1]} : vector<8x128xf32> to vector<1x128xf32>
    %squeeze3A_160 = vector.shape_cast %slice3A_159 : vector<1x128xf32> to vector<128xf32>
    %broadcast_in_dim3A_161 = vector.shape_cast %squeeze3A_160 : vector<128xf32> to vector<1x128xf32>
    %add3A_162 = vector.broadcast %broadcast_in_dim3A_161 : vector<1x128xf32> to vector<64x128xf32>
    %add3A_163 = arith.addf %add3A_158, %add3A_162 : vector<64x128xf32>
    %swap3A_164 = arith.constant 0 : index
    %swap3A_165 = arith.constant 4 : index
    %swap3A_166 = arith.constant 0 : index
    %swap3A_167 = vector.load %arg7[%swap3A_164, %swap3A_165, %swap3A_166] : memref<64x8x128xf32, #tpu.memory_space<vmem>>, vector<64x1x128xf32>
    %swap3A_168 = vector.shape_cast %swap3A_167 : vector<64x1x128xf32> to vector<64x128xf32>
    %swap3A_169 = vector.shape_cast %add3A_163 : vector<64x128xf32> to vector<64x1x128xf32>
    tpu.vector_store %arg7[%swap3A_164, %swap3A_165, %swap3A_166], %swap3A_169 {strides = array<i32>} : memref<64x8x128xf32, #tpu.memory_space<vmem>>, vector<64x1x128xf32>,
    %slice3A_170 = vector.extract_strided_slice %dot_general3A_5 {offsets = [5, 0], sizes = [1, 16384], strides = [1, 1]} : vector<8x16384xf32> to vector<1x16384xf32>
    %squeeze3A_171 = vector.shape_cast %slice3A_170 : vector<1x16384xf32> to vector<16384xf32>
    %reshape3A_172 = vector.shape_cast %squeeze3A_171 : vector<16384xf32> to vector<128x128xf32>
    %slice3A_173 = vector.extract_strided_slice %dot_general3A_10 {offsets = [5, 0], sizes = [1, 16384], strides = [1, 1]} : vector<8x16384xf32> to vector<1x16384xf32>
    %squeeze3A_174 = vector.shape_cast %slice3A_173 : vector<1x16384xf32> to vector<16384xf32>
    %reshape3A_175 = vector.shape_cast %squeeze3A_174 : vector<16384xf32> to vector<128x128xf32>
    %get3A_176 = arith.constant 0 : index
    %get3A_177 = arith.constant 5 : index
    %get3A_178 = arith.constant 0 : index
    %get3A_179 = vector.load %arg5[%get3A_176, %get3A_177, %get3A_178] : memref<64x8x128xf32, #tpu.memory_space<vmem>>, vector<64x1x128xf32>
    %get3A_180 = vector.shape_cast %get3A_179 : vector<64x1x128xf32> to vector<64x128xf32>
    %dot_general3A_181 = arith.constant dense<0.000000e+00> : vector<64x128xf32>
    %dot_general3A_182 = tpu.matmul %get3A_180, %reshape3A_172, %dot_general3A_181 {dimension_numbers = #tpu.dot_dimension_numbers<[1], [0], [0], [1], [0, 0, 1, 1], [], []>, transpose_lhs_hint = false} : vector<64x128xf32>, vector<128x128xf32>, vector<64x128xf32> -> vector<64x128xf32>
    %get3A_183 = arith.constant 0 : index
    %get3A_184 = arith.constant 5 : index
    %get3A_185 = arith.constant 0 : index
    %get3A_186 = vector.load %arg6[%get3A_183, %get3A_184, %get3A_185] : memref<64x8x128xf32, #tpu.memory_space<vmem>>, vector<64x1x128xf32>
    %get3A_187 = vector.shape_cast %get3A_186 : vector<64x1x128xf32> to vector<64x128xf32>
    %dot_general3A_188 = arith.constant dense<0.000000e+00> : vector<64x128xf32>
    %dot_general3A_189 = tpu.matmul %get3A_187, %reshape3A_175, %dot_general3A_188 {dimension_numbers = #tpu.dot_dimension_numbers<[1], [0], [0], [1], [0, 0, 1, 1], [], []>, transpose_lhs_hint = false} : vector<64x128xf32>, vector<128x128xf32>, vector<64x128xf32> -> vector<64x128xf32>
    %add3A_190 = arith.addf %dot_general3A_182, %dot_general3A_189 : vector<64x128xf32>
    %slice3A_191 = vector.extract_strided_slice %dot_general3A_15 {offsets = [5, 0], sizes = [1, 128], strides = [1, 1]} : vector<8x128xf32> to vector<1x128xf32>
    %squeeze3A_192 = vector.shape_cast %slice3A_191 : vector<1x128xf32> to vector<128xf32>
    %broadcast_in_dim3A_193 = vector.shape_cast %squeeze3A_192 : vector<128xf32> to vector<1x128xf32>
    %add3A_194 = vector.broadcast %broadcast_in_dim3A_193 : vector<1x128xf32> to vector<64x128xf32>
    %add3A_195 = arith.addf %add3A_190, %add3A_194 : vector<64x128xf32>
    %swap3A_196 = arith.constant 0 : index
    %swap3A_197 = arith.constant 5 : index
    %swap3A_198 = arith.constant 0 : index
    %swap3A_199 = vector.load %arg7[%swap3A_196, %swap3A_197, %swap3A_198] : memref<64x8x128xf32, #tpu.memory_space<vmem>>, vector<64x1x128xf32>
    %swap3A_200 = vector.shape_cast %swap3A_199 : vector<64x1x128xf32> to vector<64x128xf32>
    %swap3A_201 = vector.shape_cast %add3A_195 : vector<64x128xf32> to vector<64x1x128xf32>
    tpu.vector_store %arg7[%swap3A_196, %swap3A_197, %swap3A_198], %swap3A_201 {strides = array<i32>} : memref<64x8x128xf32, #tpu.memory_space<vmem>>, vector<64x1x128xf32>,
    %slice3A_202 = vector.extract_strided_slice %dot_general3A_5 {offsets = [6, 0], sizes = [1, 16384], strides = [1, 1]} : vector<8x16384xf32> to vector<1x16384xf32>
    %squeeze3A_203 = vector.shape_cast %slice3A_202 : vector<1x16384xf32> to vector<16384xf32>
    %reshape3A_204 = vector.shape_cast %squeeze3A_203 : vector<16384xf32> to vector<128x128xf32>
    %slice3A_205 = vector.extract_strided_slice %dot_general3A_10 {offsets = [6, 0], sizes = [1, 16384], strides = [1, 1]} : vector<8x16384xf32> to vector<1x16384xf32>
    %squeeze3A_206 = vector.shape_cast %slice3A_205 : vector<1x16384xf32> to vector<16384xf32>
    %reshape3A_207 = vector.shape_cast %squeeze3A_206 : vector<16384xf32> to vector<128x128xf32>
    %get3A_208 = arith.constant 0 : index
    %get3A_209 = arith.constant 6 : index
    %get3A_210 = arith.constant 0 : index
    %get3A_211 = vector.load %arg5[%get3A_208, %get3A_209, %get3A_210] : memref<64x8x128xf32, #tpu.memory_space<vmem>>, vector<64x1x128xf32>
    %get3A_212 = vector.shape_cast %get3A_211 : vector<64x1x128xf32> to vector<64x128xf32>
    %dot_general3A_213 = arith.constant dense<0.000000e+00> : vector<64x128xf32>
    %dot_general3A_214 = tpu.matmul %get3A_212, %reshape3A_204, %dot_general3A_213 {dimension_numbers = #tpu.dot_dimension_numbers<[1], [0], [0], [1], [0, 0, 1, 1], [], []>, transpose_lhs_hint = false} : vector<64x128xf32>, vector<128x128xf32>, vector<64x128xf32> -> vector<64x128xf32>
    %get3A_215 = arith.constant 0 : index
    %get3A_216 = arith.constant 6 : index
    %get3A_217 = arith.constant 0 : index
    %get3A_218 = vector.load %arg6[%get3A_215, %get3A_216, %get3A_217] : memref<64x8x128xf32, #tpu.memory_space<vmem>>, vector<64x1x128xf32>
    %get3A_219 = vector.shape_cast %get3A_218 : vector<64x1x128xf32> to vector<64x128xf32>
    %dot_general3A_220 = arith.constant dense<0.000000e+00> : vector<64x128xf32>
    %dot_general3A_221 = tpu.matmul %get3A_219, %reshape3A_207, %dot_general3A_220 {dimension_numbers = #tpu.dot_dimension_numbers<[1], [0], [0], [1], [0, 0, 1, 1], [], []>, transpose_lhs_hint = false} : vector<64x128xf32>, vector<128x128xf32>, vector<64x128xf32> -> vector<64x128xf32>
    %add3A_222 = arith.addf %dot_general3A_214, %dot_general3A_221 : vector<64x128xf32>
    %slice3A_223 = vector.extract_strided_slice %dot_general3A_15 {offsets = [6, 0], sizes = [1, 128], strides = [1, 1]} : vector<8x128xf32> to vector<1x128xf32>
    %squeeze3A_224 = vector.shape_cast %slice3A_223 : vector<1x128xf32> to vector<128xf32>
    %broadcast_in_dim3A_225 = vector.shape_cast %squeeze3A_224 : vector<128xf32> to vector<1x128xf32>
    %add3A_226 = vector.broadcast %broadcast_in_dim3A_225 : vector<1x128xf32> to vector<64x128xf32>
    %add3A_227 = arith.addf %add3A_222, %add3A_226 : vector<64x128xf32>
    %swap3A_228 = arith.constant 0 : index
    %swap3A_229 = arith.constant 6 : index
    %swap3A_230 = arith.constant 0 : index
    %swap3A_231 = vector.load %arg7[%swap3A_228, %swap3A_229, %swap3A_230] : memref<64x8x128xf32, #tpu.memory_space<vmem>>, vector<64x1x128xf32>
    %swap3A_232 = vector.shape_cast %swap3A_231 : vector<64x1x128xf32> to vector<64x128xf32>
    %swap3A_233 = vector.shape_cast %add3A_227 : vector<64x128xf32> to vector<64x1x128xf32>
    tpu.vector_store %arg7[%swap3A_228, %swap3A_229, %swap3A_230], %swap3A_233 {strides = array<i32>} : memref<64x8x128xf32, #tpu.memory_space<vmem>>, vector<64x1x128xf32>,
    %slice3A_234 = vector.extract_strided_slice %dot_general3A_5 {offsets = [7, 0], sizes = [1, 16384], strides = [1, 1]} : vector<8x16384xf32> to vector<1x16384xf32>
    %squeeze3A_235 = vector.shape_cast %slice3A_234 : vector<1x16384xf32> to vector<16384xf32>
    %reshape3A_236 = vector.shape_cast %squeeze3A_235 : vector<16384xf32> to vector<128x128xf32>
    %slice3A_237 = vector.extract_strided_slice %dot_general3A_10 {offsets = [7, 0], sizes = [1, 16384], strides = [1, 1]} : vector<8x16384xf32> to vector<1x16384xf32>
    %squeeze3A_238 = vector.shape_cast %slice3A_237 : vector<1x16384xf32> to vector<16384xf32>
    %reshape3A_239 = vector.shape_cast %squeeze3A_238 : vector<16384xf32> to vector<128x128xf32>
    %get3A_240 = arith.constant 0 : index
    %get3A_241 = arith.constant 7 : index
    %get3A_242 = arith.constant 0 : index
    %get3A_243 = vector.load %arg5[%get3A_240, %get3A_241, %get3A_242] : memref<64x8x128xf32, #tpu.memory_space<vmem>>, vector<64x1x128xf32>
    %get3A_244 = vector.shape_cast %get3A_243 : vector<64x1x128xf32> to vector<64x128xf32>
    %dot_general3A_245 = arith.constant dense<0.000000e+00> : vector<64x128xf32>
    %dot_general3A_246 = tpu.matmul %get3A_244, %reshape3A_236, %dot_general3A_245 {dimension_numbers = #tpu.dot_dimension_numbers<[1], [0], [0], [1], [0, 0, 1, 1], [], []>, transpose_lhs_hint = false} : vector<64x128xf32>, vector<128x128xf32>, vector<64x128xf32> -> vector<64x128xf32>
    %get3A_247 = arith.constant 0 : index
    %get3A_248 = arith.constant 7 : index
    %get3A_249 = arith.constant 0 : index
    %get3A_250 = vector.load %arg6[%get3A_247, %get3A_248, %get3A_249] : memref<64x8x128xf32, #tpu.memory_space<vmem>>, vector<64x1x128xf32>
    %get3A_251 = vector.shape_cast %get3A_250 : vector<64x1x128xf32> to vector<64x128xf32>
    %dot_general3A_252 = arith.constant dense<0.000000e+00> : vector<64x128xf32>
    %dot_general3A_253 = tpu.matmul %get3A_251, %reshape3A_239, %dot_general3A_252 {dimension_numbers = #tpu.dot_dimension_numbers<[1], [0], [0], [1], [0, 0, 1, 1], [], []>, transpose_lhs_hint = false} : vector<64x128xf32>, vector<128x128xf32>, vector<64x128xf32> -> vector<64x128xf32>
    %add3A_254 = arith.addf %dot_general3A_246, %dot_general3A_253 : vector<64x128xf32>
    %slice3A_255 = vector.extract_strided_slice %dot_general3A_15 {offsets = [7, 0], sizes = [1, 128], strides = [1, 1]} : vector<8x128xf32> to vector<1x128xf32>
    %squeeze3A_256 = vector.shape_cast %slice3A_255 : vector<1x128xf32> to vector<128xf32>
    %broadcast_in_dim3A_257 = vector.shape_cast %squeeze3A_256 : vector<128xf32> to vector<1x128xf32>
    %add3A_258 = vector.broadcast %broadcast_in_dim3A_257 : vector<1x128xf32> to vector<64x128xf32>
    %add3A_259 = arith.addf %add3A_254, %add3A_258 : vector<64x128xf32>
    %swap3A_260 = arith.constant 0 : index
    %swap3A_261 = arith.constant 7 : index
    %swap3A_262 = arith.constant 0 : index
    %swap3A_263 = vector.load %arg7[%swap3A_260, %swap3A_261, %swap3A_262] : memref<64x8x128xf32, #tpu.memory_space<vmem>>, vector<64x1x128xf32>
    %swap3A_264 = vector.shape_cast %swap3A_263 : vector<64x1x128xf32> to vector<64x128xf32>
    %swap3A_265 = vector.shape_cast %add3A_259 : vector<64x128xf32> to vector<64x1x128xf32>
    tpu.vector_store %arg7[%swap3A_260, %swap3A_261, %swap3A_262], %swap3A_265 {strides = array<i32>} : memref<64x8x128xf32, #tpu.memory_space<vmem>>, vector<64x1x128xf32>,
    return
  }
  func.func @transform_0(%arg0: i32) -> (i32, i32) {
    %c0_i32 = arith.constant 0 : i32
    %c0_i32_0 = arith.constant 0 : i32
    return %arg0, %c0_i32 : i32, i32
  }
  func.func @transform_1(%arg0: i32) -> (i32, i32) {
    %c0_i32 = arith.constant 0 : i32
    %c0_i32_0 = arith.constant 0 : i32
    %c0_i32_1 = arith.constant 0 : i32
    return %c0_i32, %c0_i32_0 : i32, i32
  }
  func.func @transform_2(%arg0: i32) -> (i32, i32) {
    %c0_i32 = arith.constant 0 : i32
    %c0_i32_0 = arith.constant 0 : i32
    %c0_i32_1 = arith.constant 0 : i32
    return %c0_i32, %c0_i32_0 : i32, i32
  }
  func.func @transform_3(%arg0: i32) -> (i32, i32) {
    %c0_i32 = arith.constant 0 : i32
    %c0_i32_0 = arith.constant 0 : i32
    %c0_i32_1 = arith.constant 0 : i32
    return %c0_i32, %c0_i32_0 : i32, i32
  }
  func.func @transform_4(%arg0: i32) -> (i32, i32, i32) {
    %c0_i32 = arith.constant 0 : i32
    %c0_i32_0 = arith.constant 0 : i32
    %c0_i32_1 = arith.constant 0 : i32
    return %c0_i32, %arg0, %c0_i32_0 : i32, i32, i32
  }
  func.func @transform_5(%arg0: i32) -> (i32, i32, i32) {
    %c0_i32 = arith.constant 0 : i32
    %c0_i32_0 = arith.constant 0 : i32
    %c0_i32_1 = arith.constant 0 : i32
    return %c0_i32, %arg0, %c0_i32_0 : i32, i32, i32
  }
  func.func @transform_6(%arg0: i32) -> (i32, i32, i32) {
    %c0_i32 = arith.constant 0 : i32
    %c0_i32_0 = arith.constant 0 : i32
    %c0_i32_1 = arith.constant 0 : i32
    return %c0_i32, %arg0, %c0_i32_0 : i32, i32, i32
  }
}

</mosaic_0001>

<sc_bundles>
// kernel: kernel.6.cloned.1.call-start
scs
__scs_entry_jumppad:
0x0: {  	(pc) =	sbr.rel $0x88, $3  }
0x1: {  	(tag) =	ssettag $0x0;
	lr =	simm.s32 $0x1  }
0x2: {  	[smem:$0x3F96] =	sst lr;
	_ =	strace $0xD0000000  }
0x3: {  	_ = 	snop  }
0x4: {  	_ = 	snop  }
0x5: {  	_ = 	snop  }
0x6: {  	_ = 	snop  }
0x7: {  	_ = 	snop  }
__scs_overlays_trampoline_lowered:
0x8: {  	[smem:$0x3FA5] =	sst s0  }
0x9: {  	[smem:$0x3FA6] =	sst s1  }
0xa: {  	[smem:$0x3FA7] =	sst s2  }
0xb: {  	[smem:$0x3FA8] =	sst s3  }
0xc: {  	[smem:$0x3FA9] =	sst s4  }
0xd: {  	[smem:$0x3FAA] =	sst s5  }
0xe: {  	[smem:$0x3FAB] =	sst s6  }
0xf: {  	[smem:$0x3FAC] =	sst s7  }
0x10: {  	[smem:$0x3FAD] =	sst s8  }
0x11: {  	[smem:$0x3FAE] =	sst s9;
	s0 =	simm.s32 @!p0 $0x0  }
0x12: {  	s1 =	sld [smem:$0x3F94];
	s0 =	simm.s32 @p0 $0x1  }
0x13: {  	[smem:$0x3FAF] =	sst s0;
	s0 =	simm.s32 @!p1 $0x0  }
0x14: {  	s2 =	sld [smem:$0x3F93];
	s0 =	simm.s32 @p1 $0x1  }
0x15: {  	[smem:$0x3FB0] =	sst s0;
	s0 =	simm.s32 @!p2 $0x0  }
0x16: {  	s3 =	sld [smem:$0x3FDB];
	s0 =	simm.s32 @p2 $0x1  }
0x17: {  	s4 =	simm.s32 $0x1BF5;
	[smem:$0x3FB2] =	sst s0  }
0x18: {  	s0 =	sld [smem:$0x3F95];
	_ =	swait.ge [sflag:s4], $0x0  }
0x19: {  	s7 =	sld [smem:$0x3F96]  }
0x1a: {  	s8 =	sadd.s32 $0xFFFFE003, lr  }
0x1b: {  	s9 =	sadd.s32 $0xFFFFFEF7, lr;
	s5 =	simm.s32 $0xFFFFFFFF;
	p2 =	slt.u32 s8, $0xFFFFF086  }
0x1c: {  	p1 =	slt.u32 s9, $0xF7A;
	s5 =	simm.s32 @!p2 $0x0  }
0x1d: {  	s5 =	simm.s32 @p1 $0x1;
	p0 =	seq.s32 s7, s2  }
0x1e: {  	s7 =	smul.u32 @!p0 $0xF7A, s2;
	p2 =	seq.s32 @!p0 s5, $0x0  }
0x1f: {  	s9 =	smul.u32 $0xF7A, s1;
	s8 =	simm.s32 @!p0 $0x1BF5;
	p2 =	por !p2, p0  }
0x20: {  	[sflag:s8] =	ssyncset.s32 @!p0 $0xFFFFF086;
	s6 =	sadd.s32 @!p0 s3, s7;
	s7 =	simm.s32 @!p0 $0x108  }
0x21: {  	s3 =	sadd.s32 s3, s9;
	s6 =	sadd.s32 @!p0 $0x88, s6;
	s7 =	simm.s32 @p2 $0x1082  }
0x22: {  	[simem:s7], [sflag:s8] =	dma.local @!p0 [hbm:s6], $0xF7A  }
0x23: {  	s9 =	sor.u32 $0xD0000000, s2;
	s6 =	simm.s32 $0x108;
	_ =	swait.ge @!p0 [sflag:s8], $0x0  }
0x24: {  	s3 =	sadd.s32 $0x88, s3;
	s6 =	simm.s32 @!p1 $0x1082;
	[sflag:s4] =	ssyncset.s32 $0xFFFFF086  }
0x25: {  	[simem:s6], [sflag:s4] =	dma.local [hbm:s3], $0xF7A  }
0x26: {  	[smem:$0x3F96] =	sst s1;
	(tag) =	ssettag s2;
	_ =	strace s9  }
0x27: {  	s1 =	sld [smem:$0x3FA6]  }
0x28: {  	s2 =	sld [smem:$0x3FA7]  }
0x29: {  	s4 =	sld [smem:$0x3FA9]  }
0x2a: {  	p0 =	seq.s32 s5, $0x0;
	s5 =	sld [smem:$0x3FAA]  }
0x2b: {  	s6 =	sld [smem:$0x3FAB]  }
0x2c: {  	s7 =	sld [smem:$0x3FAC]  }
0x2d: {  	s3 =	simm.s32 $0x108;
	s8 =	sld [smem:$0x3FAD]  }
0x2e: {  	s3 =	simm.s32 @!p0 $0x1082;
	s9 =	sld [smem:$0x3FAE]  }
0x2f: {  	lr =	sadd.s32 s0, s3;
	s0 =	sld [smem:$0x3FA5]  }
0x30: {  	s3 =	sld [smem:$0x3FA8]  }
0x31: {  	[smem:$0x3FB1] =	sst s10  }
0x32: {  	s10 =	sld [smem:$0x3FAF];
	_ =	sdelay $0x3  }
0x33: {  	p0 =	seq.s32 s10, $0x1;
	s10 =	sld [smem:$0x3FB1];
	_ =	sdelay $0x3  }
0x34: {  	[smem:$0x3FB1] =	sst s10  }
0x35: {  	s10 =	sld [smem:$0x3FB0];
	_ =	sdelay $0x3  }
0x36: {  	p1 =	seq.s32 s10, $0x1;
	s10 =	sld [smem:$0x3FB1];
	_ =	sdelay $0x3  }
0x37: {  	[smem:$0x3FB1] =	sst s10  }
0x38: {  	s10 =	sld [smem:$0x3FB2]  }
0x39: {  	_ = 	snop;
	(pc) =	sbr.ind lr, $3  }
0x3a: {  	_ = 	snop  }
0x3b: {  	_ = 	snop  }
0x3c: {  	p2 =	seq.s32 s10, $0x1;
	s10 =	sld [smem:$0x3FB1]  }
0x3d: {  	_ =	shalt  }
0x3e: {  	_ =	shalt  }
0x3f: {  	_ =	shalt  }
0x40: {  	_ =	shalt  }
0x41: {  	_ =	shalt  }
0x42: {  	_ =	shalt  }
0x43: {  	_ =	shalt  }
0x44: {  	_ =	shalt  }
0x45: {  	_ =	shalt  }
0x46: {  	_ =	shalt  }
0x47: {  	_ =	shalt  }
0x48: {  	_ =	shalt  }
0x49: {  	_ =	shalt  }
0x4a: {  	_ =	shalt  }
0x4b: {  	_ =	shalt  }
0x4c: {  	_ =	shalt  }
0x4d: {  	_ =	shalt  }
0x4e: {  	_ =	shalt  }
0x4f: {  	_ =	shalt  }
0x50: {  	_ =	shalt  }
0x51: {  	_ =	shalt  }
0x52: {  	_ =	shalt  }
0x53: {  	_ =	shalt  }
0x54: {  	_ =	shalt  }
0x55: {  	_ =	shalt  }
0x56: {  	_ =	shalt  }
0x57: {  	_ =	shalt  }
0x58: {  	_ =	shalt  }
0x59: {  	_ =	shalt  }
0x5a: {  	_ =	shalt  }
0x5b: {  	_ =	shalt  }
0x5c: {  	_ =	shalt  }
0x5d: {  	_ =	shalt  }
0x5e: {  	_ =	shalt  }
0x5f: {  	_ =	shalt  }
0x60: {  	_ =	shalt  }
0x61: {  	_ =	shalt  }
0x62: {  	_ =	shalt  }
0x63: {  	_ =	shalt  }
0x64: {  	_ =	shalt  }
0x65: {  	_ =	shalt  }
0x66: {  	_ =	shalt  }
0x67: {  	_ =	shalt  }
0x68: {  	_ =	shalt  }
0x69: {  	_ =	shalt  }
0x6a: {  	_ =	shalt  }
0x6b: {  	_ =	shalt  }
0x6c: {  	_ =	shalt  }
0x6d: {  	_ =	shalt  }
0x6e: {  	_ =	shalt  }
0x6f: {  	_ =	shalt  }
0x70: {  	_ =	shalt  }
0x71: {  	_ =	shalt  }
0x72: {  	_ =	shalt  }
0x73: {  	_ =	shalt  }
0x74: {  	_ =	shalt  }
0x75: {  	_ =	shalt  }
0x76: {  	_ =	shalt  }
0x77: {  	_ =	shalt  }
0x78: {  	_ =	shalt  }
0x79: {  	_ =	shalt  }
0x7a: {  	_ =	shalt  }
0x7b: {  	_ =	shalt  }
0x7c: {  	_ =	shalt  }
0x7d: {  	_ =	shalt  }
0x7e: {  	_ =	shalt  }
0x7f: {  	_ =	shalt  }
0x80: {  	_ =	shalt  }
0x81: {  	_ =	shalt  }
0x82: {  	_ =	shalt  }
0x83: {  	_ =	shalt  }
0x84: {  	_ =	shalt  }
0x85: {  	_ =	shalt  }
0x86: {  	_ =	shalt  }
0x87: {  	_ =	shalt  }
.Lfunc_end0:
.L_simem_size_0:
called_computation.2_lowered:
.L_overlay_start_0:
0x88: {  	s2 =	sld [smem:$0x3FD9]  }
0x89: {  	s3 =	sld [smem:$0x3FFE];
	_ =	sdelay $0x1  }
0x8a: {  	s1 =	srdreg.scid  }
0x8b: {  	s0 =	sand.u32 $0x1, s1  }
0x8c: {  	s17 =	sshll.u32 s0, $0xA;
	s2 =	sadd.s32 s3, s2  }
0x8d: {  	s2 =	sadd.s32 s2, s17  }
0x8e: {  	[smem:$0x3FBD] =	sst s2  }
0x8f: {  	_ = 	snop  }
0x90: {  	s2 =	sld [smem:$0x3FC9]  }
0x91: {  	s18 =	sld [smem:$0x3FD0];
	(tm) =	ssettm $0x1  }
0x92: {  	s4 =	sld [smem:$0x3FFB];
	_ =	sdelay $0x3  }
0x93: {  	_ =	strace s4  }
0x94: {  	s4 =	sld [smem:$0x3FFC];
	_ =	sdelay $0x3  }
0x95: {  	_ =	strace s4  }
0x96: {  	s4 =	sld [smem:$0x3FFD];
	_ =	sdelay $0x3  }
0x97: {  	_ =	strace s4  }
0x98: {  	_ =	strace $0x8FFFFFFF  }
0x99: {  	s19 =	sld [smem:$0x3FDB];
	_ =	sdelay $0x1  }
0x9a: {  	s5 =	simm.s32 $_scs_section_size  }
0x9b: {  	s6 =	simm.s32 $_size__tile_overlayer_lowered;
	s7 =	simm.s32 $_tile_overlayer_lowered  }
0x9c: {  	s22 =	simm.s32 $0x1BFF;
	s21 =	sshll.u32 s7, $0x1;
	s4 =	sadd.s32 s5, s19  }
0x9d: {  	s8 =	simm.s32 $0x0;
	s20 =	sshll.u32 s6, $0x1;
	s6 =	sadd.s32 s21, s4  }
0x9e: {  	[timem:s8], [sflag:s22] =	dma.local [hbm:s6], s20  }
0x9f: {  	_ =	swait.ge [sflag:s22], s20  }
0xa0: {  	s5 =	ssub.s32 $0x0, s20;
	[sflag:s22] =	ssyncset.done $0x0  }
0xa1: {  	[sflag:s22] =	ssyncadd.s32 s5;
	_ =	sdelay $0x1  }
0xa2: {  	s23 =	simm.s32 $0x1B8B  }
0xa3: {  	_ =	swait.ge [sflag:s23], $0x1  }
0xa4: {  	[sflag:s23] =	ssyncset.done $0x0  }
0xa5: {  	s25 =	simm.s32 $0x1B8E;
	s24 =	sld [smem:$0x3FFE];
	[sflag:s23] =	ssyncadd.s32 $0xFFFFFFFF  }
0xa6: {  	s26 =	simm.s32 $execute0_lowered;
	[smem:$0x3FD2] =	sst s25  }
0xa7: {  	s6 =	sshll.u32 s26, $0x1;
	_ =	strace $0x80000046;
	[dreg:$0x1] =	wrdreg $0xFFFFFFFF  }
0xa8: {  	s28 =	simm.s32 $_size_execute0_lowered;
	s4 =	sadd.s32 s4, s6;
	[dreg:$0x0] =	wrdreg $0x0  }
0xa9: {  	s6 =	sshll.u32 s28, $0x1;
	[dreg:$0x2] =	wrdreg s4  }
0xaa: {  	[dreg:$0x3] =	wrdreg s6  }
0xab: {  	[dreg:$0x4] =	wrdreg $0xC0  }
0xac: {  	_ =	task [dreg:s8], $0x5FFFF  }
0xad: {  	[dreg:$0x1] =	wrdreg $0xFFFFFFFF  }
0xae: {  	[dreg:$0x0] =	wrdreg $0x60  }
0xaf: {  	[dreg:$0x2] =	wrdreg s2  }
0xb0: {  	[dreg:$0x3] =	wrdreg s18  }
0xb1: {  	[dreg:$0x4] =	wrdreg s24  }
0xb2: {  	[dreg:$0x5] =	wrdreg $0x9  }
0xb3: {  	_ =	task.clear_ibuf [dreg:s8], $0x6FFFF;
	_ =	strace $0x90000046  }
0xb4: {  	s29 =	simm.s32 $0x9;
	_ =	strace $0x80000048  }
0xb5: {  	_ =	swait.ge [sflag:s29], $0x1  }
0xb6: {  	[sflag:s29] =	ssyncadd.s32 $0xFFFFFFFF  }
0xb7: {  	_ =	strace $0x90000048  }
0xb8: {  	_ =	sfence  }
0xb9: {  	s30 =	sld [smem:$0x0];
	_ =	sdelay $0x2  }
0xba: {  	s31 =	sshll.u32 s1, $0xD;
	s1 =	sshrl.u32 s1, $0x2  }
0xbb: {  	s3 =	sand.u32 $0x4000, s31;
	s1 =	sadd.s32 s1, s30  }
0xbc: {  	s0 =	sor.u32 s3, s0;
	s1 =	sshll.u32 s1, $0x11  }
0xbd: {  	s0 =	sor.u32 s1, s0  }
0xbe: {  	s0 =	sadd.s32 $0x8F2B, s0  }
0xbf: {  	[sflag:s0] =	ssyncadd.remote.s32 $0x1  }
0xc0: {  	_ =	sfence.sel $0xFFFF  }
0xc1: {  	[dreg:$0x0] =	wrdreg $0xFFFFFFFF;
	(pc) =	sbr.abs _section_cstart, $3  }
0xc2: {  	[dreg:$0x1] =	wrdreg $0xFFFFFFFF  }
0xc3: {  	_ =	task.clear_ibuf [dreg:s8], $0x2FFFF;
	_ =	strace $0x9FFFFFFF  }
0xc4: {  	(tm) =	ssettm $0x7FFFFFFF  }
0xc5: {  	_ =	shalt  }
tec
execute0_lowered:
.L_overlay_start_1:
0x0: {  	(tag) =	ssettag $0x1  }
0x1: {  	s1 =	rddreg [dreg:$0x0]  }
0x2: {  	s2 =	rddreg [dreg:$0x1]  }
0x3: {  	s5 =	rddreg [dreg:$0x2]  }
0x4: {  	s0 =	rddreg [dreg:$0x3];
	s6 =	srdreg.scid  }
0x5: {  	s4 =	simm.s32 $0x0;
	s3 =	stileid.u32;
	s11 =	simm.s32 $0x8100  }
0x6: {  	s12 =	simm.s32 $0x1;
	s13 =	simm.s32 $0x2;
	s14 =	simm.s32 $0x0  }
0x7: {  	s6 =	sand.u32 $0x1, s6;
	[smem:$0x7FF] =	sst s4;
	s7 =	sshll.u32 s3, $0xD  }
0x8: {  	s9 =	sshll.u32 s3, $0x11;
	s8 =	sshll.u32 s6, $0xC;
	_ =	strace $0x80000047  }
0x9: {  	s29 =	ssub.s32 $0x2, s6;
	s9 =	sadd.s32 s9, s5;
	s6 =	sshll.u32 s6, $0x10  }
0xa: {  	s7 =	sor.u32 s8, s7;
	s10 =	sshrl.u32 s29, $0x1;
	s31 =	sadd.s32 s6, s9  }
0xb: {  	s9 =	simm.s32 $0x3;
	s7 =	sshrl.u32 s7, $0x3;
	s8 =	ssub.s32 s29, s10  }
0xc: {  	s6 =	sadd.s32 $0x204800, s31;
	s10 =	simm.s32 $0x100;
	s30 =	sadd.s32 s7, s5  }
0xd: {  	s5 =	smax.u32 s8, $0x1;
	s7 =	sadd.s32 $0x4800, s31;
	s8 =	sadd.s32 $0x800, s30  }
.LBB2_1:
0xe: {  	[tilespmem:s4], [sflag:$0x3] =	stream.linear.gather [hbm4b:s8+s4], $0x100, $0x38;
	[tilespmem:$0x10100] =	vst v63  }
0xf: {  	_ =	swait.ge [sflag:s9], $0x100  }
0x10: {  	[sflag:s9] =	ssyncset.done $0x0  }
0x11: {  	[sflag:s9] =	ssyncadd.s32 $0xFFFFFF00  }
0x12: {  	[tilespmem:s10], [sflag:$0x1] =	stream.indirect.gather [hbm4b:s1+s10], $0x80, s4, s10, $0xb8;
	[tilespmem:$0x10100] =	vst v63  }
0x13: {  	_ = 	snop  }
0x14: {  	[tilespmem:s11], [sflag:$0x2] =	stream.indirect.gather [hbm4b:s2+s10], $0x80, s4, s10, $0xb8;
	[tilespmem:$0x10100] =	vst v63  }
0x15: {  	_ =	swait.ge [sflag:s12], $0x8000  }
0x16: {  	[sflag:s12] =	ssyncset.done $0x0  }
0x17: {  	[sflag:s12] =	ssyncadd.s32 $0xFFFF8000  }
0x18: {  	_ =	swait.ge [sflag:s13], $0x8000  }
0x19: {  	[sflag:s13] =	ssyncset.done $0x0  }
0x1a: {  	s15 =	sadd.s32 $0x0, s6;
	[sflag:s13] =	ssyncadd.s32 $0xFFFF8000  }
0x1b: {  	[hbm4b:s15+s4] =	stream.linear.scatter [tilespmem:s10], [sflag:$0x3], $0x8000, $0x38;
	[tilespmem:$0x10100] =	vst v63  }
0x1c: {  	_ =	swait.ge [sflag:s9], $0x8000  }
0x1d: {  	[sflag:s9] =	ssyncset.done $0x0  }
0x1e: {  	s31 =	sadd.s32 $0x0, s7;
	[sflag:s9] =	ssyncadd.s32 $0xFFFF8000  }
0x1f: {  	[hbm4b:s31+s4] =	stream.linear.scatter [tilespmem:s11], [sflag:$0x3], $0x8000, $0x38;
	[tilespmem:$0x10100] =	vst v63  }
0x20: {  	_ =	swait.ge [sflag:s9], $0x8000  }
0x21: {  	s16 =	smov.u32 s8;
	s15 =	simm.s32 $0x1000;
	[sflag:s9] =	ssyncset.done $0x0  }
.LBB2_2:
0x22: {  	p0 =	sne.s32 s15, $0xF000;
	[sflag:s9] =	ssyncadd.s32 $0xFFFF8000;
	s16 =	sadd.s32 $0x20, s16  }
0x23: {  	[tilespmem:s4], [sflag:$0x3] =	stream.linear.gather [hbm4b:s16+s4], $0x100, $0x38;
	[tilespmem:$0x10100] =	vst v63  }
0x24: {  	s17 =	smov.u32 s15;
	s15 =	sadd.s32 $0x1000, s15;
	_ =	swait.ge [sflag:s9], $0x100  }
0x25: {  	[sflag:s9] =	ssyncset.done $0x0  }
0x26: {  	[sflag:s9] =	ssyncadd.s32 $0xFFFFFF00  }
0x27: {  	[tilespmem:s10], [sflag:$0x1] =	stream.indirect.gather [hbm4b:s1+s10], $0x80, s4, s10, $0xb8;
	[tilespmem:$0x10100] =	vst v63  }
0x28: {  	_ = 	snop  }
0x29: {  	[tilespmem:s11], [sflag:$0x2] =	stream.indirect.gather [hbm4b:s2+s10], $0x80, s4, s10, $0xb8;
	[tilespmem:$0x10100] =	vst v63  }
0x2a: {  	_ =	swait.ge [sflag:s12], $0x8000  }
0x2b: {  	[sflag:s12] =	ssyncset.done $0x0  }
0x2c: {  	[sflag:s12] =	ssyncadd.s32 $0xFFFF8000  }
0x2d: {  	_ =	swait.ge [sflag:s13], $0x8000  }
0x2e: {  	[sflag:s13] =	ssyncset.done $0x0  }
0x2f: {  	s18 =	sadd.s32 s17, s6;
	[sflag:s13] =	ssyncadd.s32 $0xFFFF8000  }
0x30: {  	[hbm4b:s18+s4] =	stream.linear.scatter [tilespmem:s10], [sflag:$0x3], $0x8000, $0x38;
	[tilespmem:$0x10100] =	vst v63  }
0x31: {  	_ =	swait.ge [sflag:s9], $0x8000  }
.Ltmp0:
0x32: {  	[sflag:s9] =	ssyncset.done $0x0;
	(pc) =	sbr.rel @p0 .LBB2_2-.Ltmp0, $4  }
0x33: {  	s17 =	sadd.s32 s17, s7;
	[sflag:s9] =	ssyncadd.s32 $0xFFFF8000  }
0x34: {  	[hbm4b:s17+s4] =	stream.linear.scatter [tilespmem:s11], [sflag:$0x3], $0x8000, $0x38;
	[tilespmem:$0x10100] =	vst v63  }
0x35: {  	_ =	swait.ge [sflag:s9], $0x8000  }
0x36: {  	[sflag:s9] =	ssyncset.done $0x0  }
0x37: {  	s14 =	sadd.s32 $0x1, s14  }
0x38: {  	p0 =	sne.s32 s14, s5  }
.Ltmp1:
0x39: {  	_ = 	snop;
	(pc) =	sbr.rel @p0 .LBB2_1-.Ltmp1, $2  }
0x3a: {  	_ =	sdelay $0x2  }
0x3b: {  	[sflag:s9] =	ssyncadd.s32 $0xFFFF8000  }
0x3c: {  	_ =	sfence.sel $0x180000  }
0x3d: {  	[bflag:$0x0] =	sbarrier.arrive $0xFFFF  }
0x3e: {  	p0 =	sne.s32 s3, $0x0;
	_ =	strace $0x90000047  }
0x3f: {  	s0 =	sadd.s32 @!p0 $0x100000, s0;
	[bflag:$0x2] =	sbarrier.arrive $0xFFFF  }
0x40: {  	[sflag:s0] =	ssyncadd.tile.s32 @!p0 $0x1;
	_ =	shalt  }
.Lfunc_end2:
_tile_overlayer_lowered:
.L_overlay_start_2:
0x41: {  	(tag) =	ssettag $0x2  }
0x42: {  	s0 =	rddreg [dreg:$0x0];
	s2 =	stileid.u32  }
0x43: {  	s1 =	rddreg [dreg:$0x1];
	p0 =	sne.s32 s2, $0x0  }
0x44: {  	s3 =	rddreg [dreg:$0x2];
	[bflag:$0x3] =	sbarrier.arrive $0xFFFF;
	s2 =	simm.s32 @!p0 $0x1C03  }
0x45: {  	[timem:s3], [sflag:s2] =	dma.local @!p0 [hbm:s0], s1  }
0x46: {  	s0 =	simm.s32 @!p0 $0x3  }
0x47: {  	_ =	swait.ge @!p0 [sflag:s0], s1  }
0x48: {  	s1 =	ssub.s32 @!p0 $0x0, s1;
	[sflag:s0] =	ssyncset.done @!p0 $0x0  }
0x49: {  	[sflag:s0] =	ssyncadd.s32 @!p0 s1  }
0x4a: {  	[bflag:$0x3] =	sbarrier.arrive $0xFFFF  }
0x4b: {  	_ =	shalt  }

// kernel: scatter_offload_async_start.1
scs
__scs_entry_jumppad:
0x0: {  	(pc) =	sbr.rel $0x88, $3  }
0x1: {  	(tag) =	ssettag $0x0;
	lr =	simm.s32 $0x1  }
0x2: {  	[smem:$0x3F96] =	sst lr;
	_ =	strace $0xD0000000  }
0x3: {  	_ = 	snop  }
0x4: {  	_ = 	snop  }
0x5: {  	_ = 	snop  }
0x6: {  	_ = 	snop  }
0x7: {  	_ = 	snop  }
__scs_overlays_trampoline_lowered:
0x8: {  	[smem:$0x3FA5] =	sst s0  }
0x9: {  	[smem:$0x3FA6] =	sst s1  }
0xa: {  	[smem:$0x3FA7] =	sst s2  }
0xb: {  	[smem:$0x3FA8] =	sst s3  }
0xc: {  	[smem:$0x3FA9] =	sst s4  }
0xd: {  	[smem:$0x3FAA] =	sst s5  }
0xe: {  	[smem:$0x3FAB] =	sst s6  }
0xf: {  	[smem:$0x3FAC] =	sst s7  }
0x10: {  	[smem:$0x3FAD] =	sst s8  }
0x11: {  	[smem:$0x3FAE] =	sst s9;
	s0 =	simm.s32 @!p0 $0x0  }
0x12: {  	s1 =	sld [smem:$0x3F94];
	s0 =	simm.s32 @p0 $0x1  }
0x13: {  	[smem:$0x3FAF] =	sst s0;
	s0 =	simm.s32 @!p1 $0x0  }
0x14: {  	s2 =	sld [smem:$0x3F93];
	s0 =	simm.s32 @p1 $0x1  }
0x15: {  	[smem:$0x3FB0] =	sst s0;
	s0 =	simm.s32 @!p2 $0x0  }
0x16: {  	s3 =	sld [smem:$0x3FDB];
	s0 =	simm.s32 @p2 $0x1  }
0x17: {  	s4 =	simm.s32 $0x1BF5;
	[smem:$0x3FB2] =	sst s0  }
0x18: {  	s0 =	sld [smem:$0x3F95];
	_ =	swait.ge [sflag:s4], $0x0  }
0x19: {  	s7 =	sld [smem:$0x3F96]  }
0x1a: {  	s8 =	sadd.s32 $0xFFFFE003, lr  }
0x1b: {  	s9 =	sadd.s32 $0xFFFFFEF7, lr;
	s5 =	simm.s32 $0xFFFFFFFF;
	p2 =	slt.u32 s8, $0xFFFFF086  }
0x1c: {  	p1 =	slt.u32 s9, $0xF7A;
	s5 =	simm.s32 @!p2 $0x0  }
0x1d: {  	s5 =	simm.s32 @p1 $0x1;
	p0 =	seq.s32 s7, s2  }
0x1e: {  	s7 =	smul.u32 @!p0 $0xF7A, s2;
	p2 =	seq.s32 @!p0 s5, $0x0  }
0x1f: {  	s9 =	smul.u32 $0xF7A, s1;
	s8 =	simm.s32 @!p0 $0x1BF5;
	p2 =	por !p2, p0  }
0x20: {  	[sflag:s8] =	ssyncset.s32 @!p0 $0xFFFFF086;
	s6 =	sadd.s32 @!p0 s3, s7;
	s7 =	simm.s32 @!p0 $0x108  }
0x21: {  	s3 =	sadd.s32 s3, s9;
	s6 =	sadd.s32 @!p0 $0x88, s6;
	s7 =	simm.s32 @p2 $0x1082  }
0x22: {  	[simem:s7], [sflag:s8] =	dma.local @!p0 [hbm:s6], $0xF7A  }
0x23: {  	s9 =	sor.u32 $0xD0000000, s2;
	s6 =	simm.s32 $0x108;
	_ =	swait.ge @!p0 [sflag:s8], $0x0  }
0x24: {  	s3 =	sadd.s32 $0x88, s3;
	s6 =	simm.s32 @!p1 $0x1082;
	[sflag:s4] =	ssyncset.s32 $0xFFFFF086  }
0x25: {  	[simem:s6], [sflag:s4] =	dma.local [hbm:s3], $0xF7A  }
0x26: {  	[smem:$0x3F96] =	sst s1;
	(tag) =	ssettag s2;
	_ =	strace s9  }
0x27: {  	s1 =	sld [smem:$0x3FA6]  }
0x28: {  	s2 =	sld [smem:$0x3FA7]  }
0x29: {  	s4 =	sld [smem:$0x3FA9]  }
0x2a: {  	p0 =	seq.s32 s5, $0x0;
	s5 =	sld [smem:$0x3FAA]  }
0x2b: {  	s6 =	sld [smem:$0x3FAB]  }
0x2c: {  	s7 =	sld [smem:$0x3FAC]  }
0x2d: {  	s3 =	simm.s32 $0x108;
	s8 =	sld [smem:$0x3FAD]  }
0x2e: {  	s3 =	simm.s32 @!p0 $0x1082;
	s9 =	sld [smem:$0x3FAE]  }
0x2f: {  	lr =	sadd.s32 s0, s3;
	s0 =	sld [smem:$0x3FA5]  }
0x30: {  	s3 =	sld [smem:$0x3FA8]  }
0x31: {  	[smem:$0x3FB1] =	sst s10  }
0x32: {  	s10 =	sld [smem:$0x3FAF];
	_ =	sdelay $0x3  }
0x33: {  	p0 =	seq.s32 s10, $0x1;
	s10 =	sld [smem:$0x3FB1];
	_ =	sdelay $0x3  }
0x34: {  	[smem:$0x3FB1] =	sst s10  }
0x35: {  	s10 =	sld [smem:$0x3FB0];
	_ =	sdelay $0x3  }
0x36: {  	p1 =	seq.s32 s10, $0x1;
	s10 =	sld [smem:$0x3FB1];
	_ =	sdelay $0x3  }
0x37: {  	[smem:$0x3FB1] =	sst s10  }
0x38: {  	s10 =	sld [smem:$0x3FB2]  }
0x39: {  	_ = 	snop;
	(pc) =	sbr.ind lr, $3  }
0x3a: {  	_ = 	snop  }
0x3b: {  	_ = 	snop  }
0x3c: {  	p2 =	seq.s32 s10, $0x1;
	s10 =	sld [smem:$0x3FB1]  }
0x3d: {  	_ =	shalt  }
0x3e: {  	_ =	shalt  }
0x3f: {  	_ =	shalt  }
0x40: {  	_ =	shalt  }
0x41: {  	_ =	shalt  }
0x42: {  	_ =	shalt  }
0x43: {  	_ =	shalt  }
0x44: {  	_ =	shalt  }
0x45: {  	_ =	shalt  }
0x46: {  	_ =	shalt  }
0x47: {  	_ =	shalt  }
0x48: {  	_ =	shalt  }
0x49: {  	_ =	shalt  }
0x4a: {  	_ =	shalt  }
0x4b: {  	_ =	shalt  }
0x4c: {  	_ =	shalt  }
0x4d: {  	_ =	shalt  }
0x4e: {  	_ =	shalt  }
0x4f: {  	_ =	shalt  }
0x50: {  	_ =	shalt  }
0x51: {  	_ =	shalt  }
0x52: {  	_ =	shalt  }
0x53: {  	_ =	shalt  }
0x54: {  	_ =	shalt  }
0x55: {  	_ =	shalt  }
0x56: {  	_ =	shalt  }
0x57: {  	_ =	shalt  }
0x58: {  	_ =	shalt  }
0x59: {  	_ =	shalt  }
0x5a: {  	_ =	shalt  }
0x5b: {  	_ =	shalt  }
0x5c: {  	_ =	shalt  }
0x5d: {  	_ =	shalt  }
0x5e: {  	_ =	shalt  }
0x5f: {  	_ =	shalt  }
0x60: {  	_ =	shalt  }
0x61: {  	_ =	shalt  }
0x62: {  	_ =	shalt  }
0x63: {  	_ =	shalt  }
0x64: {  	_ =	shalt  }
0x65: {  	_ =	shalt  }
0x66: {  	_ =	shalt  }
0x67: {  	_ =	shalt  }
0x68: {  	_ =	shalt  }
0x69: {  	_ =	shalt  }
0x6a: {  	_ =	shalt  }
0x6b: {  	_ =	shalt  }
0x6c: {  	_ =	shalt  }
0x6d: {  	_ =	shalt  }
0x6e: {  	_ =	shalt  }
0x6f: {  	_ =	shalt  }
0x70: {  	_ =	shalt  }
0x71: {  	_ =	shalt  }
0x72: {  	_ =	shalt  }
0x73: {  	_ =	shalt  }
0x74: {  	_ =	shalt  }
0x75: {  	_ =	shalt  }
0x76: {  	_ =	shalt  }
0x77: {  	_ =	shalt  }
0x78: {  	_ =	shalt  }
0x79: {  	_ =	shalt  }
0x7a: {  	_ =	shalt  }
0x7b: {  	_ =	shalt  }
0x7c: {  	_ =	shalt  }
0x7d: {  	_ =	shalt  }
0x7e: {  	_ =	shalt  }
0x7f: {  	_ =	shalt  }
0x80: {  	_ =	shalt  }
0x81: {  	_ =	shalt  }
0x82: {  	_ =	shalt  }
0x83: {  	_ =	shalt  }
0x84: {  	_ =	shalt  }
0x85: {  	_ =	shalt  }
0x86: {  	_ =	shalt  }
0x87: {  	_ =	shalt  }
.Lfunc_end0:
.L_simem_size_0:
called_computation.1_lowered:
.L_overlay_start_0:
0x88: {  	s0 =	sld [smem:$0x3FD9]  }
0x89: {  	s1 =	sld [smem:$0x3FFE];
	_ =	sdelay $0x3  }
0x8a: {  	s0 =	sadd.s32 s1, s0  }
0x8b: {  	[smem:$0x3FBD] =	sst s0  }
0x8c: {  	_ = 	snop  }
0x8d: {  	(tm) =	ssettm $0x1  }
0x8e: {  	s15 =	sld [smem:$0x3FFB];
	_ =	sdelay $0x3  }
0x8f: {  	_ =	strace s15  }
0x90: {  	s0 =	sld [smem:$0x3FFC];
	_ =	sdelay $0x3  }
0x91: {  	_ =	strace s0  }
0x92: {  	s0 =	sld [smem:$0x3FFD];
	_ =	sdelay $0x3  }
0x93: {  	_ =	strace s0  }
0x94: {  	_ =	strace $0x8FFFFFFF  }
0x95: {  	s16 =	sld [smem:$0x3FDB];
	_ =	sdelay $0x1  }
0x96: {  	s17 =	simm.s32 $_scs_section_size  }
0x97: {  	s2 =	simm.s32 $_size__tile_overlayer_lowered;
	s3 =	simm.s32 $_tile_overlayer_lowered  }
0x98: {  	s20 =	simm.s32 $0x1BFF;
	s19 =	sshll.u32 s3, $0x1;
	s0 =	sadd.s32 s17, s16  }
0x99: {  	s4 =	simm.s32 $0x0;
	s18 =	sshll.u32 s2, $0x1;
	s2 =	sadd.s32 s19, s0  }
0x9a: {  	[timem:s4], [sflag:s20] =	dma.local [hbm:s2], s18  }
0x9b: {  	_ =	swait.ge [sflag:s20], s18  }
0x9c: {  	s1 =	ssub.s32 $0x0, s18;
	[sflag:s20] =	ssyncset.done $0x0  }
0x9d: {  	[sflag:s20] =	ssyncadd.s32 s1;
	_ =	sdelay $0x1  }
0x9e: {  	s21 =	simm.s32 $0x1B8B  }
0x9f: {  	_ =	swait.ge [sflag:s21], $0x1  }
0xa0: {  	[sflag:s21] =	ssyncset.done $0x0  }
0xa1: {  	s23 =	simm.s32 $0x1B8E;
	s22 =	sld [smem:$0x3FFE];
	[sflag:s21] =	ssyncadd.s32 $0xFFFFFFFF  }
0xa2: {  	s24 =	simm.s32 $execute0_lowered;
	[smem:$0x3FD2] =	sst s23  }
0xa3: {  	s2 =	sshll.u32 s24, $0x1;
	_ =	strace $0x80000049;
	[dreg:$0x1] =	wrdreg $0xFFFFFFFF  }
0xa4: {  	s25 =	simm.s32 $_size_execute0_lowered;
	s0 =	sadd.s32 s0, s2;
	[dreg:$0x0] =	wrdreg $0x0  }
0xa5: {  	s2 =	sshll.u32 s25, $0x1;
	[dreg:$0x2] =	wrdreg s0  }
0xa6: {  	[dreg:$0x3] =	wrdreg s2  }
0xa7: {  	[dreg:$0x4] =	wrdreg $0xC0  }
0xa8: {  	_ =	task [dreg:s4], $0x5FFFF  }
0xa9: {  	[dreg:$0x1] =	wrdreg $0xFFFFFFFF  }
0xaa: {  	[dreg:$0x0] =	wrdreg $0x60  }
0xab: {  	[dreg:$0x2] =	wrdreg s22  }
0xac: {  	[dreg:$0x3] =	wrdreg $0xA  }
0xad: {  	_ =	task.clear_ibuf [dreg:s4], $0x4FFFF;
	_ =	strace $0x90000049  }
0xae: {  	s26 =	simm.s32 $0xA;
	_ =	strace $0x8000004B  }
0xaf: {  	_ =	swait.ge [sflag:s26], $0x1  }
0xb0: {  	[sflag:s26] =	ssyncadd.s32 $0xFFFFFFFF  }
0xb1: {  	_ =	strace $0x9000004B  }
0xb2: {  	_ =	sfence  }
0xb3: {  	s28 =	sld [smem:$0x0];
	_ =	sdelay $0x1  }
0xb4: {  	s29 =	srdreg.scid  }
0xb5: {  	s30 =	sshll.u32 s29, $0xD;
	s31 =	sshrl.u32 s29, $0x2  }
0xb6: {  	s1 =	sand.u32 $0x1, s29;
	s2 =	sand.u32 $0x4000, s30;
	s0 =	sadd.s32 s31, s28  }
0xb7: {  	s1 =	sor.u32 s2, s1;
	s0 =	sshll.u32 s0, $0x11  }
0xb8: {  	s0 =	sor.u32 s0, s1  }
0xb9: {  	s0 =	sadd.s32 $0x8F2B, s0  }
0xba: {  	[sflag:s0] =	ssyncadd.remote.s32 $0x1  }
0xbb: {  	_ =	sfence.sel $0xFFFF  }
0xbc: {  	[dreg:$0x0] =	wrdreg $0xFFFFFFFF;
	(pc) =	sbr.abs _section_cstart, $3  }
0xbd: {  	[dreg:$0x1] =	wrdreg $0xFFFFFFFF  }
0xbe: {  	_ =	task.clear_ibuf [dreg:s4], $0x2FFFF;
	_ =	strace $0x9FFFFFFF  }
0xbf: {  	(tm) =	ssettm $0x7FFFFFFF  }
tec
execute0_lowered:
.L_overlay_start_1:
0x0: {  	(tag) =	ssettag $0x1  }
0x1: {  	s0 =	rddreg [dreg:$0x0];
	_ =	strace $0x8000004A;
	s3 =	simm.s32 $0x1  }
0x2: {  	v1 =	vimm.s32 $0xFFFFFFFF;
	[sflag:s3] =	ssyncpa.u1 $0x0  }
0x3: {  	[tilespmem:$0x10] =	vst v1  }
0x4: {  	v0 =	vimm.f32 $0.0e+00;
	[tilespmem:$0x20] =	vst v1  }
0x5: {  	[tilespmem:$0x30] =	vst v0  }
0x6: {  	s2 =	simm.s32 $0x2;
	s6 =	simm.s32 $0x7;
	s26 =	stileid.u32;
	[tilespmem:$0x40] =	vst v0  }
0x7: {  	s7 =	simm.s32 $0x8;
	s31 =	simm.s32 $0x9;
	s14 =	simm.s32 $0x0;
	[tilespmem:$0x50] =	vst v0  }
0x8: {  	s15 =	simm.s32 $0x100;
	s18 =	simm.s32 $0x10;
	s19 =	simm.s32 $0x12100;
	[tilespmem:$0x60] =	vst v1  }
0x9: {  	s20 =	simm.s32 $0xF;
	s21 =	simm.s32 $0x50;
	s22 =	simm.s32 $0x80FF;
	[tilespmem:$0x70] =	vst v1  }
0xa: {  	s23 =	simm.s32 $0x20;
	s24 =	simm.s32 $0x30;
	s25 =	simm.s32 $0x100FF;
	[tilespmem:$0x80] =	vst v1  }
0xb: {  	s30 =	simm.s32 $0x0;
	s1 =	sadd.s32 $0x200800, s0;
	s4 =	sadd.s32 $0x40C800, s0;
	v1 =	vimm.s32 $0x0;
	[tilespmem:$0xB0] =	vst v0  }
.Ltmp0:
0xc: {  	s29 =	simm.s32 $0x0;
	s5 =	sadd.s32 $0x410800, s0;
	[tilespmem:$0x90] =	vst v1;
	(pc) =	sbr.rel .LBB2_1-.Ltmp0, $4  }
0xd: {  	s8 =	sshll.u32 s26, $0xD;
	s10 =	sshll.u32 s26, $0x1;
	[tilespmem:$0xA0] =	vst v1;
	[sflag:s2] =	ssyncpa.u1 $0x0  }
0xe: {  	s12 =	sshllo.u32 s26, $0x1;
	s26 =	simm.s32 $0x80;
	[sflag:s6] =	ssyncpa.u1 $0x0  }
0xf: {  	vm0 =	vmmov $0xffff;
	v2 =	vlaneseq.u32;
	s9 =	sadd.s32 $0x2000, s8;
	s11 =	sor.u32 $0x81, s10;
	[sflag:s7] =	ssyncpa.u1 $0x0  }
0x10: {  	vm1 =	vmxor vm1, vm1;
	vm2 =	vmmov $0x1;
	vm3 =	vcmask $0x3F3C;
	s13 =	sor.u32 $0x80, s10;
	s28 =	smov.u32 s8;
	[sflag:s31] =	ssyncpa.u1 $0x0  }
.LBB2_3:
0x11: {  	s0 =	sshrl.u32 s28, $0x3  }
0x12: {  	s2 =	sand.u32 $0x7, s28;
	s0 =	sadd.s32 s4, s0  }
0x13: {  	[tilespmem:s15], [sflag:$0x7] =	stream.linear.gather [hbm4b:s0+s2], $0x2000, $0x38;
	[tilespmem:$0x12120] =	vst v63  }
.LBB2_4:
0x14: {  	s0 =	sadd.s32 $0x2000, s28  }
0x15: {  	s2 =	smov.u32 s8;
	s29 =	sadd.s32 $0x1, s29;
	p0 =	slt.s32 s0, s9  }
0x16: {  	s2 =	smov.u32 @p0 s0;
	p0 =	sne.s32 s29, $0x4  }
.Ltmp1:
0x17: {  	_ = 	snop;
	(pc) =	sbr.rel @!p0 .LBB2_13-.Ltmp1, $2  }
0x18: {  	_ =	sdelay $0x2  }
0x19: {  	s30 =	smov.u32 s28;
	s28 =	smov.u32 s2  }
.LBB2_1:
0x1a: {  	p0 =	sgt.s32 s29, $0x1  }
.Ltmp2:
0x1b: {  	_ = 	snop;
	(pc) =	sbr.rel @p0 .LBB2_11-.Ltmp2, $1  }
0x1c: {  	_ =	sdelay $0x3  }
0x1d: {  	p0 =	seq.s32 s29, $0x0  }
.Ltmp3:
0x1e: {  	_ = 	snop;
	(pc) =	sbr.rel @p0 .LBB2_3-.Ltmp3, $1  }
0x1f: {  	_ =	sdelay $0x3  }
0x20: {  	_ =	swait.ge [sflag:s6], $0x2000  }
0x21: {  	[sflag:s6] =	ssyncset.done $0x0  }
0x22: {  	[sflag:s6] =	ssyncadd.s32 $0xFFFFE000;
	(ifvalue) =	ssetifvalue $0xFFFFFFFF;
	v3 =	vld.msk [tilespmem:s15+$0x0 ss:$0x1], $0xffff;
	_ =	sdelay $0x4  }
0x23: {  	v4 =	vperm.xlane v3, v1  }
0x24: {  	vm4 =	vlt.u32 v3, $0xFC00  }
0x25: {  	v3 =	vnsel vm4, $0xFFFFFFFE, v3;
	vm4 =	vlt.u32 v4, $0xFC00  }
0x26: {  	[tilespmem:$0x70] =	vst v3;
	v3 =	vnsel vm4, $0xFFFFFFFE, v4  }
0x27: {  	s17 =	simm.s32 $0x20F0;
	[tilespmem:$0x80] =	vst v3  }
0x28: {  	v3 =	vld.msk [tilespmem:s17+$0x0 ss:$0x1], $0xffff;
	_ =	sdelay $0x4  }
0x29: {  	(xrf1) =	vunique.msk.u32 $0xffff, v3;
	_ =	sdelay $0xd  }
0x2a: {  	v4 =	vimm.s32 $0xFFFFFFFF;
	v5, _, _ =	vpop (xrf1)  }
0x2b: {  	vm5 =	vne.s32 v3, v4;
	vm4 =	veq.s32 v5, v2  }
0x2c: {  	vm6 =	vlt.u32 v3, $0xFC00;
	vm4 =	vmand vm5, vm4  }
0x2d: {  	vm4 =	vmand vm6, vm4  }
0x2e: {  	v4 =	vnsel vm4, $0xFFFFFFFF, v3;
	_ =	sdelay $0x3  }
0x2f: {  	s0 =	simm.s32 $0x80F0;
	(ifvalue) =	ssetifvalue $0xFFFFFFFF  }
0x30: {  	v3 =	vperm.xlane v3, v1;
	[tilespmem:s0], [sflag:$0x8] =	stream.indirect_vreg.gather [hbm4b:s1+s14], $0x1, v4, vm0, $0x4038;
	v4 =	vnsel vm6, $0xFFFFFFFE, v4;
	[tilespmem:$0x12120] =	vst v63  }
0x31: {  	s2 =	simm.s32 $0x0;
	s16 =	simm.s32 $0x20E0;
	[tilespmem:s17+$0x0] =	vst v4  }
.LBB2_6:
0x32: {  	v4 =	vld.msk [tilespmem:s16+$0x0 ss:$0x1], $0xffff;
	s2 =	sadd.s32 $0x10, s2;
	v5 =	vmov v3;
	s17 =	smov.u32 s16  }
0x33: {  	p0 =	slt.u32 s2, $0x1FF0;
	_ =	sdelay $0x4  }
0x34: {  	v3 =	vperm.xlane v4, v1;
	(xrf1) =	vunique.msk.u32 $0xffff, v4;
	_ =	sdelay $0xd  }
0x35: {  	v6, _, _ =	vpop (xrf1)  }
0x36: {  	vm5 =	vne.s32 v4, v5;
	vm4 =	veq.s32 v6, v2  }
0x37: {  	vm6 =	vlt.u32 v4, $0xFC00;
	vm4 =	vmand vm5, vm4  }
0x38: {  	vm4 =	vmand vm6, vm4  }
0x39: {  	v4 =	vnsel vm4, $0xFFFFFFFF, v4  }
.Ltmp4:
0x3a: {  	v5 =	vnsel vm6, $0xFFFFFFFE, v4;
	(pc) =	sbr.rel @p0 .LBB2_6-.Ltmp4, $3  }
0x3b: {  	_ =	sdelay $0x1  }
0x3c: {  	s16 =	sadd.s32 $0xFFFFFFF0, s16;
	s0 =	sadd.s32 $0xFFFFFFF0, s0;
	(ifvalue) =	ssetifvalue $0xFFFFFFFF  }
0x3d: {  	[tilespmem:s0], [sflag:$0x8] =	stream.indirect_vreg.gather [hbm4b:s1+s14], $0x1, v4, vm0, $0x4038;
	[tilespmem:s17+$0x0] =	vst v5  }
.Ltmp5:
0x3e: {  	(pc) =	sbr.rel .LBB2_4-.Ltmp5, $4  }
0x3f: {  	_ = 	snop  }
0x40: {  	s0 =	sshrl.u32 s30, $0x3  }
0x41: {  	s2 =	simm.s32 $0xA100;
	s0 =	sadd.s32 s5, s0  }
0x42: {  	[tilespmem:s2], [sflag:$0x8] =	stream.linear.gather [hbm:s0], $0x2000, $0x38;
	[tilespmem:$0x12120] =	vst v63  }
.LBB2_11:
0x43: {  	p0 =	seq.s32 s29, $0x2  }
.Ltmp6:
0x44: {  	_ = 	snop;
	(pc) =	sbr.rel @!p0 .LBB2_12-.Ltmp6, $1  }
0x45: {  	_ =	sdelay $0x3  }
0x46: {  	_ =	swait.ge [sflag:s7], $0x4000  }
0x47: {  	[sflag:s7] =	ssyncset.done $0x0  }
0x48: {  	s0 =	simm.s32 $0x20FF;
	[sflag:s7] =	ssyncadd.s32 $0xFFFFC000  }
0x49: {  	[spmem:s11] =	stream.linear.scatter [tilespmem:s0], [sflag:$0x1], $0x1, $0x38;
	[tilespmem:$0x12120] =	vst v63  }
0x4a: {  	_ =	swait.ge [sflag:s3], $0x1  }
0x4b: {  	[sflag:s3] =	ssyncset.done $0x0  }
0x4c: {  	[sflag:s3] =	ssyncadd.s32 $0xFFFFFFFF  }
0x4d: {  	v4 =	vld [tilespmem:$0x10]  }
0x4e: {  	v5 =	vld [tilespmem:$0x70]  }
0x4f: {  	v3 =	vld [tilespmem:$0x80];
	_ =	sdelay $0x2  }
0x50: {  	(v2sf) =	vpush v4, $0x0  }
0x51: {  	(v2sf) =	vpush v5, $0x0  }
0x52: {  	(v2sf) =	vpush v3, $0x0;
	_ =	sdelay $0xc  }
0x53: {  	s16 =	spop (v2sf)  }
0x54: {  	s2 =	spop (v2sf)  }
0x55: {  	s30 =	spop (v2sf)  }
0x56: {  	p0 =	seq.s32 s16, s2;
	p1 =	seq.s32 s30, s16  }
0x57: {  	p1 =	por p0, p1  }
0x58: {  	v4 =	vpsel p1, $0xFFFFFFFF, v4  }
0x59: {  	[tilespmem:s18+$0x0] =	vst.msk $0x1, v4  }
0x5a: {  	v4 =	vld [tilespmem:$0x30]  }
0x5b: {  	v5 =	vld [tilespmem:$0xA100]  }
0x5c: {  	v6 =	vld [tilespmem:$0x40];
	_ =	sdelay $0x3  }
0x5d: {  	vm4 =	vmmov vm1;
	v5 =	vadd.f32 v5, v4  }
0x5e: {  	vm5 =	vmmov vm2;
	s31 =	simm.s32 $0xA100;
	vm4 =	vmmov @p0 vm2;
	v4 =	vadd.f32 v6, v4  }
0x5f: {  	vm5 =	vmmov @p1 vm1;
	[tilespmem:s31+$0x0] =	vst.msk vm4, v5  }
0x60: {  	[tilespmem:s19+$0x0] =	vst.msk vm5, v4  }
0x61: {  	v4 =	vld [tilespmem:$0x80F0];
	_ =	sdelay $0x3  }
0x62: {  	v5 =	vimm.f32 $0.0e+00  }
0x63: {  	v4 =	vshift.insert v4, v5, s20;
	_ =	sdelay $0x1  }
0x64: {  	[tilespmem:s21+$0x0] =	vst.msk $0x1, v4  }
0x65: {  	[tilespmem:s22+$0x0] =	vst.msk $0x1, v5  }
0x66: {  	v4 =	vld [tilespmem:$0x20F0];
	_ =	sdelay $0x4  }
0x67: {  	v4 =	vshift.insert v4, v1, s20;
	_ =	sdelay $0x1  }
0x68: {  	[tilespmem:s23+$0x0] =	vst.msk $0x1, v4  }
0x69: {  	s17 =	simm.s32 $0x100;
	v6 =	vld [tilespmem:s31+$0x0]  }
0x6a: {  	v7 =	vld [tilespmem:s17+$0x0];
	_ =	sdelay $0x3  }
0x6b: {  	v5 =	vadd.f32 v6, v5  }
0x6c: {  	vm4 =	vne.s32 v7, $0xFFFFFFFF  }
0x6d: {  	(xrf2) =	vadd.seg.scan.f32 vm4, v5;
	_ =	sdelay $0x3  }
0x6e: {  	s0 =	simm.s32 $0x6100;
	v5 =	vperm.xlane v4, v1  }
0x6f: {  	v6 =	vld [tilespmem:s0+$0x0]  }
0x70: {  	vm5 =	veq.s32 v7, v3;
	vm6 =	veq.s32 v7, v5  }
0x71: {  	vm7 =	vgt.u32 v7, $0xFFFFFFFD;
	vm6 =	vmor vm6, vm5  }
0x72: {  	vm6 =	vmor vm6, vm7  }
0x73: {  	v9 =	vld [tilespmem:$0xA0];
	v7 =	vsel vm6, $0xFFFFFFFF, v7  }
0x74: {  	v10 =	vld [tilespmem:$0x90];
	v6 =	vsel vm5, $0x0, v6;
	v8, _, _ =	vpop (xrf2)  }
0x75: {  	v6 =	vadd.f32 v8, v6  }
0x76: {  	s2 =	simm.s32 $0xE100  }
0x77: {  	vm4 =	vmand vm4, vm3;
	[tilespmem:s2+$0x0] =	vst v6;
	(ifvalue) =	ssetifvalue $0xFFFFFFFF  }
0x78: {  	vm6 =	veq.s32 v9, $0x1;
	[hbm4b:s1+s14] =	stream.indirect_vreg.scatter [tilespmem:s2], [sflag:$0x2], $0x1, v7, vm0, $0x4038;
	v7 =	vsel vm4, $0x0, v8;
	[tilespmem:$0x12120] =	vst v63  }
0x79: {  	s16 =	simm.s32 $0x0;
	s17 =	simm.s32 $0x110;
	vm4 =	vmor vm6, vm5;
	v6 =	vsel vm5, v8, v10;
	v7 =	vshift.insert v7, v0, s20  }
.LBB2_9:
0x7a: {  	v8 =	vld [tilespmem:s17+$0x0];
	s31 =	sadd.s32 $0x10, s31  }
0x7b: {  	s0 =	sadd.s32 $0x10, s0;
	v9 =	vld [tilespmem:s31+$0x0]  }
0x7c: {  	s16 =	sadd.s32 $0x10, s16;
	v10 =	vld [tilespmem:s0+$0x0]  }
0x7d: {  	p0 =	slt.u32 s16, $0x1FF0;
	_ =	sdelay $0x2  }
0x7e: {  	v7 =	vadd.f32 v9, v7  }
0x7f: {  	vm5 =	vne.s32 v8, $0xFFFFFFFF  }
0x80: {  	vm6 =	vmand vm5, vm3;
	(xrf2) =	vadd.seg.scan.f32 vm5, v7;
	_ =	sdelay $0x5  }
0x81: {  	vm7 =	veq.s32 v8, v5;
	vm5 =	veq.s32 v8, v3  }
0x82: {  	vm8 =	vgt.u32 v8, $0xFFFFFFFD;
	vm4 =	vmor vm4, vm5;
	vm7 =	vmor vm7, vm5  }
0x83: {  	vm7 =	vmor vm7, vm8  }
0x84: {  	v8 =	vsel vm7, $0xFFFFFFFF, v8  }
.Ltmp7:
0x85: {  	v7 =	vsel vm5, $0x0, v10;
	v9, _, _ =	vpop (xrf2);
	(pc) =	sbr.rel @p0 .LBB2_9-.Ltmp7, $4  }
0x86: {  	v6 =	vsel vm5, v9, v6;
	v10 =	vadd.f32 v9, v7;
	v7 =	vsel vm6, $0x0, v9  }
0x87: {  	s2 =	sadd.s32 $0x10, s2;
	v7 =	vshift.insert v7, v0, s20  }
0x88: {  	s17 =	sadd.s32 $0x10, s17;
	[tilespmem:s2+$0x0] =	vst v10;
	(ifvalue) =	ssetifvalue $0xFFFFFFFF  }
0x89: {  	[hbm4b:s1+s14] =	stream.indirect_vreg.scatter [tilespmem:s2], [sflag:$0x2], $0x1, v8, vm0, $0x4038;
	[tilespmem:$0x12120] =	vst v63  }
0x8a: {  	v3 =	vld [tilespmem:$0x100F0];
	_ =	sdelay $0x4  }
0x8b: {  	v3 =	vshift.insert v3, v0, s20;
	_ =	sdelay $0x1  }
0x8c: {  	[tilespmem:s24+$0x0] =	vst.msk $0x1, v3  }
0x8d: {  	v3 =	vsel vm4, $0x1, v1;
	[tilespmem:$0x90] =	vst v6  }
0x8e: {  	[tilespmem:$0xA0] =	vst v3  }
0x8f: {  	[spmem:s12] =	stream.linear.scatter [tilespmem:s25], [sflag:$0x1], $0x1, $0x38;
	[tilespmem:$0x12120] =	vst v63  }
0x90: {  	v3 =	vmctz.xlane vm4;
	_ =	swait.ge [sflag:s3], $0x1  }
0x91: {  	(v2sf) =	vpush v4, $0x0  }
0x92: {  	(v2sf) =	vpush v3, $0x0;
	_ =	sdelay $0xd  }
0x93: {  	s0 =	spop (v2sf)  }
0x94: {  	s2 =	spop (v2sf)  }
0x95: {  	[sflag:s3] =	ssyncset.done $0x0;
	p0 =	sne.s32 s30, s0;
	p1 =	slt.s32 s2, $0xF  }
0x96: {  	[sflag:s3] =	ssyncadd.s32 $0xFFFFFFFF;
	v3 =	vimm.s32 @!p0 $0xFFFFFFFF;
	s2 =	simm.s32 @!p1 $0xF  }
0x97: {  	[tilespmem:$0x80] =	vst @!p0 v3;
	s31 =	sadd.s32 $0x90, s2  }
0x98: {  	[spmem:s10] =	stream.linear.scatter [tilespmem:s31], [sflag:$0x1], $0x1, $0x38;
	[tilespmem:$0x12120] =	vst v63  }
0x99: {  	_ =	swait.ge [sflag:s3], $0x1  }
0x9a: {  	[sflag:s3] =	ssyncset.done $0x0  }
0x9b: {  	[sflag:s3] =	ssyncadd.s32 $0xFFFFFFFF  }
0x9c: {  	[spmem:s13] =	stream.linear.scatter [tilespmem:s26], [sflag:$0x1], $0x1, $0x38;
	[tilespmem:$0x12120] =	vst v63  }
0x9d: {  	_ =	swait.ge [sflag:s3], $0x1  }
0x9e: {  	[sflag:s3] =	ssyncset.done $0x0  }
0x9f: {  	[sflag:s3] =	ssyncadd.s32 $0xFFFFFFFF;
	(ifvalue) =	ssetifvalue $0xFFFFFFFF;
	v3 =	vld [tilespmem:$0x10];
	_ =	sdelay $0x3  }
.Ltmp8:
0xa0: {  	_ = 	snop;
	(pc) =	sbr.rel .LBB2_4-.Ltmp8, $3  }
0xa1: {  	_ =	sdelay $0x1  }
0xa2: {  	(ifvalue) =	ssetifvalue $0xFFFFFFFF  }
0xa3: {  	[hbm4b:s1+s14] =	stream.indirect_vreg.scatter [tilespmem:s19], [sflag:$0x9], $0x1, v3, vm0, $0x4038;
	[tilespmem:$0x12120] =	vst v63  }
.LBB2_12:
0xa4: {  	s0 =	simm.s32 $0x2  }
0xa5: {  	_ =	swait.ge [sflag:s0], $0x2000  }
0xa6: {  	[sflag:s0] =	ssyncset.done $0x0  }
0xa7: {  	s31 =	simm.s32 $0x9;
	[sflag:s0] =	ssyncadd.s32 $0xFFFFE000  }
0xa8: {  	_ =	swait.ge [sflag:s31], $0x10  }
0xa9: {  	[sflag:s31] =	ssyncset.done $0x0  }
0xaa: {  	[sflag:s31] =	ssyncadd.s32 $0xFFFFFFF0  }
.LBB2_13:
0xab: {  	_ =	sfence.sel $0x180000  }
0xac: {  	s0 =	simm.s32 $0x7;
	[bflag:$0x0] =	sbarrier.arrive $0xFFFF  }
0xad: {  	s26 =	simm.s32 $0x8;
	[sflag:s0] =	ssyncpa.u1 $0x1  }
0xae: {  	s28 =	simm.s32 $0x9;
	[sflag:s26] =	ssyncpa.u1 $0x1  }
0xaf: {  	[sflag:s28] =	ssyncpa.u1 $0x1  }
0xb0: {  	_ =	sfence.stream.spmem  }
0xb1: {  	s29 =	simm.s32 $0x3;
	[bflag:$0x0] =	sbarrier.arrive $0xFFFF  }
0xb2: {  	s30 =	simm.s32 $0x4;
	[sflag:s29] =	ssyncpa.u1 $0x1  }
0xb3: {  	s31 =	simm.s32 $0x3C;
	s2 =	stileid.u32;
	[sflag:s30] =	ssyncpa.u1 $0x1  }
0xb4: {  	p0 =	sne.s32 s2, $0x0;
	[sflag:s31] =	ssyncpa.u1 $0x1  }
0xb5: {  	s0 =	simm.s32 @p0 $0x1;
	_ =	sfence @p0  }
0xb6: {  	[sflag:s0] =	ssyncpa.u1 @p0 $0x1;
	s0 =	simm.s32 @p0 $0x2  }
0xb7: {  	[sflag:s0] =	ssyncpa.u1 @p0 $0x1  }
0xb8: {  	_ =	strace @p0 $0x9000004A  }
0xb9: {  	[bflag:$0x2] =	sbarrier.arrive @p0 $0xFFFF  }
0xba: {  	_ =	shalt @p0  }
.LBB2_14:
0xbb: {  	_ =	sfence.stream.spmem;
	s0 =	simm.s32 $0x5  }
0xbc: {  	s2 =	simm.s32 $0x80;
	s3 =	simm.s32 $0xC0;
	[sflag:s0] =	ssyncpa.u1 $0x0  }
0xbd: {  	[tilespmem:s3], [sflag:$0x5] =	stream.linear.gather [spmem:s2], $0x20, $0x38;
	[tilespmem:$0x12120] =	vst v63  }
0xbe: {  	s2 =	simm.s32 $0x0;
	s3 =	simm.s32 $0xE0  }
0xbf: {  	[tilespmem:s3], [sflag:$0x5] =	stream.linear.gather [spmem:s2], $0x20, $0x38;
	[tilespmem:$0x12120] =	vst v63  }
.Ltmp9:
0xc0: {  	_ = 	snop;
	(pc) =	sbr.rel .LBB2_15-.Ltmp9, $4  }
0xc1: {  	_ =	swait.ge [sflag:s0], $0x40  }
0xc2: {  	[sflag:s0] =	ssyncset.done $0x0  }
0xc3: {  	s31 =	simm.s32 $0x6;
	[sflag:s0] =	ssyncadd.s32 $0xFFFFFFC0  }
0xc4: {  	s4 =	simm.s32 $0x0;
	[sflag:s31] =	ssyncpa.u1 $0x0  }
.LBB2_20:
0xc5: {  	p0 =	sgt.u32 s0, $0xFBFF  }
0xc6: {  	s5 =	sshrl.u32 @!p0 s0, $0x3  }
0xc7: {  	s0 =	sand.u32 @!p0 $0x7, s0;
	s6 =	simm.s32 @!p0 $0xB0;
	s5 =	sadd.s32 @!p0 s1, s5  }
0xc8: {  	[tilespmem:s6], [sflag:$0x6] =	stream.linear.gather @!p0 [hbm4b:s5+s0], $0x1, $0x38;
	[tilespmem:$0x12120] =	vst v63  }
0xc9: {  	s0 =	simm.s32 @!p0 $0x6  }
0xca: {  	_ =	swait.ge @!p0 [sflag:s0], $0x1  }
0xcb: {  	[sflag:s0] =	ssyncset.done @!p0 $0x0  }
0xcc: {  	[sflag:s0] =	ssyncadd.s32 @!p0 $0xFFFFFFFF  }
0xcd: {  	v2 =	vmov @!p0 s4;
	v1 =	vld.msk @!p0 [tilespmem:$0xB0], $0x1;
	_ =	sdelay $0x3  }
0xce: {  	s0 =	simm.s32 @!p0 $0xE0  }
0xcf: {  	[tilespmem:v2+s0+$0x0], v1 =	vst.idx.ret.add.f32.msk @!p0 $0x1, v1  }
0xd0: {  	[tilespmem:s2+$0xC0] =	vst.msk $0x1, v0  }
0xd1: {  	v0 =	vld.msk [tilespmem:s4+$0xE0], $0x1;
	_ =	sdelay $0x4  }
0xd2: {  	[tilespmem:s2+$0xE0] =	vst.msk $0x1, v0;
	s2 =	sadd.s32 $0x1, s2  }
.LBB2_22:
0xd3: {  	s4 =	sadd.s32 $0x1, s4  }
0xd4: {  	p0 =	sne.s32 s4, $0x20  }
.Ltmp10:
0xd5: {  	_ = 	snop;
	(pc) =	sbr.rel @!p0 .LBB2_23-.Ltmp10, $1  }
0xd6: {  	_ =	sdelay $0x3  }
.LBB2_15:
0xd7: {  	v0 =	vld.msk [tilespmem:s4+$0xC0], $0x1;
	_ =	sdelay $0x4  }
0xd8: {  	(v2sf) =	vpush v0, $0x0;
	_ =	sdelay $0xe  }
0xd9: {  	s0 =	spop (v2sf)  }
0xda: {  	p0 =	seq.s32 s0, $0xFFFFFFFF  }
.Ltmp11:
0xdb: {  	_ = 	snop;
	(pc) =	sbr.rel @p0 .LBB2_22-.Ltmp11, $1  }
0xdc: {  	_ =	sdelay $0x3  }
0xdd: {  	p0 =	slt.s32 s2, $0x1  }
.Ltmp12:
0xde: {  	_ = 	snop;
	(pc) =	sbr.rel @p0 .LBB2_20-.Ltmp12, $1  }
0xdf: {  	_ =	sdelay $0x3  }
0xe0: {  	s5 =	simm.s32 $0xC0;
	p0 =	por $0x0, $0x0  }
0xe1: {  	v1 =	vld.msk @!p0 [tilespmem:s5+$0x0], $0x1;
	_ =	sdelay $0x4  }
0xe2: {  	(v2sf) =	vpush @!p0 v1, $0x0;
	_ =	sdelay $0xd  }
0xe3: {  	p2 =	sne.s32 s2, $0x1  }
.Ltmp13:
0xe4: {  	s6 =	spop @!p0 (v2sf);
	(pc) =	sbr.rel @!p2 .LBB2_19-.Ltmp13, $4  }
0xe5: {  	p1 =	seq.s32 @!p0 s0, s6  }
0xe6: {  	s6 =	simm.s32 $0x0;
	p1 =	por !p1, p0  }
0xe7: {  	s8 =	simm.s32 $0xFFFFFFFF;
	s6 =	simm.s32 @p1 $0xFFFFFFFF  }
0xe8: {  	s7 =	simm.s32 $0x1;
	s6 =	smov.u32 @p0 s8  }
.LBB2_18:
0xe9: {  	s8 =	smov.u32 s6;
	p0 =	sne.s32 s6, $0xFFFFFFFF  }
0xea: {  	s5 =	sadd.s32 $0x1, s5;
	s6 =	smov.u32 s7;
	s7 =	sadd.s32 $0x1, s7  }
0xeb: {  	p1 =	sne.s32 s2, s7;
	v1 =	vld.msk @!p0 [tilespmem:s5+$0x0], $0x1;
	_ =	sdelay $0x4  }
0xec: {  	(v2sf) =	vpush @!p0 v1, $0x0;
	_ =	sdelay $0xe  }
.Ltmp14:
0xed: {  	s9 =	spop @!p0 (v2sf);
	(pc) =	sbr.rel @p1 .LBB2_18-.Ltmp14, $4  }
0xee: {  	p2 =	seq.s32 @!p0 s0, s9  }
0xef: {  	p2 =	por !p2, p0  }
0xf0: {  	s6 =	simm.s32 @p2 $0xFFFFFFFF  }
0xf1: {  	s6 =	smov.u32 @p0 s8  }
.LBB2_19:
0xf2: {  	p0 =	sne.s32 s6, $0xFFFFFFFF  }
.Ltmp15:
0xf3: {  	_ = 	snop;
	(pc) =	sbr.rel @!p0 .LBB2_20-.Ltmp15, $1  }
0xf4: {  	_ =	sdelay $0x3  }
0xf5: {  	v0 =	vld.msk [tilespmem:s4+$0xE0], $0x1;
	v1 =	vmov s6  }
.Ltmp16:
0xf6: {  	_ = 	snop;
	(pc) =	sbr.rel .LBB2_22-.Ltmp16, $2  }
0xf7: {  	_ =	sdelay $0x2  }
0xf8: {  	[tilespmem:v1+s3+$0x0], v0 =	vst.idx.ret.add.f32.msk $0x1, v0  }
.LBB2_23:
0xf9: {  	p0 =	slt.s32 s2, $0x1  }
.Ltmp17:
0xfa: {  	_ = 	snop;
	(pc) =	sbr.rel @p0 .LBB2_27-.Ltmp17, $3  }
0xfb: {  	_ =	sdelay $0x1  }
0xfc: {  	s0 =	simm.s32 $0x6  }
0xfd: {  	[sflag:s0] =	ssyncpa.u1 $0x1;
	s0 =	simm.s32 $0x0  }
0xfe: {  	s3 =	simm.s32 $0xC0  }
0xff: {  	v0 =	vld.msk [tilespmem:s3+$0x0], $0x1;
	_ =	sdelay $0x4  }
0x100: {  	(v2sf) =	vpush v0, $0x0;
	_ =	sdelay $0xe  }
0x101: {  	s2 =	sadd.s32 $0xFFFFFFFF, s2;
	s4 =	spop (v2sf)  }
0x102: {  	p1 =	sne.s32 s2, $0x0;
	p0 =	sgt.u32 s4, $0xFBFF  }
.Ltmp18:
0x103: {  	s5 =	sshrl.u32 @!p0 s4, $0x3;
	(pc) =	sbr.rel @!p1 .LBB2_26-.Ltmp18, $4  }
0x104: {  	s3 =	simm.s32 $0xE0;
	s4 =	sand.u32 @!p0 $0x7, s4;
	s5 =	sadd.s32 @!p0 s1, s5  }
0x105: {  	[hbm4b:s5+s4] =	stream.linear.scatter @!p0 [tilespmem:s3], [sflag:$0x5], $0x1, $0x38;
	[tilespmem:$0x12120] =	vst v63  }
0x106: {  	s5 =	simm.s32 $0x0  }
0x107: {  	s4 =	simm.s32 $0xC1;
	s5 =	simm.s32 @!p0 $0x4  }
.LBB2_25:
0x108: {  	v0 =	vld.msk [tilespmem:s4+$0x0], $0x1;
	s2 =	sadd.s32 $0xFFFFFFFF, s2;
	s0 =	sadd.s32 s0, s5  }
0x109: {  	p0 =	sne.s32 s2, $0x0;
	_ =	sdelay $0x3  }
0x10a: {  	(v2sf) =	vpush v0, $0x0;
	_ =	sdelay $0xe  }
.Ltmp19:
0x10b: {  	s6 =	spop (v2sf);
	(pc) =	sbr.rel @p0 .LBB2_25-.Ltmp19, $4  }
0x10c: {  	s5 =	simm.s32 $0x0;
	p1 =	sgt.u32 s6, $0xFBFF  }
0x10d: {  	s3 =	sadd.s32 $0x1, s3;
	s5 =	simm.s32 @!p1 $0x4;
	s7 =	sshrl.u32 @!p1 s6, $0x3  }
0x10e: {  	s4 =	sadd.s32 $0x1, s4;
	s6 =	sand.u32 @!p1 $0x7, s6;
	s7 =	sadd.s32 @!p1 s1, s7  }
0x10f: {  	[hbm4b:s7+s6] =	stream.linear.scatter @!p1 [tilespmem:s3], [sflag:$0x5], $0x1, $0x38;
	[tilespmem:$0x12120] =	vst v63  }
.LBB2_26:
0x110: {  	s0 =	sadd.s32 s0, s5  }
0x111: {  	s0 =	sshrl.u32 s0, $0x2  }
.LBB2_27:
0x112: {  	s1 =	simm.s32 $0x5  }
0x113: {  	_ =	swait.ge [sflag:s1], s0  }
0x114: {  	s28 =	ssub.s32 $0x0, s0;
	[sflag:s1] =	ssyncset.done $0x0  }
0x115: {  	[sflag:s1] =	ssyncadd.s32 s28  }
0x116: {  	[sflag:s1] =	ssyncpa.u1 $0x1  }
0x117: {  	s29 =	simm.s32 $0x1;
	_ =	sfence  }
0x118: {  	s30 =	simm.s32 $0x2;
	[sflag:s29] =	ssyncpa.u1 $0x1  }
0x119: {  	[sflag:s30] =	ssyncpa.u1 $0x1  }
0x11a: {  	_ =	strace $0x9000004A  }
0x11b: {  	[bflag:$0x2] =	sbarrier.arrive $0xFFFF  }
0x11c: {  	s31 =	rddreg [dreg:$0x1]  }
0x11d: {  	s0 =	sadd.s32 $0x100000, s31  }
0x11e: {  	[sflag:s0] =	ssyncadd.tile.s32 $0x1;
	_ =	shalt  }
.Lfunc_end2:
_tile_overlayer_lowered:
.L_overlay_start_2:
0x11f: {  	(tag) =	ssettag $0x2  }
0x120: {  	s0 =	rddreg [dreg:$0x0];
	s2 =	stileid.u32  }
0x121: {  	s1 =	rddreg [dreg:$0x1];
	p0 =	sne.s32 s2, $0x0  }
0x122: {  	s3 =	rddreg [dreg:$0x2];
	[bflag:$0x3] =	sbarrier.arrive $0xFFFF;
	s2 =	simm.s32 @!p0 $0x1C01  }
0x123: {  	[timem:s3], [sflag:s2] =	dma.local @!p0 [hbm:s0], s1  }
0x124: {  	s0 =	simm.s32 @!p0 $0x1  }
0x125: {  	_ =	swait.ge @!p0 [sflag:s0], s1  }
0x126: {  	s1 =	ssub.s32 @!p0 $0x0, s1;
	[sflag:s0] =	ssyncset.done @!p0 $0x0  }
0x127: {  	[sflag:s0] =	ssyncadd.s32 @!p0 s1  }
0x128: {  	[bflag:$0x3] =	sbarrier.arrive $0xFFFF  }
0x129: {  	_ =	shalt  }

// kernel: scatter_offload_async_start
scs
__scs_entry_jumppad:
0x0: {  	(pc) =	sbr.rel $0x88, $3  }
0x1: {  	(tag) =	ssettag $0x0;
	lr =	simm.s32 $0x1  }
0x2: {  	[smem:$0x3F96] =	sst lr;
	_ =	strace $0xD0000000  }
0x3: {  	_ = 	snop  }
0x4: {  	_ = 	snop  }
0x5: {  	_ = 	snop  }
0x6: {  	_ = 	snop  }
0x7: {  	_ = 	snop  }
__scs_overlays_trampoline_lowered:
0x8: {  	[smem:$0x3FA5] =	sst s0  }
0x9: {  	[smem:$0x3FA6] =	sst s1  }
0xa: {  	[smem:$0x3FA7] =	sst s2  }
0xb: {  	[smem:$0x3FA8] =	sst s3  }
0xc: {  	[smem:$0x3FA9] =	sst s4  }
0xd: {  	[smem:$0x3FAA] =	sst s5  }
0xe: {  	[smem:$0x3FAB] =	sst s6  }
0xf: {  	[smem:$0x3FAC] =	sst s7  }
0x10: {  	[smem:$0x3FAD] =	sst s8  }
0x11: {  	[smem:$0x3FAE] =	sst s9;
	s0 =	simm.s32 @!p0 $0x0  }
0x12: {  	s1 =	sld [smem:$0x3F94];
	s0 =	simm.s32 @p0 $0x1  }
0x13: {  	[smem:$0x3FAF] =	sst s0;
	s0 =	simm.s32 @!p1 $0x0  }
0x14: {  	s2 =	sld [smem:$0x3F93];
	s0 =	simm.s32 @p1 $0x1  }
0x15: {  	[smem:$0x3FB0] =	sst s0;
	s0 =	simm.s32 @!p2 $0x0  }
0x16: {  	s3 =	sld [smem:$0x3FDB];
	s0 =	simm.s32 @p2 $0x1  }
0x17: {  	s4 =	simm.s32 $0x1BF5;
	[smem:$0x3FB2] =	sst s0  }
0x18: {  	s0 =	sld [smem:$0x3F95];
	_ =	swait.ge [sflag:s4], $0x0  }
0x19: {  	s7 =	sld [smem:$0x3F96]  }
0x1a: {  	s8 =	sadd.s32 $0xFFFFE003, lr  }
0x1b: {  	s9 =	sadd.s32 $0xFFFFFEF7, lr;
	s5 =	simm.s32 $0xFFFFFFFF;
	p2 =	slt.u32 s8, $0xFFFFF086  }
0x1c: {  	p1 =	slt.u32 s9, $0xF7A;
	s5 =	simm.s32 @!p2 $0x0  }
0x1d: {  	s5 =	simm.s32 @p1 $0x1;
	p0 =	seq.s32 s7, s2  }
0x1e: {  	s7 =	smul.u32 @!p0 $0xF7A, s2;
	p2 =	seq.s32 @!p0 s5, $0x0  }
0x1f: {  	s9 =	smul.u32 $0xF7A, s1;
	s8 =	simm.s32 @!p0 $0x1BF5;
	p2 =	por !p2, p0  }
0x20: {  	[sflag:s8] =	ssyncset.s32 @!p0 $0xFFFFF086;
	s6 =	sadd.s32 @!p0 s3, s7;
	s7 =	simm.s32 @!p0 $0x108  }
0x21: {  	s3 =	sadd.s32 s3, s9;
	s6 =	sadd.s32 @!p0 $0x88, s6;
	s7 =	simm.s32 @p2 $0x1082  }
0x22: {  	[simem:s7], [sflag:s8] =	dma.local @!p0 [hbm:s6], $0xF7A  }
0x23: {  	s9 =	sor.u32 $0xD0000000, s2;
	s6 =	simm.s32 $0x108;
	_ =	swait.ge @!p0 [sflag:s8], $0x0  }
0x24: {  	s3 =	sadd.s32 $0x88, s3;
	s6 =	simm.s32 @!p1 $0x1082;
	[sflag:s4] =	ssyncset.s32 $0xFFFFF086  }
0x25: {  	[simem:s6], [sflag:s4] =	dma.local [hbm:s3], $0xF7A  }
0x26: {  	[smem:$0x3F96] =	sst s1;
	(tag) =	ssettag s2;
	_ =	strace s9  }
0x27: {  	s1 =	sld [smem:$0x3FA6]  }
0x28: {  	s2 =	sld [smem:$0x3FA7]  }
0x29: {  	s4 =	sld [smem:$0x3FA9]  }
0x2a: {  	p0 =	seq.s32 s5, $0x0;
	s5 =	sld [smem:$0x3FAA]  }
0x2b: {  	s6 =	sld [smem:$0x3FAB]  }
0x2c: {  	s7 =	sld [smem:$0x3FAC]  }
0x2d: {  	s3 =	simm.s32 $0x108;
	s8 =	sld [smem:$0x3FAD]  }
0x2e: {  	s3 =	simm.s32 @!p0 $0x1082;
	s9 =	sld [smem:$0x3FAE]  }
0x2f: {  	lr =	sadd.s32 s0, s3;
	s0 =	sld [smem:$0x3FA5]  }
0x30: {  	s3 =	sld [smem:$0x3FA8]  }
0x31: {  	[smem:$0x3FB1] =	sst s10  }
0x32: {  	s10 =	sld [smem:$0x3FAF];
	_ =	sdelay $0x3  }
0x33: {  	p0 =	seq.s32 s10, $0x1;
	s10 =	sld [smem:$0x3FB1];
	_ =	sdelay $0x3  }
0x34: {  	[smem:$0x3FB1] =	sst s10  }
0x35: {  	s10 =	sld [smem:$0x3FB0];
	_ =	sdelay $0x3  }
0x36: {  	p1 =	seq.s32 s10, $0x1;
	s10 =	sld [smem:$0x3FB1];
	_ =	sdelay $0x3  }
0x37: {  	[smem:$0x3FB1] =	sst s10  }
0x38: {  	s10 =	sld [smem:$0x3FB2]  }
0x39: {  	_ = 	snop;
	(pc) =	sbr.ind lr, $3  }
0x3a: {  	_ = 	snop  }
0x3b: {  	_ = 	snop  }
0x3c: {  	p2 =	seq.s32 s10, $0x1;
	s10 =	sld [smem:$0x3FB1]  }
0x3d: {  	_ =	shalt  }
0x3e: {  	_ =	shalt  }
0x3f: {  	_ =	shalt  }
0x40: {  	_ =	shalt  }
0x41: {  	_ =	shalt  }
0x42: {  	_ =	shalt  }
0x43: {  	_ =	shalt  }
0x44: {  	_ =	shalt  }
0x45: {  	_ =	shalt  }
0x46: {  	_ =	shalt  }
0x47: {  	_ =	shalt  }
0x48: {  	_ =	shalt  }
0x49: {  	_ =	shalt  }
0x4a: {  	_ =	shalt  }
0x4b: {  	_ =	shalt  }
0x4c: {  	_ =	shalt  }
0x4d: {  	_ =	shalt  }
0x4e: {  	_ =	shalt  }
0x4f: {  	_ =	shalt  }
0x50: {  	_ =	shalt  }
0x51: {  	_ =	shalt  }
0x52: {  	_ =	shalt  }
0x53: {  	_ =	shalt  }
0x54: {  	_ =	shalt  }
0x55: {  	_ =	shalt  }
0x56: {  	_ =	shalt  }
0x57: {  	_ =	shalt  }
0x58: {  	_ =	shalt  }
0x59: {  	_ =	shalt  }
0x5a: {  	_ =	shalt  }
0x5b: {  	_ =	shalt  }
0x5c: {  	_ =	shalt  }
0x5d: {  	_ =	shalt  }
0x5e: {  	_ =	shalt  }
0x5f: {  	_ =	shalt  }
0x60: {  	_ =	shalt  }
0x61: {  	_ =	shalt  }
0x62: {  	_ =	shalt  }
0x63: {  	_ =	shalt  }
0x64: {  	_ =	shalt  }
0x65: {  	_ =	shalt  }
0x66: {  	_ =	shalt  }
0x67: {  	_ =	shalt  }
0x68: {  	_ =	shalt  }
0x69: {  	_ =	shalt  }
0x6a: {  	_ =	shalt  }
0x6b: {  	_ =	shalt  }
0x6c: {  	_ =	shalt  }
0x6d: {  	_ =	shalt  }
0x6e: {  	_ =	shalt  }
0x6f: {  	_ =	shalt  }
0x70: {  	_ =	shalt  }
0x71: {  	_ =	shalt  }
0x72: {  	_ =	shalt  }
0x73: {  	_ =	shalt  }
0x74: {  	_ =	shalt  }
0x75: {  	_ =	shalt  }
0x76: {  	_ =	shalt  }
0x77: {  	_ =	shalt  }
0x78: {  	_ =	shalt  }
0x79: {  	_ =	shalt  }
0x7a: {  	_ =	shalt  }
0x7b: {  	_ =	shalt  }
0x7c: {  	_ =	shalt  }
0x7d: {  	_ =	shalt  }
0x7e: {  	_ =	shalt  }
0x7f: {  	_ =	shalt  }
0x80: {  	_ =	shalt  }
0x81: {  	_ =	shalt  }
0x82: {  	_ =	shalt  }
0x83: {  	_ =	shalt  }
0x84: {  	_ =	shalt  }
0x85: {  	_ =	shalt  }
0x86: {  	_ =	shalt  }
0x87: {  	_ =	shalt  }
.Lfunc_end0:
.L_simem_size_0:
called_computation_lowered:
.L_overlay_start_0:
0x88: {  	s2 =	sld [smem:$0x3FD9]  }
0x89: {  	s3 =	sld [smem:$0x3FFE];
	_ =	sdelay $0x1  }
0x8a: {  	s1 =	srdreg.scid  }
0x8b: {  	s0 =	sand.u32 $0x1, s1  }
0x8c: {  	s17 =	sshll.u32 s0, $0xA;
	s2 =	sadd.s32 s3, s2  }
0x8d: {  	s2 =	sadd.s32 s2, s17  }
0x8e: {  	[smem:$0x3FBD] =	sst s2  }
0x8f: {  	_ = 	snop  }
0x90: {  	s18 =	sld [smem:$0x3FD0];
	(tm) =	ssettm $0x1  }
0x91: {  	s19 =	sld [smem:$0x3FFB];
	_ =	sdelay $0x3  }
0x92: {  	_ =	strace s19  }
0x93: {  	s2 =	sld [smem:$0x3FFC];
	_ =	sdelay $0x3  }
0x94: {  	_ =	strace s2  }
0x95: {  	s2 =	sld [smem:$0x3FFD];
	_ =	sdelay $0x3  }
0x96: {  	_ =	strace s2  }
0x97: {  	_ =	strace $0x8FFFFFFF  }
0x98: {  	s20 =	sld [smem:$0x3FDB];
	_ =	sdelay $0x1  }
0x99: {  	s4 =	simm.s32 $_scs_section_size  }
0x9a: {  	s5 =	simm.s32 $_size__tile_overlayer_lowered;
	s6 =	simm.s32 $_tile_overlayer_lowered  }
0x9b: {  	s7 =	simm.s32 $0x1BFF;
	s21 =	sshll.u32 s6, $0x1;
	s4 =	sadd.s32 s4, s20  }
0x9c: {  	s22 =	simm.s32 $0x0;
	s5 =	sshll.u32 s5, $0x1;
	s6 =	sadd.s32 s21, s4  }
0x9d: {  	[timem:s22], [sflag:s7] =	dma.local [hbm:s6], s5  }
0x9e: {  	_ =	swait.ge [sflag:s7], s5  }
0x9f: {  	s5 =	ssub.s32 $0x0, s5;
	[sflag:s7] =	ssyncset.done $0x0  }
0xa0: {  	[sflag:s7] =	ssyncadd.s32 s5;
	_ =	sdelay $0x1  }
0xa1: {  	s23 =	simm.s32 $0x1B8B  }
0xa2: {  	_ =	swait.ge [sflag:s23], $0x1  }
0xa3: {  	[sflag:s23] =	ssyncset.done $0x0  }
0xa4: {  	[sflag:s23] =	ssyncadd.s32 $0xFFFFFFFF  }
0xa5: {  	s5 =	sld [smem:$0x0]  }
0xa6: {  	s6 =	sand.u32 $0xFFFFFFFE, s1  }
0xa7: {  	p0 =	sne.s32 s1, s6  }
0xa8: {  	s6 =	sshll.u32 @p0 s6, $0xE  }
0xa9: {  	s6 =	sadd.s32 @p0 $0x11B8D, s6;
	s7 =	sshll.u32 @p0 s5, $0x11  }
0xaa: {  	s6 =	sor.u32 @p0 s7, s6  }
0xab: {  	[sflag:s6] =	ssyncadd.remote.s32 @p0 $0x1;
	_ =	sdelay $0x1  }
0xac: {  	s6 =	simm.s32 @p0 $0x1B8D  }
0xad: {  	_ =	swait.eq @p0 [sflag:s6], $0x1  }
0xae: {  	[sflag:s6] =	ssyncadd.s32 @p0 $0xFFFFFFFF  }
0xaf: {  	s7 =	sshll.u32 @!p0 s1, $0xE  }
0xb0: {  	s7 =	sor.u32 @!p0 $0x4000, s7;
	s6 =	simm.s32 @!p0 $0x1B8D  }
0xb1: {  	s8 =	sshll.u32 @!p0 s5, $0x11;
	s7 =	sadd.s32 @!p0 $0x11B8D, s7;
	_ =	swait.eq @!p0 [sflag:s6], $0x1  }
0xb2: {  	[sflag:s6] =	ssyncadd.s32 @!p0 $0xFFFFFFFF;
	s6 =	sor.u32 @!p0 s8, s7  }
0xb3: {  	s25 =	simm.s32 $0x1B8E;
	s24 =	sld [smem:$0x3FFE];
	[sflag:s6] =	ssyncadd.remote.s32 @!p0 $0x1  }
0xb4: {  	s26 =	simm.s32 $execute0_lowered;
	[smem:$0x3FD2] =	sst s25  }
0xb5: {  	s7 =	sshll.u32 s26, $0x1;
	_ =	strace $0x8000004C;
	[dreg:$0x1] =	wrdreg $0xFFFFFFFF  }
0xb6: {  	s28 =	simm.s32 $_size_execute0_lowered;
	s4 =	sadd.s32 s4, s7;
	[dreg:$0x0] =	wrdreg $0x0  }
0xb7: {  	s7 =	sshll.u32 s28, $0x1;
	[dreg:$0x2] =	wrdreg s4  }
0xb8: {  	[dreg:$0x3] =	wrdreg s7  }
0xb9: {  	[dreg:$0x4] =	wrdreg $0xC0  }
0xba: {  	_ =	task [dreg:s22], $0x5FFFF  }
0xbb: {  	[dreg:$0x1] =	wrdreg $0xFFFFFFFF  }
0xbc: {  	[dreg:$0x0] =	wrdreg $0x60  }
0xbd: {  	[dreg:$0x2] =	wrdreg s18  }
0xbe: {  	[dreg:$0x3] =	wrdreg s24  }
0xbf: {  	[dreg:$0x4] =	wrdreg s1  }
0xc0: {  	[dreg:$0x5] =	wrdreg s5  }
0xc1: {  	[dreg:$0x6] =	wrdreg $0x9  }
0xc2: {  	_ =	task.clear_ibuf [dreg:s22], $0x7FFFF;
	_ =	strace $0x9000004C  }
0xc3: {  	s29 =	simm.s32 $0x9;
	_ =	strace $0x8000004E  }
0xc4: {  	_ =	swait.ge [sflag:s29], $0x1  }
0xc5: {  	[sflag:s29] =	ssyncadd.s32 $0xFFFFFFFF  }
0xc6: {  	_ =	strace $0x9000004E  }
0xc7: {  	_ =	sfence  }
0xc8: {  	s30 =	sld [smem:$0x0];
	_ =	sdelay $0x2  }
0xc9: {  	s31 =	sshll.u32 s1, $0xD;
	s1 =	sshrl.u32 s1, $0x2  }
0xca: {  	s4 =	sand.u32 $0x4000, s31;
	s1 =	sadd.s32 s1, s30  }
0xcb: {  	s0 =	sor.u32 s4, s0;
	s1 =	sshll.u32 s1, $0x11  }
0xcc: {  	s0 =	sor.u32 s1, s0  }
0xcd: {  	s0 =	sadd.s32 $0x8F2B, s0  }
0xce: {  	[sflag:s0] =	ssyncadd.remote.s32 $0x1  }
0xcf: {  	_ =	sfence.sel $0xFFFF  }
0xd0: {  	[dreg:$0x0] =	wrdreg $0xFFFFFFFF;
	(pc) =	sbr.abs _section_cstart, $3  }
0xd1: {  	[dreg:$0x1] =	wrdreg $0xFFFFFFFF  }
0xd2: {  	_ =	task.clear_ibuf [dreg:s22], $0x2FFFF;
	_ =	strace $0x9FFFFFFF  }
0xd3: {  	(tm) =	ssettm $0x7FFFFFFF  }
tec
execute0_lowered:
.L_overlay_start_1:
0x0: {  	(tag) =	ssettag $0x1  }
0x1: {  	s1 =	rddreg [dreg:$0x0]  }
0x2: {  	s2 =	rddreg [dreg:$0x1]  }
0x3: {  	s3 =	rddreg [dreg:$0x2];
	_ =	strace $0x8000004D;
	s0 =	simm.s32 $0x1  }
0x4: {  	v0 =	vimm.s32 $0x0;
	[sflag:s0] =	ssyncpa.u1 $0x0;
	s0 =	simm.s32 $0x108  }
0x5: {  	[tilespmem:s0+$0x70] =	vst v0  }
0x6: {  	[tilespmem:s0+$0x60] =	vst v0  }
0x7: {  	[tilespmem:s0+$0x50] =	vst v0  }
0x8: {  	[tilespmem:s0+$0x40] =	vst v0  }
0x9: {  	s15 =	sadd.s32 $0x404800, s2;
	[tilespmem:s0+$0x30] =	vst v0  }
0xa: {  	s6 =	sadd.s32 $0x800, s2;
	s3 =	sand.u32 $0x1, s3;
	s14 =	sadd.s32 $0x408800, s2;
	[tilespmem:s0+$0x20] =	vst v0  }
0xb: {  	[dreg:$0x5] =	wrdreg s3;
	s16 =	sshll.u32 s3, $0xD;
	s3 =	simm.s32 $0x40;
	[tilespmem:s0+$0x10] =	vst v0  }
.LBB2_1:
0xc: {  	s3 =	sadd.s32 $0x40, s3;
	[tilespmem:s0+$0x0] =	vst v0;
	s0 =	sadd.s32 $0x80, s0  }
0xd: {  	p0 =	slt.u32 s3, $0x3C40;
	[tilespmem:s0+$0x70] =	vst v0  }
0xe: {  	[tilespmem:s0+$0x60] =	vst v0  }
.Ltmp0:
0xf: {  	[tilespmem:s0+$0x50] =	vst v0;
	(pc) =	sbr.rel @p0 .LBB2_1-.Ltmp0, $4  }
0x10: {  	[tilespmem:s0+$0x40] =	vst v0  }
0x11: {  	[tilespmem:s0+$0x30] =	vst v0  }
0x12: {  	[tilespmem:s0+$0x20] =	vst v0  }
0x13: {  	[tilespmem:s0+$0x10] =	vst v0  }
0x14: {  	s5 =	stileid.u32  }
0x15: {  	s2 =	smul.u32 $0x11, s5  }
0x16: {  	s3 =	smin.u32 s5, $0x2  }
0x17: {  	s2 =	sadd.s32 s3, s2  }
0x18: {  	p0 =	slt.u32 s5, $0x2;
	s7 =	smul.u32 $0xF0, s2;
	s2 =	simm.s32 $0x10E0  }
0x19: {  	s2 =	simm.s32 @!p0 $0xFF0  }
0x1a: {  	s2 =	sadd.s32 s2, s7  }
0x1b: {  	s8 =	smin.u32 s2, $0x10000  }
0x1c: {  	s2 =	ssub.s32 s8, s7  }
0x1d: {  	p0 =	sgt.s32 s2, $0x0  }
0x1e: {  	s2 =	simm.s32 @!p0 $0x0  }
0x1f: {  	s30 =	simm.s32 $0x2;
	s10 =	simm.s32 $0x9;
	s29 =	smulhi.u32 $0x88888889, s2  }
0x20: {  	s4 =	simm.s32 $0xA;
	s11 =	simm.s32 $0xB;
	s12 =	simm.s32 $0x1  }
0x21: {  	s14 =	sadd.s32 s16, s14;
	s15 =	sadd.s32 s16, s15;
	s31 =	sshrl.u32 s29, $0x7  }
0x22: {  	s22 =	simm.s32 $0x0;
	s18 =	simm.s32 $0xC;
	s3 =	smul.u32 $0xF0, s31  }
.Ltmp1:
0x23: {  	[tilespmem:s0+$0x0] =	vst v0;
	v0 =	vimm.s32 $0xFFFFFFFF;
	s20 =	simm.s32 $0x0;
	[sflag:s30] =	ssyncpa.u1 $0x0;
	(pc) =	sbr.rel .LBB2_3-.Ltmp1, $4  }
0x24: {  	[tilespmem:$0xF208] =	vst v0;
	[sflag:s10] =	ssyncpa.u1 $0x0;
	p0 =	sne.s32 s2, s3;
	s2 =	simm.s32 $0x1  }
0x25: {  	s21 =	simm.s32 $0x0;
	[sflag:s4] =	ssyncpa.u1 $0x0;
	s2 =	simm.s32 @!p0 $0x0  }
0x26: {  	s16 =	sshll.u32 s5, $0x8;
	[sflag:s11] =	ssyncpa.u1 $0x0;
	s13 =	sadd.s32 s2, s31  }
0x27: {  	v0 =	vlaneseq.u32;
	s19 =	smov.u32 s7;
	p0 =	por $0x0, $0x0;
	s17 =	sadd.s32 $0x1, s13  }
.LBB2_18:
0x28: {  	s0 =	sshrl.u32 s31, $0x2  }
.LBB2_20:
0x29: {  	_ =	swait.ge [sflag:s18], s0  }
0x2a: {  	s31 =	ssub.s32 $0x0, s0;
	v1 =	vmov s24;
	vm0 =	veq.s32 v0, $0x0;
	[sflag:s18] =	ssyncset.done $0x0  }
0x2b: {  	vm15 =	veq.s32 v0, $0x2;
	v1 =	vsel vm0, s30, v1;
	[sflag:s18] =	ssyncadd.s32 s31  }
0x2c: {  	v1 =	vsel vm15, s22, v1;
	[sflag:s18] =	ssyncpa.u1 $0x1  }
0x2d: {  	[tilespmem:$0xF208] =	vst v1  }
.LBB2_21:
0x2e: {  	s0 =	sadd.s32 $0xF0, s19  }
0x2f: {  	s2 =	smov.u32 s7;
	p1 =	slt.s32 s0, s8  }
0x30: {  	s2 =	smov.u32 @p1 s0;
	p1 =	sne.s32 s21, s17  }
.Ltmp2:
0x31: {  	_ = 	snop;
	(pc) =	sbr.rel @!p1 .LBB2_22-.Ltmp2, $3  }
0x32: {  	_ =	sdelay $0x1  }
0x33: {  	s22 =	smov.u32 s20;
	s31 =	sadd.s32 $0x1, s21;
	s20 =	smov.u32 s19  }
0x34: {  	p0 =	por !p0, !p0;
	s21 =	smov.u32 s31;
	s19 =	smov.u32 s2  }
.LBB2_3:
0x35: {  	p1 =	sge.u32 s21, s13  }
0x36: {  	s0 =	smulhi.u32 @!p1 $0xAAAAAAAB, s21  }
0x37: {  	s2 =	smov.u32 s19;
	p2 =	sgt.s32 @!p1 s19, $0xFF10  }
0x38: {  	s3 =	sshra.s32 @!p1 s19, $0x1F;
	p2 =	por !p2, p1;
	s0 =	sshrl.u32 @!p1 s0, $0x1  }
0x39: {  	s3 =	sand.u32 @!p1 s3, s19;
	s2 =	simm.s32 @p2 $0xFF10;
	s0 =	smul.u32 @!p1 $0x3, s0  }
0x3a: {  	s2 =	ssub.s32 @!p1 s2, s3  }
0x3b: {  	s2 =	sadd.s32 @!p1 $0xFFFF00F0, s2;
	s0 =	ssub.s32 @!p1 s21, s0  }
0x3c: {  	s3 =	sshll.u32 @!p1 s2, $0x2;
	p2 =	sgt.s32 @!p1 s2, $0xEF;
	s0 =	smul.u32 @!p1 $0x3C0, s0  }
0x3d: {  	s4 =	sand.u32 @!p1 $0x7, s19;
	s2 =	ssub.s32 @!p1 $0x3C0, s3;
	p2 =	por !p2, p1  }
0x3e: {  	s3 =	sshrl.u32 @!p1 s19, $0x3;
	s2 =	sshrl.u32 @!p1 s2, $0x2;
	s0 =	sshrl.u32 @!p1 s0, $0x2  }
0x3f: {  	s3 =	sadd.s32 @!p1 s3, s14;
	s2 =	simm.s32 @!p2 $0x0;
	s0 =	sadd.s32 @!p1 $0x10248, s0  }
0x40: {  	[tilespmem:s0], [sflag:$0xA] =	stream.linear.gather @!p1 [hbm4b:s3+s4], s2, $0x38;
	[tilespmem:$0x1F6F8] =	vst v63  }
0x41: {  	s0 =	sadd.s32 $0xFFFFFFFF, s21  }
0x42: {  	p1 =	sge.u32 s0, s13  }
0x43: {  	p2 =	sgt.s32 @!p1 s20, $0xFF10  }
0x44: {  	s2 =	smov.u32 s20;
	s3 =	sshra.s32 @!p1 s20, $0x1F;
	p2 =	por !p2, p1  }
0x45: {  	s3 =	sand.u32 @!p1 s3, s20;
	s2 =	simm.s32 @p2 $0xFF10  }
0x46: {  	s2 =	ssub.s32 @!p1 s2, s3  }
0x47: {  	s2 =	sadd.s32 @!p1 $0xFFFF00F0, s2  }
0x48: {  	s4 =	sand.u32 @!p1 $0x1, s0;
	s3 =	sshll.u32 @!p1 s2, $0x2  }
0x49: {  	p2 =	sgt.s32 @!p1 s2, $0xEF;
	s2 =	ssub.s32 @!p1 $0x3C0, s3;
	s3 =	smulhi.u32 @!p1 $0xAAAAAAAB, s0  }
0x4a: {  	s23 =	smul.u32 @!p1 $0x3C0, s4;
	p2 =	por !p2, p1;
	s2 =	sshrl.u32 @!p1 s2, $0x2  }
0x4b: {  	s5 =	simm.s32 @!p1 $0xA;
	s2 =	simm.s32 @!p2 $0x0;
	s3 =	sshrl.u32 @!p1 s3, $0x1  }
0x4c: {  	s23 =	sshrl.u32 @!p1 s23, $0x2;
	_ =	swait.ge @!p1 [sflag:s5], s2;
	s3 =	smul.u32 @!p1 $0x3, s3  }
0x4d: {  	s23 =	sadd.s32 @!p1 $0x10518, s23;
	s24 =	ssub.s32 @!p1 $0x0, s2;
	[sflag:s5] =	ssyncset.done @!p1 $0x0  }
0x4e: {  	[sflag:s5] =	ssyncadd.s32 @!p1 s24;
	s5 =	sshrl.u32 @!p1 s20, $0x3;
	s0 =	ssub.s32 @!p1 s0, s3  }
0x4f: {  	s24 =	sand.u32 @!p1 $0x7, s20;
	s5 =	sadd.s32 @!p1 s5, s15;
	s0 =	smul.u32 @!p1 $0x3C0, s0  }
0x50: {  	[tilespmem:s23], [sflag:$0xB] =	stream.linear.gather @!p1 [hbm4b:s5+s24], s2, $0x38;
	[tilespmem:$0x1F6F8] =	vst v63  }
0x51: {  	s3 =	ssub.s32 @!p1 $0x10000, s20;
	s2 =	smul.u32 @!p1 $0x1E000, s4  }
0x52: {  	p2 =	slt.s32 @!p1 s3, $0xF0  }
0x53: {  	p2 =	por !p2, p1;
	s0 =	sshrl.u32 @!p1 s0, $0x2;
	s2 =	sshrl.u32 @!p1 s2, $0x2  }
0x54: {  	s3 =	simm.s32 @p2 $0xF0;
	s0 =	sadd.s32 @!p1 $0x10248, s0;
	s2 =	sor.u32 @!p1 $0x106F8, s2  }
0x55: {  	[tilespmem:s2], [sflag:$0x9] =	stream.indirect.gather @!p1 [hbm4b:s6+s3], $0x80, s0, s3, $0xb8;
	[tilespmem:$0x1F6F8] =	vst v63  }
0x56: {  	p1 =	slt.u32 s21, $0x2  }
.Ltmp3:
0x57: {  	_ = 	snop;
	(pc) =	sbr.rel @p1 .LBB2_21-.Ltmp3, $1  }
0x58: {  	_ =	sdelay $0x3  }
0x59: {  	p1 =	sgt.s32 s22, $0xFF10  }
0x5a: {  	s0 =	smov.u32 s22;
	s2 =	sshra.s32 s22, $0x1F;
	s3 =	ssub.s32 $0x10000, s22  }
0x5b: {  	s0 =	simm.s32 @!p1 $0xFF10;
	s2 =	sand.u32 s2, s22;
	p1 =	slt.s32 s3, $0xF0  }
0x5c: {  	s0 =	ssub.s32 s0, s2;
	s3 =	simm.s32 @!p1 $0xF0  }
0x5d: {  	s0 =	sadd.s32 $0xFFFF00F0, s0;
	s25 =	sshll.u32 s3, $0x7  }
0x5e: {  	s26 =	sshll.u32 s0, $0x2;
	s2 =	sand.u32 $0x3FFFFF80, s25  }
0x5f: {  	p1 =	sgt.s32 s0, $0xEF;
	s29 =	ssub.s32 $0x3C0, s26;
	_ =	swait.ge [sflag:s10], s2  }
0x60: {  	s2 =	ssub.s32 $0x0, s2;
	[sflag:s10] =	ssyncset.done $0x0;
	s0 =	sshrl.u32 s29, $0x2  }
0x61: {  	[sflag:s10] =	ssyncadd.s32 s2;
	s0 =	simm.s32 @p1 $0x0  }
0x62: {  	_ =	swait.ge [sflag:s11], s0  }
0x63: {  	s0 =	ssub.s32 $0x0, s0;
	[sflag:s11] =	ssyncset.done $0x0  }
0x64: {  	[sflag:s11] =	ssyncadd.s32 s0  }
0x65: {  	v1 =	vld [tilespmem:$0xF208];
	_ =	sdelay $0x4  }
0x66: {  	(v2sf) =	vpush v1, $0x0  }
0x67: {  	(v2sf) =	vpush v1, $0x1  }
0x68: {  	(v2sf) =	vpush v1, $0x2;
	_ =	sdelay $0x3  }
0x69: {  	s0 =	sadd.s32 $0xF0, s22  }
0x6a: {  	s2 =	ssub.s32 $0x20000, s22;
	p1 =	slt.s32 s8, s0  }
0x6b: {  	s0 =	smov.u32 @p1 s8;
	p1 =	sgt.s32 s2, $0x0  }
0x6c: {  	s26 =	ssub.s32 s0, s22;
	s2 =	simm.s32 @!p1 $0x0  }
0x6d: {  	p1 =	slt.s32 s2, s26  }
0x6e: {  	s26 =	smov.u32 @p1 s2  }
0x6f: {  	s25 =	simm.s32 $0x1;
	p1 =	slt.s32 s26, $0x1  }
.Ltmp4:
0x70: {  	s25 =	simm.s32 @!p0 $0x0;
	(pc) =	sbr.rel @p1 .LBB2_8-.Ltmp4, $4  }
0x71: {  	s31 =	smul.u32 $0x3C0, s25  }
0x72: {  	s28 =	spop (v2sf)  }
0x73: {  	s0 =	sshrl.u32 s31, $0x2;
	s30 =	spop (v2sf)  }
0x74: {  	s23 =	sadd.s32 $0x10518, s0;
	s22 =	spop (v2sf)  }
0x75: {  	s0 =	smin.u32 s26, $0x10  }
0x76: {  	v1 =	vmov s0  }
0x77: {  	p2 =	sgt.s32 s26, $0x10;
	vm1 =	vgt.u32 v1, v0  }
.Ltmp5:
0x78: {  	_ = 	snop;
	(pc) =	sbr.rel @!p2 .LBB2_7-.Ltmp5, $2  }
0x79: {  	_ =	sdelay $0x2  }
0x7a: {  	s4 =	simm.s32 $0x10;
	s24 =	sadd.s32 $0xFFFFFFF0, s26;
	s0 =	smov.u32 s23;
	vm0 =	vmmov vm1  }
.LBB2_6:
0x7b: {  	s2 =	smin.u32 s24, $0x10;
	s4 =	sadd.s32 $0x10, s4;
	v1 =	vld.msk [tilespmem:s0+$0x0 ss:$0x1], vm1  }
0x7c: {  	v2 =	vmov s2;
	p2 =	slt.s32 s4, s26  }
0x7d: {  	vm1 =	vgt.u32 v2, v0  }
.Ltmp6:
0x7e: {  	(pc) =	sbr.rel @p2 .LBB2_6-.Ltmp6, $3  }
0x7f: {  	_ =	sdelay $0x1  }
0x80: {  	v1 =	vshll.u32 v1, $0x4  }
0x81: {  	s24 =	sadd.s32 $0xFFFFFFF0, s24;
	[tilespmem:s0+$0x0] =	vst.msk vm0, v1;
	s0 =	sadd.s32 $0x10, s0;
	vm0 =	vmmov vm1  }
.LBB2_7:
0x82: {  	_ =	sdelay $0x4  }
0x83: {  	v1 =	vld.msk [tilespmem:s0+$0x0 ss:$0x1], vm1;
	_ =	sdelay $0x4  }
0x84: {  	v1 =	vshll.u32 v1, $0x4  }
0x85: {  	[tilespmem:s0+$0x0] =	vst.msk vm0, v1  }
.LBB2_8:
0x86: {  	s0 =	sand.u32 $0x1, s21  }
0x87: {  	s0 =	smul.u32 $0xF0, s0  }
0x88: {  	p2 =	sne.s32 s30, $0xFFFFFFFF  }
0x89: {  	v1 =	vld.msk @!p2 [tilespmem:s0+$0x10518], $0x1;
	_ =	sdelay $0x4  }
0x8a: {  	(v2sf) =	vpush @!p2 v1, $0x0;
	_ =	sdelay $0xc  }
.Ltmp7:
0x8b: {  	_ = 	snop;
	(pc) =	sbr.rel @p1 .LBB2_19-.Ltmp7, $4  }
0x8c: {  	_ = 	snop  }
0x8d: {  	s29 =	spop @!p2 (v2sf)  }
0x8e: {  	s22 =	simm.s32 @!p2 $0x0;
	s24 =	smov.u32 s29  }
0x8f: {  	[sflag:s18] =	ssyncpa.u1 $0x0;
	s29 =	smov.u32 @p2 s28;
	s24 =	smov.u32 @p2 s30  }
0x90: {  	v1 =	vld.msk [tilespmem:s23+$0x0], $0x1;
	_ =	sdelay $0x4  }
0x91: {  	(v2sf) =	vpush v1, $0x0;
	_ =	sdelay $0xe  }
0x92: {  	s2 =	smul.u32 $0x1E000, s25;
	s0 =	spop (v2sf)  }
0x93: {  	s26 =	ssub.s32 $0x0, s26;
	p1 =	seq.s32 s29, s0  }
0x94: {  	s30 =	sadd.s32 $0x1, s26;
	s2 =	sshrl.u32 s2, $0x2;
	p2 =	sgt.s32 @!p1 s29, $0x0  }
0x95: {  	s25 =	sor.u32 $0x10738, s2;
	s2 =	smov.u32 s29;
	p2 =	por !p2, p1  }
0x96: {  	s2 =	simm.s32 @p2 $0x0;
	p2 =	seq.s32 s30, $0x0  }
.Ltmp8:
0x97: {  	_ = 	snop;
	(pc) =	sbr.rel @p2 .LBB2_11-.Ltmp8, $4  }
0x98: {  	_ = 	snop  }
0x99: {  	s28 =	simm.s32 $0x0;
	s31 =	sadd.s32 $0x1, s23;
	s2 =	smin.u32 @!p1 s2, $0xF9FF0  }
0x9a: {  	s4 =	simm.s32 @!p1 $0x1;
	s5 =	simm.s32 @!p1 $0x7988;
	s3 =	sand.u32 @!p1 $0xFFFF8, s2  }
0x9b: {  	s4 =	smov.u32 @p1 s28;
	s2 =	sand.u32 @!p1 $0x7, s2;
	s3 =	sadd.s32 @!p1 s1, s3  }
.LBB2_10:
0x9c: {  	s9 =	smov.u32 s4  }
0x9d: {  	[tilespmem:s5], [sflag:$0x2] =	stream.linear.gather @!p1 [hbm4b:s3+s2], $0x80, $0x38;
	[tilespmem:$0x1F6F8] =	vst v63  }
0x9e: {  	s30 =	sadd.s32 $0x1, s30;
	s2 =	smov.u32 s0;
	v1 =	vld.msk [tilespmem:s31+$0x0], $0x1  }
0x9f: {  	p2 =	seq.s32 s30, $0x0;
	_ =	sdelay $0x3  }
0xa0: {  	(v2sf) =	vpush v1, $0x0;
	_ =	sdelay $0xe  }
0xa1: {  	s0 =	spop (v2sf)  }
0xa2: {  	p1 =	seq.s32 s2, s0  }
0xa3: {  	p3 =	sgt.s32 @!p1 s2, $0x0;
	s3 =	sshll.u32 @!p1 s4, $0x9;
	s4 =	sadd.s32 @!p1 $0x1, s4  }
.Ltmp9:
0xa4: {  	p3 =	por !p3, p1;
	s3 =	sshra.s32 @!p1 s3, $0x2;
	(pc) =	sbr.rel @!p2 .LBB2_10-.Ltmp9, $4  }
0xa5: {  	s4 =	smov.u32 @p1 s9;
	s2 =	simm.s32 @p3 $0x0;
	s5 =	sadd.s32 @!p1 $0x7988, s3  }
0xa6: {  	s2 =	smin.u32 @!p1 s2, $0xF9FF0  }
0xa7: {  	s3 =	sand.u32 @!p1 $0xFFFF8, s2;
	s2 =	sand.u32 @!p1 $0x7, s2  }
0xa8: {  	s31 =	sadd.s32 $0x1, s31;
	s3 =	sadd.s32 @!p1 s1, s3  }
.LBB2_11:
0xa9: {  	[tilespmem:s5], [sflag:$0x2] =	stream.linear.gather @!p1 [hbm4b:s3+s2], $0x80, $0x38;
	[tilespmem:$0x1F6F8] =	vst v63  }
.Ltmp10:
0xaa: {  	s0 =	sshll.u32 s4, $0x7;
	(pc) =	sbr.rel .LBB2_12-.Ltmp10, $4  }
0xab: {  	s30 =	simm.s32 $0x2;
	s0 =	sand.u32 $0x3FFFFF80, s0  }
0xac: {  	_ =	swait.ge [sflag:s30], s0  }
0xad: {  	s0 =	ssub.s32 $0x0, s0;
	[sflag:s30] =	ssyncset.done $0x0  }
0xae: {  	s31 =	simm.s32 $0x0;
	[sflag:s30] =	ssyncadd.s32 s0  }
.LBB2_13:
0xaf: {  	v1 =	vld [tilespmem:s25+$0xFFFFFFC0];
	_ =	sdelay $0x3  }
0xb0: {  	s0 =	sshra.s32 s0, $0x2  }
0xb1: {  	[tilespmem:s0+$0x108] =	vst.add.f32.msk $0xffff, v1  }
0xb2: {  	v1 =	vld [tilespmem:s25+$0xFFFFFFD0];
	_ =	sdelay $0x4  }
0xb3: {  	[tilespmem:s0+$0x118] =	vst.add.f32.msk $0xffff, v1  }
0xb4: {  	v1 =	vld [tilespmem:s25+$0xFFFFFFE0];
	_ =	sdelay $0x4  }
0xb5: {  	[tilespmem:s0+$0x128] =	vst.add.f32.msk $0xffff, v1  }
0xb6: {  	v1 =	vld [tilespmem:s25+$0xFFFFFFF0];
	_ =	sdelay $0x4  }
0xb7: {  	[tilespmem:s0+$0x138] =	vst.add.f32.msk $0xffff, v1  }
0xb8: {  	v1 =	vld [tilespmem:s25+$0x0];
	_ =	sdelay $0x4  }
0xb9: {  	[tilespmem:s0+$0x148] =	vst.add.f32.msk $0xffff, v1  }
0xba: {  	v1 =	vld [tilespmem:s25+$0x10];
	_ =	sdelay $0x4  }
0xbb: {  	[tilespmem:s0+$0x158] =	vst.add.f32.msk $0xffff, v1  }
0xbc: {  	v1 =	vld [tilespmem:s25+$0x20];
	_ =	sdelay $0x4  }
0xbd: {  	[tilespmem:s0+$0x168] =	vst.add.f32.msk $0xffff, v1  }
0xbe: {  	v1 =	vld [tilespmem:s25+$0x30];
	_ =	sdelay $0x4  }
0xbf: {  	[tilespmem:s0+$0x178] =	vst.add.f32.msk $0xffff, v1  }
.LBB2_17:
0xc0: {  	s26 =	sadd.s32 $0x1, s26  }
0xc1: {  	p1 =	seq.s32 s26, $0x0  }
.Ltmp11:
0xc2: {  	_ = 	snop;
	(pc) =	sbr.rel @p1 .LBB2_18-.Ltmp11, $2  }
0xc3: {  	_ =	sdelay $0x2  }
0xc4: {  	s23 =	sadd.s32 $0x1, s23;
	s25 =	sadd.s32 $0x80, s25;
	s29 =	smov.u32 s30  }
.LBB2_12:
0xc5: {  	v1 =	vld.msk [tilespmem:s23+$0x0], $0x1;
	_ =	sdelay $0x4  }
0xc6: {  	(v2sf) =	vpush v1, $0x0;
	_ =	sdelay $0xe  }
0xc7: {  	s30 =	spop (v2sf)  }
0xc8: {  	p1 =	sne.s32 s29, s30  }
.Ltmp12:
0xc9: {  	_ = 	snop;
	(pc) =	sbr.rel @!p1 .LBB2_13-.Ltmp12, $2  }
0xca: {  	_ =	sdelay $0x2  }
0xcb: {  	s0 =	sshll.u32 s22, $0x9  }
0xcc: {  	p1 =	seq.s32 s29, s24  }
.Ltmp13:
0xcd: {  	_ = 	snop;
	(pc) =	sbr.rel @!p1 .LBB2_15-.Ltmp13, $1  }
0xce: {  	_ =	sdelay $0x3  }
0xcf: {  	s0 =	sshra.s32 s0, $0x2  }
.Ltmp14:
0xd0: {  	s0 =	sadd.s32 $0x108, s0;
	(pc) =	sbr.rel .LBB2_16-.Ltmp14, $4  }
0xd1: {  	[spmem:s16] =	stream.linear.scatter [tilespmem:s0], [sflag:$0x1], $0x80, $0x38;
	[tilespmem:$0x1F6F8] =	vst v63  }
0xd2: {  	_ =	swait.ge [sflag:s12], $0x80  }
0xd3: {  	[sflag:s12] =	ssyncset.done $0x0  }
0xd4: {  	[sflag:s12] =	ssyncadd.s32 $0xFFFFFF80  }
.LBB2_15:
0xd5: {  	s2 =	sshll.u32 s28, $0x9  }
0xd6: {  	s2 =	sshra.s32 s2, $0x2  }
0xd7: {  	v1 =	vld [tilespmem:s2+$0x7988];
	_ =	sdelay $0x3  }
0xd8: {  	s0 =	sshra.s32 s0, $0x2  }
0xd9: {  	[tilespmem:s0+$0x108] =	vst.add.f32.msk $0xffff, v1  }
0xda: {  	v1 =	vld [tilespmem:s2+$0x7998];
	_ =	sdelay $0x4  }
0xdb: {  	[tilespmem:s0+$0x118] =	vst.add.f32.msk $0xffff, v1  }
0xdc: {  	v1 =	vld [tilespmem:s2+$0x79A8];
	_ =	sdelay $0x4  }
0xdd: {  	[tilespmem:s0+$0x128] =	vst.add.f32.msk $0xffff, v1  }
0xde: {  	v1 =	vld [tilespmem:s2+$0x79B8];
	_ =	sdelay $0x4  }
0xdf: {  	[tilespmem:s0+$0x138] =	vst.add.f32.msk $0xffff, v1  }
0xe0: {  	v1 =	vld [tilespmem:s2+$0x79C8];
	_ =	sdelay $0x4  }
0xe1: {  	[tilespmem:s0+$0x148] =	vst.add.f32.msk $0xffff, v1  }
0xe2: {  	v1 =	vld [tilespmem:s2+$0x79D8];
	_ =	sdelay $0x4  }
0xe3: {  	[tilespmem:s0+$0x158] =	vst.add.f32.msk $0xffff, v1  }
0xe4: {  	v1 =	vld [tilespmem:s2+$0x79E8];
	_ =	sdelay $0x4  }
0xe5: {  	[tilespmem:s0+$0x168] =	vst.add.f32.msk $0xffff, v1  }
0xe6: {  	v1 =	vld [tilespmem:s2+$0x79F8];
	_ =	sdelay $0x2  }
0xe7: {  	p1 =	sgt.u32 s29, $0xF9FF0  }
0xe8: {  	s2 =	sand.u32 @!p1 $0xFFFF8, s29  }
0xe9: {  	s3 =	sadd.s32 $0x108, s0;
	[tilespmem:s0+$0x178] =	vst.add.f32.msk $0xffff, v1;
	s0 =	sadd.s32 @!p1 s1, s2;
	s2 =	sand.u32 @!p1 $0x7, s29  }
0xea: {  	[hbm4b:s0+s2] =	stream.linear.scatter @!p1 [tilespmem:s3], [sflag:$0xC], $0x80, $0x38;
	[tilespmem:$0x1F6F8] =	vst v63  }
0xeb: {  	s0 =	simm.s32 $0x0  }
0xec: {  	s0 =	simm.s32 @!p1 $0x200  }
0xed: {  	s31 =	sadd.s32 s0, s31  }
.LBB2_16:
0xee: {  	s0 =	sadd.s32 $0x1, s22  }
0xef: {  	s2 =	smulhi.u32 $0x88888889, s0;
	_ =	sdelay $0x1  }
0xf0: {  	v1 =	vld [tilespmem:s25+$0xFFFFFFC0];
	s2 =	sshrl.u32 s2, $0x7  }
0xf1: {  	s2 =	smul.u32 $0xF0, s2;
	_ =	sdelay $0x1  }
0xf2: {  	s22 =	ssub.s32 s0, s2  }
0xf3: {  	s0 =	sshll.u32 s22, $0x7  }
0xf4: {  	[tilespmem:s0+$0x108] =	vst v1  }
0xf5: {  	v1 =	vld [tilespmem:s25+$0xFFFFFFD0];
	_ =	sdelay $0x4  }
0xf6: {  	[tilespmem:s0+$0x118] =	vst v1  }
0xf7: {  	v1 =	vld [tilespmem:s25+$0xFFFFFFE0];
	_ =	sdelay $0x4  }
0xf8: {  	[tilespmem:s0+$0x128] =	vst v1  }
0xf9: {  	v1 =	vld [tilespmem:s25+$0xFFFFFFF0];
	_ =	sdelay $0x4  }
0xfa: {  	[tilespmem:s0+$0x138] =	vst v1  }
0xfb: {  	v1 =	vld [tilespmem:s25+$0x0];
	_ =	sdelay $0x4  }
0xfc: {  	[tilespmem:s0+$0x148] =	vst v1  }
0xfd: {  	v1 =	vld [tilespmem:s25+$0x10];
	_ =	sdelay $0x4  }
0xfe: {  	[tilespmem:s0+$0x158] =	vst v1  }
0xff: {  	v1 =	vld [tilespmem:s25+$0x20];
	_ =	sdelay $0x4  }
0x100: {  	[tilespmem:s0+$0x168] =	vst v1  }
0x101: {  	v1 =	vld [tilespmem:s25+$0x30]  }
.Ltmp15:
0x102: {  	_ = 	snop;
	(pc) =	sbr.rel .LBB2_17-.Ltmp15, $2  }
0x103: {  	_ =	sdelay $0x2  }
0x104: {  	s28 =	sadd.s32 $0x1, s28;
	[tilespmem:s0+$0x178] =	vst v1  }
.LBB2_19:
.Ltmp16:
0x105: {  	(pc) =	sbr.rel .LBB2_20-.Ltmp16, $4  }
0x106: {  	_ = 	snop  }
0x107: {  	s0 =	simm.s32 $0x2  }
0x108: {  	_ =	swait.ge [sflag:s0], $0x0  }
0x109: {  	s30 =	smov.u32 s29;
	[sflag:s0] =	ssyncset.done $0x0;
	s0 =	simm.s32 $0x0  }
.LBB2_22:
0x10a: {  	_ =	sfence.sel $0x180000  }
0x10b: {  	s0 =	simm.s32 $0x9;
	[bflag:$0x0] =	sbarrier.arrive $0xFFFF  }
0x10c: {  	s24 =	simm.s32 $0xA;
	[sflag:s0] =	ssyncpa.u1 $0x1  }
0x10d: {  	s25 =	simm.s32 $0xB;
	[sflag:s24] =	ssyncpa.u1 $0x1  }
0x10e: {  	s26 =	simm.s32 $0x2;
	[sflag:s25] =	ssyncpa.u1 $0x1  }
0x10f: {  	[sflag:s26] =	ssyncpa.u1 $0x1  }
0x110: {  	v0 =	vld [tilespmem:$0xF208];
	_ =	sdelay $0x4  }
0x111: {  	(v2sf) =	vpush v0, $0x0  }
0x112: {  	(v2sf) =	vpush v0, $0x1;
	_ =	sdelay $0x1  }
0x113: {  	(v2sf) =	vpush v0, $0x2;
	_ =	sdelay $0xb  }
0x114: {  	s0 =	spop (v2sf)  }
0x115: {  	s2 =	spop (v2sf)  }
0x116: {  	s3 =	smov.u32 s0;
	p0 =	sne.s32 s0, s2  }
0x117: {  	s4 =	spop (v2sf);
	s3 =	simm.s32 @!p0 $0xFFFFFFFF  }
0x118: {  	v2 =	vimm.s32 $0x1;
	v3 =	vlaneseq.u32;
	p0 =	seq.s32 s4, $0xFFFFFFFF;
	v1 =	vmov s3  }
0x119: {  	s16 =	stileid.u32;
	v0 =	vperm.xlane v0, v2;
	p1 =	sne.s32 @!p0 s0, s2;
	v1 =	vperm.xlane v1, v3  }
0x11a: {  	vm0 =	vcmask $0x3F04;
	s6 =	simm.s32 $0xF208;
	s0 =	simm.s32 @!p0 $0x1;
	p1 =	por !p1, p0  }
0x11b: {  	s3 =	sshll.u32 s16, $0x1;
	s2 =	sshll.u32 @!p0 s4, $0x9;
	s0 =	simm.s32 @p1 $0x0;
	v0 =	vsel vm0, v1, v0  }
0x11c: {  	s5 =	sor.u32 $0x1000, s3;
	s2 =	sshra.s32 @!p0 s2, $0x2;
	s0 =	sor.u32 @!p0 s0, s3;
	[tilespmem:$0xF208] =	vst v0  }
0x11d: {  	[spmem:s5] =	stream.linear.scatter [tilespmem:s6], [sflag:$0x1], $0x2, $0x38;
	[tilespmem:$0x1F6F8] =	vst v63  }
0x11e: {  	s2 =	sadd.s32 @!p0 $0x108, s2;
	s0 =	sshll.u32 @!p0 s0, $0x7  }
0x11f: {  	[spmem:s0] =	stream.linear.scatter @!p0 [tilespmem:s2], [sflag:$0x1], $0x80, $0x38;
	[tilespmem:$0x1F6F8] =	vst v63  }
0x120: {  	s0 =	simm.s32 @!p0 $0x82  }
0x121: {  	s28 =	simm.s32 $0x1;
	s0 =	simm.s32 @p0 $0x2  }
0x122: {  	_ =	swait.ge [sflag:s28], s0  }
0x123: {  	s0 =	ssub.s32 $0x0, s0;
	[sflag:s28] =	ssyncset.done $0x0  }
0x124: {  	p0 =	sne.s32 s16, $0x0;
	[sflag:s28] =	ssyncadd.s32 s0  }
.Ltmp17:
0x125: {  	_ =	sfence.stream.spmem;
	(pc) =	sbr.rel @p0 .LBB2_39-.Ltmp17, $4  }
0x126: {  	s29 =	simm.s32 $0x3;
	[bflag:$0x0] =	sbarrier.arrive $0xFFFF  }
0x127: {  	s30 =	simm.s32 $0x4;
	[sflag:s29] =	ssyncpa.u1 $0x1  }
0x128: {  	s31 =	simm.s32 $0x3C;
	[sflag:s30] =	ssyncpa.u1 $0x1  }
0x129: {  	s15 =	rddreg [dreg:$0x5];
	[sflag:s31] =	ssyncpa.u1 $0x1  }
0x12a: {  	_ =	sfence.stream.spmem;
	s0 =	simm.s32 $0x5  }
0x12b: {  	s2 =	simm.s32 $0x1000;
	s3 =	simm.s32 $0xF218;
	[sflag:s0] =	ssyncpa.u1 $0x0  }
0x12c: {  	[tilespmem:s3], [sflag:$0x5] =	stream.linear.gather [spmem:s2], $0x20, $0x38;
	[tilespmem:$0x1F6F8] =	vst v63  }
0x12d: {  	s26 =	simm.s32 $0x0;
	s28 =	simm.s32 $0xF238  }
0x12e: {  	[tilespmem:s28], [sflag:$0x5] =	stream.linear.gather [spmem:s26], $0x1000, $0x38;
	[tilespmem:$0x1F6F8] =	vst v63  }
0x12f: {  	_ =	swait.ge [sflag:s0], $0x1020  }
0x130: {  	[sflag:s0] =	ssyncset.done $0x0  }
0x131: {  	s29 =	simm.s32 $0x0;
	[sflag:s0] =	ssyncadd.s32 $0xFFFFEFE0  }
0x132: {  	v0 =	vld.msk [tilespmem:s29+$0xF218], $0x1;
	_ =	sdelay $0x1  }
0x133: {  	s30 =	simm.s32 $0x1  }
0x134: {  	v1 =	vld.msk [tilespmem:s30+$0xF218], $0x1;
	_ =	sdelay $0x1  }
0x135: {  	(v2sf) =	vpush v0, $0x0;
	_ =	sdelay $0x2  }
0x136: {  	(v2sf) =	vpush v1, $0x0;
	_ =	sdelay $0x2  }
0x137: {  	s31 =	simm.s32 $0x2  }
0x138: {  	v0 =	vld.msk [tilespmem:s31+$0xF218], $0x1;
	_ =	sdelay $0x2  }
0x139: {  	s4 =	simm.s32 $0xFFFFFFFF;
	s5 =	simm.s32 $0xFFFFFFFF;
	s0 =	simm.s32 $0xC  }
.LBB2_24:
0x13a: {  	s2 =	smov.u32 s5;
	s3 =	smov.u32 s4  }
0x13b: {  	s4 =	sshra.s32 s0, $0x2;
	p1 =	sne.s32 s0, $0x7C;
	s0 =	sadd.s32 $0x4, s0;
	(v2sf) =	vpush v0, $0x0  }
0x13c: {  	v0 =	vld.msk [tilespmem:s4+$0xF218], $0x1  }
.Ltmp18:
0x13d: {  	(pc) =	sbr.rel @p1 .LBB2_24-.Ltmp18, $4  }
0x13e: {  	s5 =	spop (v2sf)  }
0x13f: {  	p2 =	sne.s32 s3, $0xFFFFFFFF;
	s4 =	smov.u32 s5  }
0x140: {  	p3 =	seq.s32 s5, $0xFFFFFFFF;
	s4 =	smov.u32 @p2 s3  }
0x141: {  	s5 =	smov.u32 @p3 s2;
	s4 =	smov.u32 @p3 s3  }
0x142: {  	(v2sf) =	vpush v0, $0x0;
	_ =	sdelay $0x8  }
0x143: {  	s0 =	spop (v2sf)  }
0x144: {  	p1 =	sne.s32 s4, $0xFFFFFFFF;
	s2 =	smov.u32 s0  }
0x145: {  	s9 =	simm.s32 $0x6;
	p2 =	seq.s32 s0, $0xFFFFFFFF;
	s2 =	smov.u32 @p1 s4  }
0x146: {  	s6 =	simm.s32 $0x0;
	s2 =	smov.u32 @p2 s4;
	s3 =	spop (v2sf)  }
0x147: {  	s0 =	smov.u32 @p2 s5;
	p1 =	sne.s32 s2, $0xFFFFFFFF;
	s4 =	smov.u32 s3  }
.Ltmp19:
0x148: {  	p2 =	seq.s32 s3, $0xFFFFFFFF;
	s4 =	smov.u32 @p1 s2;
	(pc) =	sbr.rel .LBB2_26-.Ltmp19, $4  }
0x149: {  	s10 =	simm.s32 $0xF188;
	s4 =	smov.u32 @p2 s2;
	s7 =	spop (v2sf)  }
0x14a: {  	s11 =	simm.s32 $0x0;
	p1 =	sne.s32 s4, $0xFFFFFFFF;
	s8 =	smov.u32 s7  }
0x14b: {  	s3 =	smov.u32 @p2 s0;
	p2 =	seq.s32 s7, $0xFFFFFFFF;
	s8 =	smov.u32 @p1 s4  }
0x14c: {  	[sflag:s9] =	ssyncpa.u1 $0x0;
	s7 =	smov.u32 @p2 s3;
	s8 =	smov.u32 @p2 s4  }
.LBB2_32:
0x14d: {  	p1 =	sgt.u32 s12, $0xF9FF0  }
0x14e: {  	p2 =	seq.s32 @!p1 s12, s8  }
0x14f: {  	p1 =	por p1, p2  }
0x150: {  	p2 =	sne.s32 @!p1 s12, s7  }
0x151: {  	p1 =	por p1, !p2  }
0x152: {  	s0 =	sshll.u32 @p1 s11, $0x9  }
0x153: {  	s0 =	sand.u32 @!p1 $0xFFFF8, s12  }
0x154: {  	s2 =	sand.u32 @!p1 $0x7, s12;
	s0 =	sadd.s32 @!p1 s1, s0  }
0x155: {  	[tilespmem:s10], [sflag:$0x6] =	stream.linear.gather @!p1 [hbm4b:s0+s2], $0x80, $0x38;
	[tilespmem:$0x1F6F8] =	vst v63  }
0x156: {  	_ =	swait.ge @!p1 [sflag:s9], $0x80  }
0x157: {  	[sflag:s9] =	ssyncset.done @!p1 $0x0  }
0x158: {  	[sflag:s9] =	ssyncadd.s32 @!p1 $0xFFFFFF80  }
0x159: {  	v1 =	vld @!p1 [tilespmem:$0xF188];
	_ =	sdelay $0x2  }
0x15a: {  	s0 =	sshll.u32 @!p1 s11, $0x9  }
0x15b: {  	s2 =	sshrl.u32 @!p1 s0, $0x2  }
0x15c: {  	[tilespmem:s2+$0xF238] =	vst.add.f32.msk @!p1 $0xffff, v1  }
0x15d: {  	v1 =	vld @!p1 [tilespmem:$0xF198];
	_ =	sdelay $0x4  }
0x15e: {  	[tilespmem:s2+$0xF248] =	vst.add.f32.msk @!p1 $0xffff, v1  }
0x15f: {  	v1 =	vld @!p1 [tilespmem:$0xF1A8];
	_ =	sdelay $0x4  }
0x160: {  	[tilespmem:s2+$0xF258] =	vst.add.f32.msk @!p1 $0xffff, v1  }
0x161: {  	v1 =	vld @!p1 [tilespmem:$0xF1B8];
	_ =	sdelay $0x4  }
0x162: {  	[tilespmem:s2+$0xF268] =	vst.add.f32.msk @!p1 $0xffff, v1  }
0x163: {  	v1 =	vld @!p1 [tilespmem:$0xF1C8];
	_ =	sdelay $0x4  }
0x164: {  	[tilespmem:s2+$0xF278] =	vst.add.f32.msk @!p1 $0xffff, v1  }
0x165: {  	v1 =	vld @!p1 [tilespmem:$0xF1D8];
	_ =	sdelay $0x4  }
0x166: {  	[tilespmem:s2+$0xF288] =	vst.add.f32.msk @!p1 $0xffff, v1  }
0x167: {  	v1 =	vld @!p1 [tilespmem:$0xF1E8];
	_ =	sdelay $0x4  }
0x168: {  	[tilespmem:s2+$0xF298] =	vst.add.f32.msk @!p1 $0xffff, v1  }
0x169: {  	v1 =	vld @!p1 [tilespmem:$0xF1F8];
	_ =	sdelay $0x4  }
0x16a: {  	[tilespmem:s2+$0xF2A8] =	vst.add.f32.msk @!p1 $0xffff, v1  }
0x16b: {  	s0 =	sshrl.u32 s0, $0x2;
	[tilespmem:s6+$0xF218] =	vst.msk $0x1, v0  }
0x16c: {  	v0 =	vld [tilespmem:s0+$0xF238];
	_ =	sdelay $0x2  }
0x16d: {  	s31 =	sshll.u32 s6, $0x9  }
0x16e: {  	s2 =	sshra.s32 s31, $0x2  }
0x16f: {  	[tilespmem:s2+$0xF238] =	vst v0  }
0x170: {  	v0 =	vld [tilespmem:s0+$0xF248];
	_ =	sdelay $0x4  }
0x171: {  	[tilespmem:s2+$0xF248] =	vst v0  }
0x172: {  	v0 =	vld [tilespmem:s0+$0xF258];
	_ =	sdelay $0x4  }
0x173: {  	[tilespmem:s2+$0xF258] =	vst v0  }
0x174: {  	v0 =	vld [tilespmem:s0+$0xF268];
	_ =	sdelay $0x4  }
0x175: {  	[tilespmem:s2+$0xF268] =	vst v0  }
0x176: {  	v0 =	vld [tilespmem:s0+$0xF278];
	_ =	sdelay $0x4  }
0x177: {  	[tilespmem:s2+$0xF278] =	vst v0  }
0x178: {  	v0 =	vld [tilespmem:s0+$0xF288];
	_ =	sdelay $0x4  }
0x179: {  	[tilespmem:s2+$0xF288] =	vst v0  }
0x17a: {  	v0 =	vld [tilespmem:s0+$0xF298];
	_ =	sdelay $0x4  }
0x17b: {  	[tilespmem:s2+$0xF298] =	vst v0  }
0x17c: {  	v0 =	vld [tilespmem:s0+$0xF2A8];
	_ =	sdelay $0x4  }
0x17d: {  	s6 =	sadd.s32 $0x1, s6;
	[tilespmem:s2+$0xF2A8] =	vst v0  }
.LBB2_33:
0x17e: {  	s11 =	sadd.s32 $0x1, s11  }
0x17f: {  	p1 =	sne.s32 s11, $0x20  }
.Ltmp20:
0x180: {  	_ = 	snop;
	(pc) =	sbr.rel @!p1 .LBB2_34-.Ltmp20, $1  }
0x181: {  	_ =	sdelay $0x3  }
.LBB2_26:
0x182: {  	v0 =	vld.msk [tilespmem:s11+$0xF218], $0x1;
	_ =	sdelay $0x4  }
0x183: {  	(v2sf) =	vpush v0, $0x0;
	_ =	sdelay $0xe  }
0x184: {  	s12 =	spop (v2sf)  }
0x185: {  	p1 =	seq.s32 s12, $0xFFFFFFFF  }
.Ltmp21:
0x186: {  	_ = 	snop;
	(pc) =	sbr.rel @p1 .LBB2_33-.Ltmp21, $1  }
0x187: {  	_ =	sdelay $0x3  }
0x188: {  	p1 =	slt.s32 s6, $0x1  }
.Ltmp22:
0x189: {  	_ = 	snop;
	(pc) =	sbr.rel @p1 .LBB2_32-.Ltmp22, $1  }
0x18a: {  	_ =	sdelay $0x3  }
0x18b: {  	s13 =	simm.s32 $0xF218;
	p1 =	por $0x0, $0x0  }
0x18c: {  	v1 =	vld.msk @!p1 [tilespmem:s13+$0x0], $0x1;
	_ =	sdelay $0x4  }
0x18d: {  	(v2sf) =	vpush @!p1 v1, $0x0;
	_ =	sdelay $0xd  }
0x18e: {  	p3 =	sne.s32 s6, $0x1  }
.Ltmp23:
0x18f: {  	s0 =	spop @!p1 (v2sf);
	(pc) =	sbr.rel @!p3 .LBB2_30-.Ltmp23, $4  }
0x190: {  	p2 =	seq.s32 @!p1 s12, s0  }
0x191: {  	s14 =	simm.s32 $0x0;
	p2 =	por !p2, p1  }
0x192: {  	s2 =	simm.s32 $0xFFFFFFFF;
	s14 =	simm.s32 @p2 $0xFFFFFFFF  }
0x193: {  	s0 =	simm.s32 $0x1;
	s14 =	smov.u32 @p1 s2  }
.LBB2_29:
0x194: {  	s2 =	smov.u32 s14;
	p1 =	sne.s32 s14, $0xFFFFFFFF  }
0x195: {  	s13 =	sadd.s32 $0x1, s13;
	s14 =	smov.u32 s0;
	s0 =	sadd.s32 $0x1, s0  }
0x196: {  	p2 =	sne.s32 s6, s0;
	v1 =	vld.msk @!p1 [tilespmem:s13+$0x0], $0x1;
	_ =	sdelay $0x4  }
0x197: {  	(v2sf) =	vpush @!p1 v1, $0x0;
	_ =	sdelay $0xe  }
.Ltmp24:
0x198: {  	s3 =	spop @!p1 (v2sf);
	(pc) =	sbr.rel @p2 .LBB2_29-.Ltmp24, $4  }
0x199: {  	p3 =	seq.s32 @!p1 s12, s3  }
0x19a: {  	p3 =	por !p3, p1  }
0x19b: {  	s14 =	simm.s32 @p3 $0xFFFFFFFF  }
0x19c: {  	s14 =	smov.u32 @p1 s2  }
.LBB2_30:
0x19d: {  	p1 =	seq.s32 s14, $0xFFFFFFFF  }
.Ltmp25:
0x19e: {  	_ = 	snop;
	(pc) =	sbr.rel @p1 .LBB2_32-.Ltmp25, $1  }
0x19f: {  	_ =	sdelay $0x3  }
0x1a0: {  	s0 =	sshll.u32 s11, $0x7  }
0x1a1: {  	s0 =	sand.u32 $0x3FFFFF80, s0  }
0x1a2: {  	v0 =	vld [tilespmem:s0+$0xF238];
	_ =	sdelay $0x2  }
0x1a3: {  	s2 =	sshll.u32 s14, $0x9  }
0x1a4: {  	s2 =	sshra.s32 s2, $0x2  }
0x1a5: {  	[tilespmem:s2+$0xF238] =	vst.add.f32.msk $0xffff, v0  }
0x1a6: {  	v0 =	vld [tilespmem:s0+$0xF248];
	_ =	sdelay $0x4  }
0x1a7: {  	[tilespmem:s2+$0xF248] =	vst.add.f32.msk $0xffff, v0  }
0x1a8: {  	v0 =	vld [tilespmem:s0+$0xF258];
	_ =	sdelay $0x4  }
0x1a9: {  	[tilespmem:s2+$0xF258] =	vst.add.f32.msk $0xffff, v0  }
0x1aa: {  	v0 =	vld [tilespmem:s0+$0xF268];
	_ =	sdelay $0x4  }
0x1ab: {  	[tilespmem:s2+$0xF268] =	vst.add.f32.msk $0xffff, v0  }
0x1ac: {  	v0 =	vld [tilespmem:s0+$0xF278];
	_ =	sdelay $0x4  }
0x1ad: {  	[tilespmem:s2+$0xF278] =	vst.add.f32.msk $0xffff, v0  }
0x1ae: {  	v0 =	vld [tilespmem:s0+$0xF288];
	_ =	sdelay $0x4  }
0x1af: {  	[tilespmem:s2+$0xF288] =	vst.add.f32.msk $0xffff, v0  }
0x1b0: {  	v0 =	vld [tilespmem:s0+$0xF298];
	_ =	sdelay $0x4  }
0x1b1: {  	[tilespmem:s2+$0xF298] =	vst.add.f32.msk $0xffff, v0  }
0x1b2: {  	v0 =	vld [tilespmem:s0+$0xF2A8]  }
.Ltmp26:
0x1b3: {  	_ = 	snop;
	(pc) =	sbr.rel .LBB2_33-.Ltmp26, $2  }
0x1b4: {  	_ =	sdelay $0x2  }
0x1b5: {  	[tilespmem:s2+$0xF2A8] =	vst.add.f32.msk $0xffff, v0  }
.LBB2_34:
0x1b6: {  	s0 =	simm.s32 $0x6;
	p1 =	seq.s32 s6, $0x0  }
0x1b7: {  	[sflag:s0] =	ssyncpa.u1 $0x1;
	v0 =	vimm.s32 @p1 $0xFFFFFFFF  }
0x1b8: {  	s9 =	sadd.s32 $0xFFFFFFFF, s6;
	[tilespmem:$0x10238] =	vst @p1 v0  }
0x1b9: {  	v0 =	vld.msk @!p1 [tilespmem:s9+$0xF218], $0x1;
	_ =	sdelay $0x1  }
0x1ba: {  	v1 =	vld.msk @!p1 [tilespmem:$0xF218], $0x1;
	_ =	sdelay $0x2  }
0x1bb: {  	p2 =	seq.s32 @!p1 s9, $0x0;
	v0 =	vbroadcast @!p1 v0, $0x0  }
0x1bc: {  	vm0 =	vmmov @!p1 $0x1;
	p2 =	por !p2, p1  }
0x1bd: {  	v1 =	vnsel @!p1 vm0, $0xFFFFFFFF, v1;
	vm0 =	vcmask @!p1 $0x308;
	v0 =	vpsel !p2, $0xFFFFFFFF, v0  }
0x1be: {  	p2 =	sne.s32 @!p1 s8, s7;
	v0 =	vsel @!p1 vm0, v1, v0  }
0x1bf: {  	s0 =	simm.s32 @!p1 $0xF238;
	s2 =	simm.s32 @!p1 $0x0;
	p3 =	por !p2, p1;
	[tilespmem:$0x10238] =	vst @!p1 v0  }
0x1c0: {  	[spmem:s2] =	stream.linear.scatter @!p1 [tilespmem:s0], [sflag:$0x1], $0x80, $0x38;
	[tilespmem:$0x1F6F8] =	vst v63  }
0x1c1: {  	s0 =	sshll.u32 @!p3 s9, $0x9  }
0x1c2: {  	s0 =	sshra.s32 @!p3 s0, $0x2  }
0x1c3: {  	s2 =	simm.s32 @!p3 $0x80;
	s0 =	sadd.s32 @!p3 $0xF238, s0  }
0x1c4: {  	[spmem:s2] =	stream.linear.scatter @!p3 [tilespmem:s0], [sflag:$0x1], $0x80, $0x38;
	[tilespmem:$0x1F6F8] =	vst v63  }
0x1c5: {  	s0 =	simm.s32 @!p3 $0x1  }
0x1c6: {  	_ =	swait.ge @!p3 [sflag:s0], $0x100  }
0x1c7: {  	p1 =	por p2, p1;
	[sflag:s0] =	ssyncset.done @!p3 $0x0  }
0x1c8: {  	[sflag:s0] =	ssyncadd.s32 @!p3 $0xFFFFFF00;
	s0 =	simm.s32 @!p1 $0x1  }
0x1c9: {  	_ =	swait.ge @!p1 [sflag:s0], $0x80  }
0x1ca: {  	s29 =	simm.s32 $0x10238;
	[sflag:s0] =	ssyncset.done @!p1 $0x0  }
0x1cb: {  	s30 =	simm.s32 $0x1000;
	s31 =	simm.s32 $0x1;
	[sflag:s0] =	ssyncadd.s32 @!p1 $0xFFFFFF80  }
0x1cc: {  	[spmem:s30] =	stream.linear.scatter [tilespmem:s29], [sflag:$0x1], $0x10, $0x38;
	[tilespmem:$0x1F6F8] =	vst v63  }
0x1cd: {  	_ =	swait.ge [sflag:s31], $0x10  }
0x1ce: {  	[sflag:s31] =	ssyncset.done $0x0  }
0x1cf: {  	p1 =	seq.s32 s15, $0x0;
	s8 =	rddreg [dreg:$0x2];
	[sflag:s31] =	ssyncadd.s32 $0xFFFFFFF0  }
0x1d0: {  	s2 =	sshll.u32 @p1 s8, $0xE;
	s7 =	rddreg [dreg:$0x3]  }
0x1d1: {  	s0 =	sadd.s32 @p1 $0x15C3C, s2;
	s2 =	sshll.u32 @p1 s7, $0x11  }
0x1d2: {  	_ =	sfence.stream.spmem;
	s0 =	sor.u32 @p1 s2, s0  }
0x1d3: {  	[sflag:s0] =	ssyncadd.remote.s32 @p1 $0x1;
	s0 =	simm.s32 @p1 $0x4  }
0x1d4: {  	s3 =	simm.s32 @!p1 $0x3C;
	s2 =	sand.u32 $0xFFFFFFFE, s8;
	_ =	swait.ge @p1 [sflag:s0], $0x22  }
0x1d5: {  	s4 =	simm.s32 @!p1 $0x0;
	s2 =	sadd.s32 @!p1 $0x4, s2;
	[sflag:s0] =	ssyncset.done @p1 $0x0  }
0x1d6: {  	s5 =	simm.s32 @!p1 $0x100;
	[sflag:s0] =	ssyncadd.s32 @p1 $0xFFFFFFDE;
	s0 =	sshll.u32 @!p1 s2, $0x1A  }
0x1d7: {  	s2 =	sshll.u32 @!p1 s2, $0xD;
	s0 =	sor.u32 @!p1 s0, s7;
	_ =	swait.eq @!p1 [sflag:s3], $0x1  }
0x1d8: {  	s2 =	sor.u32 @!p1 $0x1C04, s2;
	s3 =	simm.s32 @!p1 $0x1C03;
	s0 =	sor.u32 @!p1 $0x80004000, s0  }
0x1d9: {  	[spmem:s5], [sflag:s2] =	dma.general @!p1 [spmem:s4], [sflag:s3], length:$0x20, [dreg:$0x0], stride_count:$0x0, ici_dest:s0, dma_misc:DstOpCode:WRITE  }
0x1da: {  	p2 =	slt.s32 s9, $0x2;
	s4 =	simm.s32 @!p1 $0x200;
	s5 =	simm.s32 @!p1 $0x202  }
0x1db: {  	[spmem:s5], [sflag:s2] =	dma.general @!p1 [spmem:s4], [sflag:s3], length:$0x2, [dreg:$0x0], stride_count:$0x0, ici_dest:s0, dma_misc:DstOpCode:WRITE  }
.Ltmp27:
0x1dc: {  	s0 =	simm.s32 @!p1 $0x3;
	(pc) =	sbr.rel @p2 .LBB2_38-.Ltmp27, $4  }
0x1dd: {  	s2 =	sshll.u32 @!p1 s8, $0xE;
	_ =	swait.ge @!p1 [sflag:s0], $0x22  }
0x1de: {  	s3 =	sshll.u32 @!p1 s7, $0x11;
	s2 =	sadd.s32 @!p1 $0x11C3C, s2;
	[sflag:s0] =	ssyncset.done @!p1 $0x0  }
0x1df: {  	[sflag:s0] =	ssyncadd.s32 @!p1 $0xFFFFFFDE;
	s0 =	sor.u32 @!p1 s3, s2  }
0x1e0: {  	[sflag:s0] =	ssyncadd.remote.s32 @!p1 $0xFFFFFFFF;
	s0 =	simm.s32 $0x0  }
0x1e1: {  	s0 =	simm.s32 $0xF219  }
0x1e2: {  	v0 =	vld.msk [tilespmem:s0+$0x0], $0x1;
	_ =	sdelay $0x4  }
0x1e3: {  	(v2sf) =	vpush v0, $0x0;
	_ =	sdelay $0xb  }
0x1e4: {  	s31 =	sadd.s32 $0xFFFFFFFE, s6  }
0x1e5: {  	s0 =	sadd.s32 $0xFFFFFFFF, s31  }
0x1e6: {  	p2 =	sne.s32 s0, $0x0  }
.Ltmp28:
0x1e7: {  	s2 =	spop (v2sf);
	(pc) =	sbr.rel @!p2 .LBB2_37-.Ltmp28, $4  }
0x1e8: {  	s4 =	simm.s32 $0xF2B8;
	s7 =	simm.s32 $0x0;
	p1 =	sgt.u32 s2, $0xF9FF0  }
0x1e9: {  	s5 =	simm.s32 $0x0;
	s6 =	simm.s32 $0xF21A;
	s3 =	sand.u32 @!p1 $0xFFFF8, s2  }
0x1ea: {  	s2 =	sand.u32 @!p1 $0x7, s2;
	s7 =	simm.s32 @!p1 $0x200;
	s3 =	sadd.s32 @!p1 s1, s3  }
0x1eb: {  	[hbm4b:s3+s2] =	stream.linear.scatter @!p1 [tilespmem:s4], [sflag:$0x5], $0x80, $0x38;
	[tilespmem:$0x1F6F8] =	vst v63  }
.LBB2_36:
0x1ec: {  	v0 =	vld.msk [tilespmem:s6+$0x0], $0x1;
	s0 =	sadd.s32 $0xFFFFFFFF, s0;
	s5 =	sadd.s32 s5, s7  }
0x1ed: {  	p1 =	sne.s32 s0, $0x0;
	_ =	sdelay $0x3  }
0x1ee: {  	(v2sf) =	vpush v0, $0x0;
	_ =	sdelay $0xe  }
.Ltmp29:
0x1ef: {  	s2 =	spop (v2sf);
	(pc) =	sbr.rel @p1 .LBB2_36-.Ltmp29, $4  }
0x1f0: {  	s7 =	simm.s32 $0x0;
	p2 =	sgt.u32 s2, $0xF9FF0  }
0x1f1: {  	s4 =	sadd.s32 $0x80, s4;
	s7 =	simm.s32 @!p2 $0x200;
	s3 =	sand.u32 @!p2 $0xFFFF8, s2  }
0x1f2: {  	s6 =	sadd.s32 $0x1, s6;
	s2 =	sand.u32 @!p2 $0x7, s2;
	s3 =	sadd.s32 @!p2 s1, s3  }
0x1f3: {  	[hbm4b:s3+s2] =	stream.linear.scatter @!p2 [tilespmem:s4], [sflag:$0x5], $0x80, $0x38;
	[tilespmem:$0x1F6F8] =	vst v63  }
.LBB2_37:
0x1f4: {  	s0 =	sadd.s32 s5, s7  }
0x1f5: {  	s0 =	sshrl.u32 s0, $0x2  }
.LBB2_38:
0x1f6: {  	s2 =	simm.s32 $0x5  }
0x1f7: {  	_ =	swait.ge [sflag:s2], s0  }
0x1f8: {  	s31 =	ssub.s32 $0x0, s0;
	[sflag:s2] =	ssyncset.done $0x0  }
0x1f9: {  	[sflag:s2] =	ssyncadd.s32 s31  }
0x1fa: {  	[sflag:s2] =	ssyncpa.u1 $0x1  }
.LBB2_39:
0x1fb: {  	s0 =	sor.u32 s15, s16  }
0x1fc: {  	p1 =	sne.s32 s0, $0x0  }
.Ltmp30:
0x1fd: {  	_ = 	snop;
	(pc) =	sbr.rel @p1 .LBB2_54-.Ltmp30, $3  }
0x1fe: {  	_ =	sdelay $0x1  }
0x1ff: {  	[bflag:$0x0] =	sbarrier.arrive $0xFFFF  }
0x200: {  	_ =	sfence  }
0x201: {  	s0 =	simm.s32 $0x7  }
0x202: {  	s2 =	simm.s32 $0x1000;
	s3 =	simm.s32 $0xF218;
	[sflag:s0] =	ssyncpa.u1 $0x0  }
0x203: {  	[tilespmem:s3], [sflag:$0x7] =	stream.linear.gather [spmem:s2], $0x20, $0x38;
	[tilespmem:$0x1F6F8] =	vst v63  }
0x204: {  	s30 =	simm.s32 $0xF238;
	s2 =	simm.s32 $0x0  }
0x205: {  	[tilespmem:s30], [sflag:$0x7] =	stream.linear.gather [spmem:s2], $0x1000, $0x38;
	[tilespmem:$0x1F6F8] =	vst v63  }
.Ltmp31:
0x206: {  	_ = 	snop;
	(pc) =	sbr.rel .LBB2_41-.Ltmp31, $4  }
0x207: {  	_ =	swait.ge [sflag:s0], $0x1020  }
0x208: {  	[sflag:s0] =	ssyncset.done $0x0  }
0x209: {  	s31 =	simm.s32 $0x8;
	[sflag:s0] =	ssyncadd.s32 $0xFFFFEFE0  }
0x20a: {  	s3 =	simm.s32 $0x0;
	[sflag:s31] =	ssyncpa.u1 $0x0  }
.LBB2_47:
0x20b: {  	p1 =	slt.u32 s4, $0xF9FF1  }
0x20c: {  	s0 =	sand.u32 @p1 $0xFFFF8, s4  }
0x20d: {  	s4 =	sand.u32 @p1 $0x7, s4;
	s5 =	simm.s32 @p1 $0xF188;
	s0 =	sadd.s32 @p1 s1, s0  }
0x20e: {  	[tilespmem:s5], [sflag:$0x8] =	stream.linear.gather @p1 [hbm4b:s0+s4], $0x80, $0x38;
	[tilespmem:$0x1F6F8] =	vst v63  }
0x20f: {  	s0 =	simm.s32 @p1 $0x8  }
0x210: {  	_ =	swait.ge @p1 [sflag:s0], $0x80  }
0x211: {  	[sflag:s0] =	ssyncset.done @p1 $0x0  }
0x212: {  	[sflag:s0] =	ssyncadd.s32 @p1 $0xFFFFFF80  }
0x213: {  	v1 =	vld @p1 [tilespmem:$0xF188];
	_ =	sdelay $0x2  }
0x214: {  	s0 =	sshll.u32 @p1 s3, $0x9  }
0x215: {  	s4 =	sshrl.u32 @p1 s0, $0x2  }
0x216: {  	[tilespmem:s4+$0xF238] =	vst.add.f32.msk @p1 $0xffff, v1  }
0x217: {  	v1 =	vld @p1 [tilespmem:$0xF198];
	_ =	sdelay $0x4  }
0x218: {  	[tilespmem:s4+$0xF248] =	vst.add.f32.msk @p1 $0xffff, v1  }
0x219: {  	v1 =	vld @p1 [tilespmem:$0xF1A8];
	_ =	sdelay $0x4  }
0x21a: {  	[tilespmem:s4+$0xF258] =	vst.add.f32.msk @p1 $0xffff, v1  }
0x21b: {  	v1 =	vld @p1 [tilespmem:$0xF1B8];
	_ =	sdelay $0x4  }
0x21c: {  	[tilespmem:s4+$0xF268] =	vst.add.f32.msk @p1 $0xffff, v1  }
0x21d: {  	v1 =	vld @p1 [tilespmem:$0xF1C8];
	_ =	sdelay $0x4  }
0x21e: {  	[tilespmem:s4+$0xF278] =	vst.add.f32.msk @p1 $0xffff, v1  }
0x21f: {  	v1 =	vld @p1 [tilespmem:$0xF1D8];
	_ =	sdelay $0x4  }
0x220: {  	[tilespmem:s4+$0xF288] =	vst.add.f32.msk @p1 $0xffff, v1  }
0x221: {  	v1 =	vld @p1 [tilespmem:$0xF1E8];
	_ =	sdelay $0x4  }
0x222: {  	[tilespmem:s4+$0xF298] =	vst.add.f32.msk @p1 $0xffff, v1  }
0x223: {  	v1 =	vld @p1 [tilespmem:$0xF1F8];
	_ =	sdelay $0x3  }
0x224: {  	s5 =	sshll.u32 @!p1 s3, $0x9  }
0x225: {  	s5 =	smov.u32 @p1 s0;
	[tilespmem:s4+$0xF2A8] =	vst.add.f32.msk @p1 $0xffff, v1  }
0x226: {  	s0 =	sshrl.u32 s5, $0x2;
	[tilespmem:s2+$0xF218] =	vst.msk $0x1, v0  }
0x227: {  	v0 =	vld [tilespmem:s0+$0xF238];
	_ =	sdelay $0x2  }
0x228: {  	s31 =	sshll.u32 s2, $0x9  }
0x229: {  	s4 =	sshra.s32 s31, $0x2  }
0x22a: {  	[tilespmem:s4+$0xF238] =	vst v0  }
0x22b: {  	v0 =	vld [tilespmem:s0+$0xF248];
	_ =	sdelay $0x4  }
0x22c: {  	[tilespmem:s4+$0xF248] =	vst v0  }
0x22d: {  	v0 =	vld [tilespmem:s0+$0xF258];
	_ =	sdelay $0x4  }
0x22e: {  	[tilespmem:s4+$0xF258] =	vst v0  }
0x22f: {  	v0 =	vld [tilespmem:s0+$0xF268];
	_ =	sdelay $0x4  }
0x230: {  	[tilespmem:s4+$0xF268] =	vst v0  }
0x231: {  	v0 =	vld [tilespmem:s0+$0xF278];
	_ =	sdelay $0x4  }
0x232: {  	[tilespmem:s4+$0xF278] =	vst v0  }
0x233: {  	v0 =	vld [tilespmem:s0+$0xF288];
	_ =	sdelay $0x4  }
0x234: {  	[tilespmem:s4+$0xF288] =	vst v0  }
0x235: {  	v0 =	vld [tilespmem:s0+$0xF298];
	_ =	sdelay $0x4  }
0x236: {  	[tilespmem:s4+$0xF298] =	vst v0  }
0x237: {  	v0 =	vld [tilespmem:s0+$0xF2A8];
	_ =	sdelay $0x4  }
0x238: {  	s2 =	sadd.s32 $0x1, s2;
	[tilespmem:s4+$0xF2A8] =	vst v0  }
.LBB2_48:
0x239: {  	s3 =	sadd.s32 $0x1, s3  }
0x23a: {  	p1 =	sne.s32 s3, $0x20  }
.Ltmp32:
0x23b: {  	_ = 	snop;
	(pc) =	sbr.rel @!p1 .LBB2_49-.Ltmp32, $1  }
0x23c: {  	_ =	sdelay $0x3  }
.LBB2_41:
0x23d: {  	v0 =	vld.msk [tilespmem:s3+$0xF218], $0x1;
	_ =	sdelay $0x4  }
0x23e: {  	(v2sf) =	vpush v0, $0x0;
	_ =	sdelay $0xe  }
0x23f: {  	s4 =	spop (v2sf)  }
0x240: {  	p1 =	seq.s32 s4, $0xFFFFFFFF  }
.Ltmp33:
0x241: {  	_ = 	snop;
	(pc) =	sbr.rel @p1 .LBB2_48-.Ltmp33, $1  }
0x242: {  	_ =	sdelay $0x3  }
0x243: {  	p1 =	slt.s32 s2, $0x1  }
.Ltmp34:
0x244: {  	_ = 	snop;
	(pc) =	sbr.rel @p1 .LBB2_47-.Ltmp34, $1  }
0x245: {  	_ =	sdelay $0x3  }
0x246: {  	s5 =	simm.s32 $0xF218;
	p1 =	por $0x0, $0x0  }
0x247: {  	v1 =	vld.msk @!p1 [tilespmem:s5+$0x0], $0x1;
	_ =	sdelay $0x4  }
0x248: {  	(v2sf) =	vpush @!p1 v1, $0x0;
	_ =	sdelay $0xd  }
0x249: {  	p3 =	sne.s32 s2, $0x1  }
.Ltmp35:
0x24a: {  	s0 =	spop @!p1 (v2sf);
	(pc) =	sbr.rel @!p3 .LBB2_45-.Ltmp35, $4  }
0x24b: {  	p2 =	seq.s32 @!p1 s4, s0  }
0x24c: {  	s6 =	simm.s32 $0x0;
	p2 =	por !p2, p1  }
0x24d: {  	s7 =	simm.s32 $0xFFFFFFFF;
	s6 =	simm.s32 @p2 $0xFFFFFFFF  }
0x24e: {  	s0 =	simm.s32 $0x1;
	s6 =	smov.u32 @p1 s7  }
.LBB2_44:
0x24f: {  	s7 =	smov.u32 s6;
	p1 =	sne.s32 s6, $0xFFFFFFFF  }
0x250: {  	s5 =	sadd.s32 $0x1, s5;
	s6 =	smov.u32 s0;
	s0 =	sadd.s32 $0x1, s0  }
0x251: {  	p2 =	sne.s32 s2, s0;
	v1 =	vld.msk @!p1 [tilespmem:s5+$0x0], $0x1;
	_ =	sdelay $0x4  }
0x252: {  	(v2sf) =	vpush @!p1 v1, $0x0;
	_ =	sdelay $0xe  }
.Ltmp36:
0x253: {  	s8 =	spop @!p1 (v2sf);
	(pc) =	sbr.rel @p2 .LBB2_44-.Ltmp36, $4  }
0x254: {  	p3 =	seq.s32 @!p1 s4, s8  }
0x255: {  	p3 =	por !p3, p1  }
0x256: {  	s6 =	simm.s32 @p3 $0xFFFFFFFF  }
0x257: {  	s6 =	smov.u32 @p1 s7  }
.LBB2_45:
0x258: {  	p1 =	seq.s32 s6, $0xFFFFFFFF  }
.Ltmp37:
0x259: {  	_ = 	snop;
	(pc) =	sbr.rel @p1 .LBB2_47-.Ltmp37, $1  }
0x25a: {  	_ =	sdelay $0x3  }
0x25b: {  	s0 =	sshll.u32 s3, $0x7  }
0x25c: {  	s0 =	sand.u32 $0x3FFFFF80, s0  }
0x25d: {  	v0 =	vld [tilespmem:s0+$0xF238];
	_ =	sdelay $0x2  }
0x25e: {  	s4 =	sshll.u32 s6, $0x9  }
0x25f: {  	s4 =	sshra.s32 s4, $0x2  }
0x260: {  	[tilespmem:s4+$0xF238] =	vst.add.f32.msk $0xffff, v0  }
0x261: {  	v0 =	vld [tilespmem:s0+$0xF248];
	_ =	sdelay $0x4  }
0x262: {  	[tilespmem:s4+$0xF248] =	vst.add.f32.msk $0xffff, v0  }
0x263: {  	v0 =	vld [tilespmem:s0+$0xF258];
	_ =	sdelay $0x4  }
0x264: {  	[tilespmem:s4+$0xF258] =	vst.add.f32.msk $0xffff, v0  }
0x265: {  	v0 =	vld [tilespmem:s0+$0xF268];
	_ =	sdelay $0x4  }
0x266: {  	[tilespmem:s4+$0xF268] =	vst.add.f32.msk $0xffff, v0  }
0x267: {  	v0 =	vld [tilespmem:s0+$0xF278];
	_ =	sdelay $0x4  }
0x268: {  	[tilespmem:s4+$0xF278] =	vst.add.f32.msk $0xffff, v0  }
0x269: {  	v0 =	vld [tilespmem:s0+$0xF288];
	_ =	sdelay $0x4  }
0x26a: {  	[tilespmem:s4+$0xF288] =	vst.add.f32.msk $0xffff, v0  }
0x26b: {  	v0 =	vld [tilespmem:s0+$0xF298];
	_ =	sdelay $0x4  }
0x26c: {  	[tilespmem:s4+$0xF298] =	vst.add.f32.msk $0xffff, v0  }
0x26d: {  	v0 =	vld [tilespmem:s0+$0xF2A8]  }
.Ltmp38:
0x26e: {  	_ = 	snop;
	(pc) =	sbr.rel .LBB2_48-.Ltmp38, $2  }
0x26f: {  	_ =	sdelay $0x2  }
0x270: {  	[tilespmem:s4+$0xF2A8] =	vst.add.f32.msk $0xffff, v0  }
.LBB2_49:
0x271: {  	p1 =	slt.s32 s2, $0x1  }
.Ltmp39:
0x272: {  	_ = 	snop;
	(pc) =	sbr.rel @p1 .LBB2_53-.Ltmp39, $3  }
0x273: {  	_ =	sdelay $0x1  }
0x274: {  	s0 =	simm.s32 $0x8  }
0x275: {  	s3 =	simm.s32 $0x0;
	[sflag:s0] =	ssyncpa.u1 $0x1  }
0x276: {  	s0 =	simm.s32 $0xF218  }
0x277: {  	v0 =	vld.msk [tilespmem:s0+$0x0], $0x1;
	_ =	sdelay $0x4  }
0x278: {  	(v2sf) =	vpush v0, $0x0;
	_ =	sdelay $0xe  }
0x279: {  	s0 =	sadd.s32 $0xFFFFFFFF, s2;
	s5 =	spop (v2sf)  }
0x27a: {  	p2 =	sne.s32 s0, $0x0;
	p1 =	sgt.u32 s5, $0xF9FF0  }
.Ltmp40:
0x27b: {  	s6 =	sand.u32 @!p1 $0xFFFF8, s5;
	(pc) =	sbr.rel @!p2 .LBB2_52-.Ltmp40, $4  }
0x27c: {  	s4 =	simm.s32 $0xF238;
	s5 =	sand.u32 @!p1 $0x7, s5;
	s2 =	sadd.s32 @!p1 s1, s6  }
0x27d: {  	[hbm4b:s2+s5] =	stream.linear.scatter @!p1 [tilespmem:s4], [sflag:$0x7], $0x80, $0x38;
	[tilespmem:$0x1F6F8] =	vst v63  }
0x27e: {  	s5 =	simm.s32 $0x0  }
0x27f: {  	s2 =	simm.s32 $0xF219;
	s5 =	simm.s32 @!p1 $0x200  }
.LBB2_51:
0x280: {  	v0 =	vld.msk [tilespmem:s2+$0x0], $0x1;
	s0 =	sadd.s32 $0xFFFFFFFF, s0;
	s3 =	sadd.s32 s3, s5  }
0x281: {  	p1 =	sne.s32 s0, $0x0;
	_ =	sdelay $0x3  }
0x282: {  	(v2sf) =	vpush v0, $0x0;
	_ =	sdelay $0xe  }
.Ltmp41:
0x283: {  	s6 =	spop (v2sf);
	(pc) =	sbr.rel @p1 .LBB2_51-.Ltmp41, $4  }
0x284: {  	s5 =	simm.s32 $0x0;
	p2 =	sgt.u32 s6, $0xF9FF0  }
0x285: {  	s4 =	sadd.s32 $0x80, s4;
	s5 =	simm.s32 @!p2 $0x200;
	s7 =	sand.u32 @!p2 $0xFFFF8, s6  }
0x286: {  	s2 =	sadd.s32 $0x1, s2;
	s6 =	sand.u32 @!p2 $0x7, s6;
	s7 =	sadd.s32 @!p2 s1, s7  }
0x287: {  	[hbm4b:s7+s6] =	stream.linear.scatter @!p2 [tilespmem:s4], [sflag:$0x7], $0x80, $0x38;
	[tilespmem:$0x1F6F8] =	vst v63  }
.LBB2_52:
0x288: {  	s0 =	sadd.s32 s3, s5  }
0x289: {  	s3 =	sshrl.u32 s0, $0x2  }
.LBB2_53:
0x28a: {  	s0 =	simm.s32 $0x7  }
0x28b: {  	_ =	swait.ge [sflag:s0], s3  }
0x28c: {  	s1 =	ssub.s32 $0x0, s3;
	[sflag:s0] =	ssyncset.done $0x0  }
0x28d: {  	[sflag:s0] =	ssyncadd.s32 s1  }
0x28e: {  	[sflag:s0] =	ssyncpa.u1 $0x1  }
.LBB2_54:
0x28f: {  	_ =	sfence;
	s0 =	simm.s32 $0x1  }
0x290: {  	[sflag:s0] =	ssyncpa.u1 $0x1  }
0x291: {  	_ =	strace $0x9000004D  }
0x292: {  	[bflag:$0x2] =	sbarrier.arrive $0xFFFF  }
0x293: {  	s0 =	rddreg [dreg:$0x4]  }
0x294: {  	s0 =	sadd.s32 @!p0 $0x100000, s0  }
0x295: {  	[sflag:s0] =	ssyncadd.tile.s32 @!p0 $0x1;
	_ =	shalt  }
.Lfunc_end2:
_tile_overlayer_lowered:
.L_overlay_start_2:
0x296: {  	(tag) =	ssettag $0x2  }
0x297: {  	s0 =	rddreg [dreg:$0x0];
	s2 =	stileid.u32  }
0x298: {  	s1 =	rddreg [dreg:$0x1];
	p0 =	sne.s32 s2, $0x0  }
0x299: {  	s3 =	rddreg [dreg:$0x2];
	[bflag:$0x3] =	sbarrier.arrive $0xFFFF;
	s2 =	simm.s32 @!p0 $0x1C01  }
0x29a: {  	[timem:s3], [sflag:s2] =	dma.local @!p0 [hbm:s0], s1  }
0x29b: {  	s0 =	simm.s32 @!p0 $0x1  }
0x29c: {  	_ =	swait.ge @!p0 [sflag:s0], s1  }
0x29d: {  	s1 =	ssub.s32 @!p0 $0x0, s1;
	[sflag:s0] =	ssyncset.done @!p0 $0x0  }
0x29e: {  	[sflag:s0] =	ssyncadd.s32 @!p0 s1  }
0x29f: {  	[bflag:$0x3] =	sbarrier.arrive $0xFFFF  }
0x2a0: {  	_ =	shalt  }

</sc_bundles>
